<compile_context>
chip_gen: v7x
topology: tpu7x:2x2x1
jax: 0.10.2.dev20260603
libtpu: 0.0.44.dev20260713+nightly
codegen_flags: <defaults>
</compile_context>

<pallas_src>
import jax
import jax.numpy as jnp
from jax import lax
from jax.experimental import pallas as pl
from jax.experimental.pallas import tpu as pltpu
from jax.experimental.pallas import tpu_sc as plsc

B = 16384
D = 16
NC = 2
NS = 16
NW = NC * NS
BPW = B // NW
L = 16
NG = BPW // L
BLK = 128


def _sc_body(bu_hbm, bp_hbm, bn_hbm, ut_hbm, it_hbm,
             outp_hbm, outn_hbm,
             vidx_u, vidx_p, vidx_n,
             blk_u, blk_i, blk_j,
             accp, accn, sem):
  wid = lax.axis_index("s") * NC + lax.axis_index("c")

  pltpu.sync_copy(bu_hbm.at[wid], vidx_u)
  pltpu.sync_copy(bp_hbm.at[wid], vidx_p)
  pltpu.sync_copy(bn_hbm.at[wid], vidx_n)

  lane = lax.iota(jnp.int32, L)

  def group(g, carry):
    row = g // 8
    col0 = (g % 8) * L
    vu = vidx_u[row, pl.ds(col0, L)]
    vp = vidx_p[row, pl.ds(col0, L)]
    vn = vidx_n[row, pl.ds(col0, L)]
    su = lax.shift_right_logical(vu, 7) * BLK
    sp = lax.shift_right_logical(vp, 7) * BLK
    sn = lax.shift_right_logical(vn, 7) * BLK
    copies = []
    for r in range(L):
      for starts, tbl, dst in ((su, ut_hbm, blk_u),
                               (sp, it_hbm, blk_i),
                               (sn, it_hbm, blk_j)):
        start = pl.multiple_of(starts[r], BLK)
        copies.append(pltpu.make_async_copy(
            tbl.at[:, pl.ds(start, BLK)], dst.at[r], sem))
    for cp in copies:
      cp.start()
    for cp in copies:
      cp.wait()

    ru = vu & (BLK - 1)
    rp = vp & (BLK - 1)
    rn = vn & (BLK - 1)
    ap = jnp.zeros((L,), jnp.float32)
    an = jnp.zeros((L,), jnp.float32)
    for c in range(D):
      cv = jnp.full((L,), c, jnp.int32)
      uu = plsc.load_gather(blk_u, [lane, cv, ru])
      ii = plsc.load_gather(blk_i, [lane, cv, rp])
      jj = plsc.load_gather(blk_j, [lane, cv, rn])
      ap = ap + uu * ii
      an = an + uu * jj
    base = pl.multiple_of(g * L, L)
    accp[pl.ds(base, L)] = ap
    accn[pl.ds(base, L)] = an
    return carry

  lax.fori_loop(0, NG, group, 0)

  out = pl.ds(wid * BPW, BPW)
  pltpu.sync_copy(accp, outp_hbm.at[out])
  pltpu.sync_copy(accn, outn_hbm.at[out])


@jax.jit
def kernel(batch_user, batch_pos_item, batch_neg_item, user_table, item_table):
  bu = batch_user.reshape(NW, 4, 128)
  bp = batch_pos_item.reshape(NW, 4, 128)
  bn = batch_neg_item.reshape(NW, 4, 128)
  ut = user_table.T
  it = item_table.T

  mesh = plsc.VectorSubcoreMesh(core_axis_name="c", subcore_axis_name="s",
                                num_cores=NC, num_subcores=NS)
  run = pl.kernel(
      _sc_body,
      out_type=(jax.ShapeDtypeStruct((B,), jnp.float32),
                jax.ShapeDtypeStruct((B,), jnp.float32)),
      mesh=mesh,
      scratch_types=[
          pltpu.VMEM((4, 128), jnp.int32),
          pltpu.VMEM((4, 128), jnp.int32),
          pltpu.VMEM((4, 128), jnp.int32),
          pltpu.VMEM((L, D, BLK), jnp.float32),
          pltpu.VMEM((L, D, BLK), jnp.float32),
          pltpu.VMEM((L, D, BLK), jnp.float32),
          pltpu.VMEM((BPW,), jnp.float32),
          pltpu.VMEM((BPW,), jnp.float32),
          pltpu.SemaphoreType.DMA,
      ],
      compiler_params=pltpu.CompilerParams(needs_layout_passes=False,
                                           disable_bounds_checks=True),
  )
  pos, neg = run(bu, bp, bn, ut, it)
  return (pos.reshape(B, 1), neg.reshape(B, 1))

# --- scband reference (transcript-rebuilt; emitter-appended) ---
"""Pipeline reference for scband-htd-14791867367547 (READ-ONLY COPY).

The authoritative reference and input builder live on the scoring server;
editing this copy changes nothing except your own understanding.
"""

import jax, jax.numpy as jnp
import numpy as np

USER_NUM = 1000000
ITEM_NUM = 1000000
DIM = 16
BATCH = 16384


def setup_inputs(seed: int = 0) -> dict:
    key = jax.random.key(seed)
    k1, k2, k3, k4, k5 = jax.random.split(key, 5)
    # Learned embedding tables (initialized N(0, 0.01) as in the torch module)
    user_table = jax.random.normal(k1, (USER_NUM, DIM), dtype=jnp.float32) * 0.01
    item_table = jax.random.normal(k2, (ITEM_NUM, DIM), dtype=jnp.float32) * 0.01
    batch_user = jax.random.randint(k3, (BATCH,), 0, USER_NUM, dtype=jnp.int32)
    batch_pos_item = jax.random.randint(k4, (BATCH,), 0, ITEM_NUM, dtype=jnp.int32)
    batch_neg_item = jax.random.randint(k5, (BATCH,), 0, ITEM_NUM, dtype=jnp.int32)
    return {
        "batch_user": batch_user,
        "batch_pos_item": batch_pos_item,
        "batch_neg_item": batch_neg_item,
        "user_table": user_table,
        "item_table": item_table,
    }


def reference(batch_user, batch_pos_item, batch_neg_item, user_table, item_table):
    # Embedding lookups (gather)
    u = jnp.take(user_table, batch_user, axis=0)
    i = jnp.take(item_table, batch_pos_item, axis=0)
    j = jnp.take(item_table, batch_neg_item, axis=0)
    # BPR-style dot-product scores
    pos_score = jnp.sum(u * i, axis=1, keepdims=True)
    neg_score = jnp.sum(u * j, axis=1, keepdims=True)
    return (pos_score, neg_score)

if __name__ == "__main__":
    import jax
    _d = setup_inputs()
    print(jax.jit(kernel)(*tuple(_d.values())))

</pallas_src>

<mosaic_0001>
#map = affine_map<(d0, d1) -> (0, 0, 0)>
#map1 = affine_map<(d0, d1) -> (0, 0)>
#map2 = affine_map<(d0, d1) -> (0)>
module attributes {stable_mosaic.version = 14 : i64} {
  func.func @_sc_body(%arg0: i32, %arg1: i32, %arg2: memref<32x4x128xi32, #tpu.memory_space<hbm>>, %arg3: memref<32x4x128xi32, #tpu.memory_space<hbm>>, %arg4: memref<32x4x128xi32, #tpu.memory_space<hbm>>, %arg5: memref<16x1000000xf32, #tpu.memory_space<hbm>>, %arg6: memref<16x1000000xf32, #tpu.memory_space<hbm>>, %arg7: memref<16384xf32, #tpu.memory_space<hbm>>, %arg8: memref<16384xf32, #tpu.memory_space<hbm>>, %arg9: memref<4x128xi32, #tpu.memory_space<vmem>>, %arg10: memref<4x128xi32, #tpu.memory_space<vmem>>, %arg11: memref<4x128xi32, #tpu.memory_space<vmem>>, %arg12: memref<16x16x128xf32, #tpu.memory_space<vmem>>, %arg13: memref<16x16x128xf32, #tpu.memory_space<vmem>>, %arg14: memref<16x16x128xf32, #tpu.memory_space<vmem>>, %arg15: memref<512xf32, #tpu.memory_space<vmem>>, %arg16: memref<512xf32, #tpu.memory_space<vmem>>, %arg17: memref<!tpu.dma_semaphore, #tpu.memory_space<semaphore_mem>>) attributes {dimension_semantics = [#tpu.dimension_semantics<core_parallel>, #tpu.dimension_semantics<subcore_parallel>], iteration_bounds = array<i64: 2, 16>, scalar_prefetch = 0 : i64, scratch_operands = 9 : i64, tpu.core_type = #tpu.core_type<sc_vector_subcore>, window_params = [{transform_indices = #map}, {transform_indices = #map}, {transform_indices = #map}, {transform_indices = #map1}, {transform_indices = #map1}, {transform_indices = #map2}, {transform_indices = #map2}]} {
    %mul3A = arith.constant 2 : i32
    %mul3A_0 = arith.muli %arg1, %mul3A : i32
    %add3A = arith.addi %mul3A_0, %arg0 : i32
    "tpu.region"() ({
      %run_scoped3A = tpu.sem_alloc : memref<!tpu.dma_semaphore, #tpu.memory_space<semaphore_mem>>
      %dma_start3A = arith.constant 0 : i32
      %dma_start3A_8 = arith.constant 0 : i32
      %dma_start3A_9 = tpu.memref_slice %arg2[%add3A, %dma_start3A, %dma_start3A_8] : memref<32x4x128xi32, #tpu.memory_space<hbm>> -> memref<1x4x128xi32, #tpu.memory_space<hbm>>
      %dma_start3A_10 = tpu.memref_squeeze %dma_start3A_9 : memref<1x4x128xi32, #tpu.memory_space<hbm>> -> memref<4x128xi32, #tpu.memory_space<hbm>>
      %dma_start3A_11 = arith.constant 0 : i32
      %dma_start3A_12 = arith.constant 0 : i32
      %dma_start3A_13 = tpu.memref_slice %arg2[%add3A, %dma_start3A_11, %dma_start3A_12] : memref<32x4x128xi32, #tpu.memory_space<hbm>> -> memref<1x4x128xi32, #tpu.memory_space<hbm>>
      %dma_start3A_14 = tpu.memref_squeeze %dma_start3A_13 : memref<1x4x128xi32, #tpu.memory_space<hbm>> -> memref<4x128xi32, #tpu.memory_space<hbm>>
      tpu.enqueue_dma source(%dma_start3A_14 : memref<4x128xi32, #tpu.memory_space<hbm>>) target(%arg9 : memref<4x128xi32, #tpu.memory_space<vmem>>) target_semaphore(%run_scoped3A : memref<!tpu.dma_semaphore, #tpu.memory_space<semaphore_mem>>)
      %dma_wait3A = arith.constant 0 : i32
      %dma_wait3A_15 = arith.constant 0 : i32
      %dma_wait3A_16 = tpu.memref_slice %arg2[%add3A, %dma_wait3A, %dma_wait3A_15] : memref<32x4x128xi32, #tpu.memory_space<hbm>> -> memref<1x4x128xi32, #tpu.memory_space<hbm>>
      %dma_wait3A_17 = tpu.memref_squeeze %dma_wait3A_16 : memref<1x4x128xi32, #tpu.memory_space<hbm>> -> memref<4x128xi32, #tpu.memory_space<hbm>>
      %dma_wait3A_18 = arith.constant 0 : i32
      %dma_wait3A_19 = arith.constant 0 : i32
      %dma_wait3A_20 = tpu.memref_slice %arg2[%add3A, %dma_wait3A_18, %dma_wait3A_19] : memref<32x4x128xi32, #tpu.memory_space<hbm>> -> memref<1x4x128xi32, #tpu.memory_space<hbm>>
      %dma_wait3A_21 = tpu.memref_squeeze %dma_wait3A_20 : memref<1x4x128xi32, #tpu.memory_space<hbm>> -> memref<4x128xi32, #tpu.memory_space<hbm>>
      tpu.wait_dma2 semaphore(%run_scoped3A : memref<!tpu.dma_semaphore, #tpu.memory_space<semaphore_mem>>) src(%dma_wait3A_21 : memref<4x128xi32, #tpu.memory_space<hbm>>) dst(%arg9 : memref<4x128xi32, #tpu.memory_space<vmem>>)
      tpu.yield
    }) : () -> ()
    "tpu.region"() ({
      %run_scoped3A = tpu.sem_alloc : memref<!tpu.dma_semaphore, #tpu.memory_space<semaphore_mem>>
      %dma_start3A = arith.constant 0 : i32
      %dma_start3A_8 = arith.constant 0 : i32
      %dma_start3A_9 = tpu.memref_slice %arg3[%add3A, %dma_start3A, %dma_start3A_8] : memref<32x4x128xi32, #tpu.memory_space<hbm>> -> memref<1x4x128xi32, #tpu.memory_space<hbm>>
      %dma_start3A_10 = tpu.memref_squeeze %dma_start3A_9 : memref<1x4x128xi32, #tpu.memory_space<hbm>> -> memref<4x128xi32, #tpu.memory_space<hbm>>
      %dma_start3A_11 = arith.constant 0 : i32
      %dma_start3A_12 = arith.constant 0 : i32
      %dma_start3A_13 = tpu.memref_slice %arg3[%add3A, %dma_start3A_11, %dma_start3A_12] : memref<32x4x128xi32, #tpu.memory_space<hbm>> -> memref<1x4x128xi32, #tpu.memory_space<hbm>>
      %dma_start3A_14 = tpu.memref_squeeze %dma_start3A_13 : memref<1x4x128xi32, #tpu.memory_space<hbm>> -> memref<4x128xi32, #tpu.memory_space<hbm>>
      tpu.enqueue_dma source(%dma_start3A_14 : memref<4x128xi32, #tpu.memory_space<hbm>>) target(%arg10 : memref<4x128xi32, #tpu.memory_space<vmem>>) target_semaphore(%run_scoped3A : memref<!tpu.dma_semaphore, #tpu.memory_space<semaphore_mem>>)
      %dma_wait3A = arith.constant 0 : i32
      %dma_wait3A_15 = arith.constant 0 : i32
      %dma_wait3A_16 = tpu.memref_slice %arg3[%add3A, %dma_wait3A, %dma_wait3A_15] : memref<32x4x128xi32, #tpu.memory_space<hbm>> -> memref<1x4x128xi32, #tpu.memory_space<hbm>>
      %dma_wait3A_17 = tpu.memref_squeeze %dma_wait3A_16 : memref<1x4x128xi32, #tpu.memory_space<hbm>> -> memref<4x128xi32, #tpu.memory_space<hbm>>
      %dma_wait3A_18 = arith.constant 0 : i32
      %dma_wait3A_19 = arith.constant 0 : i32
      %dma_wait3A_20 = tpu.memref_slice %arg3[%add3A, %dma_wait3A_18, %dma_wait3A_19] : memref<32x4x128xi32, #tpu.memory_space<hbm>> -> memref<1x4x128xi32, #tpu.memory_space<hbm>>
      %dma_wait3A_21 = tpu.memref_squeeze %dma_wait3A_20 : memref<1x4x128xi32, #tpu.memory_space<hbm>> -> memref<4x128xi32, #tpu.memory_space<hbm>>
      tpu.wait_dma2 semaphore(%run_scoped3A : memref<!tpu.dma_semaphore, #tpu.memory_space<semaphore_mem>>) src(%dma_wait3A_21 : memref<4x128xi32, #tpu.memory_space<hbm>>) dst(%arg10 : memref<4x128xi32, #tpu.memory_space<vmem>>)
      tpu.yield
    }) : () -> ()
    "tpu.region"() ({
      %run_scoped3A = tpu.sem_alloc : memref<!tpu.dma_semaphore, #tpu.memory_space<semaphore_mem>>
      %dma_start3A = arith.constant 0 : i32
      %dma_start3A_8 = arith.constant 0 : i32
      %dma_start3A_9 = tpu.memref_slice %arg4[%add3A, %dma_start3A, %dma_start3A_8] : memref<32x4x128xi32, #tpu.memory_space<hbm>> -> memref<1x4x128xi32, #tpu.memory_space<hbm>>
      %dma_start3A_10 = tpu.memref_squeeze %dma_start3A_9 : memref<1x4x128xi32, #tpu.memory_space<hbm>> -> memref<4x128xi32, #tpu.memory_space<hbm>>
      %dma_start3A_11 = arith.constant 0 : i32
      %dma_start3A_12 = arith.constant 0 : i32
      %dma_start3A_13 = tpu.memref_slice %arg4[%add3A, %dma_start3A_11, %dma_start3A_12] : memref<32x4x128xi32, #tpu.memory_space<hbm>> -> memref<1x4x128xi32, #tpu.memory_space<hbm>>
      %dma_start3A_14 = tpu.memref_squeeze %dma_start3A_13 : memref<1x4x128xi32, #tpu.memory_space<hbm>> -> memref<4x128xi32, #tpu.memory_space<hbm>>
      tpu.enqueue_dma source(%dma_start3A_14 : memref<4x128xi32, #tpu.memory_space<hbm>>) target(%arg11 : memref<4x128xi32, #tpu.memory_space<vmem>>) target_semaphore(%run_scoped3A : memref<!tpu.dma_semaphore, #tpu.memory_space<semaphore_mem>>)
      %dma_wait3A = arith.constant 0 : i32
      %dma_wait3A_15 = arith.constant 0 : i32
      %dma_wait3A_16 = tpu.memref_slice %arg4[%add3A, %dma_wait3A, %dma_wait3A_15] : memref<32x4x128xi32, #tpu.memory_space<hbm>> -> memref<1x4x128xi32, #tpu.memory_space<hbm>>
      %dma_wait3A_17 = tpu.memref_squeeze %dma_wait3A_16 : memref<1x4x128xi32, #tpu.memory_space<hbm>> -> memref<4x128xi32, #tpu.memory_space<hbm>>
      %dma_wait3A_18 = arith.constant 0 : i32
      %dma_wait3A_19 = arith.constant 0 : i32
      %dma_wait3A_20 = tpu.memref_slice %arg4[%add3A, %dma_wait3A_18, %dma_wait3A_19] : memref<32x4x128xi32, #tpu.memory_space<hbm>> -> memref<1x4x128xi32, #tpu.memory_space<hbm>>
      %dma_wait3A_21 = tpu.memref_squeeze %dma_wait3A_20 : memref<1x4x128xi32, #tpu.memory_space<hbm>> -> memref<4x128xi32, #tpu.memory_space<hbm>>
      tpu.wait_dma2 semaphore(%run_scoped3A : memref<!tpu.dma_semaphore, #tpu.memory_space<semaphore_mem>>) src(%dma_wait3A_21 : memref<4x128xi32, #tpu.memory_space<hbm>>) dst(%arg11 : memref<4x128xi32, #tpu.memory_space<vmem>>)
      tpu.yield
    }) : () -> ()
    %iota3A = tpu.iota {dimensions = array<i32: 0>} : vector<16xi32>
    %scan3A = arith.constant 0 : i32
    %scan3A_1 = arith.constant 0 : i32
    %scan3A_2 = arith.constant 32 : i32
    %scan3A_3 = arith.addi %scan3A_1, %scan3A_2 : i32
    %scan3A_4 = arith.constant 1 : i32
    scf.for %scan3A_8 = %scan3A_1 to %scan3A_3 step %scan3A_4  : i32 {
      %jit3A = arith.constant 8 : i32
      %div3A = arith.divsi %scan3A_8, %jit3A : i32
      %sign3A = arith.constant 0 : i32
      %sign3A_9 = arith.cmpi sgt, %scan3A_8, %sign3A : i32
      %sign3A_10 = arith.extui %sign3A_9 : i1 to i32
      %sign3A_11 = arith.constant 0 : i32
      %sign3A_12 = arith.cmpi slt, %scan3A_8, %sign3A_11 : i32
      %sign3A_13 = arith.extui %sign3A_12 : i1 to i32
      %sign3A_14 = arith.subi %sign3A_10, %sign3A_13 : i32
      %sign3A_15 = arith.constant 0 : i32
      %sign3A_16 = arith.cmpi sgt, %jit3A, %sign3A_15 : i32
      %sign3A_17 = arith.extui %sign3A_16 : i1 to i32
      %sign3A_18 = arith.constant 0 : i32
      %sign3A_19 = arith.cmpi slt, %jit3A, %sign3A_18 : i32
      %sign3A_20 = arith.extui %sign3A_19 : i1 to i32
      %sign3A_21 = arith.subi %sign3A_17, %sign3A_20 : i32
      %ne3A = arith.cmpi ne, %sign3A_14, %sign3A_21 : i32
      %rem3A = arith.remsi %scan3A_8, %jit3A : i32
      %ne3A_22 = arith.constant 0 : i32
      %ne3A_23 = arith.cmpi ne, %rem3A, %ne3A_22 : i32
      %and3A = arith.andi %ne3A, %ne3A_23 : i1
      %sub3A = arith.constant 1 : i32
      %sub3A_24 = arith.subi %div3A, %sub3A : i32
      %select_n3A = arith.select %and3A, %sub3A_24, %div3A : i32
      %jit3A_25 = arith.constant 8 : i32
      %eq3A = arith.constant 0 : i32
      %eq3A_26 = arith.cmpi eq, %jit3A_25, %eq3A : i32
      %jit3A_27 = arith.constant 1 : i32
      %select_n3A_28 = arith.select %eq3A_26, %jit3A_27, %jit3A_25 : i32
      %rem3A_29 = arith.remsi %scan3A_8, %select_n3A_28 : i32
      %ne3A_30 = arith.constant 0 : i32
      %ne3A_31 = arith.cmpi ne, %rem3A_29, %ne3A_30 : i32
      %lt3A = arith.constant 0 : i32
      %lt3A_32 = arith.cmpi slt, %rem3A_29, %lt3A : i32
      %lt3A_33 = arith.constant 0 : i32
      %lt3A_34 = arith.cmpi slt, %select_n3A_28, %lt3A_33 : i32
      %ne3A_35 = arith.xori %lt3A_32, %lt3A_34 : i1
      %and3A_36 = arith.andi %ne3A_35, %ne3A_31 : i1
      %add3A_37 = arith.addi %rem3A_29, %select_n3A_28 : i32
      %select_n3A_38 = arith.select %and3A_36, %add3A_37, %rem3A_29 : i32
      %mul3A_39 = arith.constant 16 : i32
      %mul3A_40 = arith.muli %select_n3A_38, %mul3A_39 : i32
      %get3A = arith.index_cast %select_n3A : i32 to index
      %get3A_41 = arith.index_cast %mul3A_40 : i32 to index
      %get3A_42 = tpu.vector_load %arg9[%get3A, %get3A_41] {strides = array<i32>} : memref<4x128xi32, #tpu.memory_space<vmem>>, vector<16xi32>,
      %get3A_43 = arith.index_cast %select_n3A : i32 to index
      %get3A_44 = arith.index_cast %mul3A_40 : i32 to index
      %get3A_45 = tpu.vector_load %arg10[%get3A_43, %get3A_44] {strides = array<i32>} : memref<4x128xi32, #tpu.memory_space<vmem>>, vector<16xi32>,
      %get3A_46 = arith.index_cast %select_n3A : i32 to index
      %get3A_47 = arith.index_cast %mul3A_40 : i32 to index
      %get3A_48 = tpu.vector_load %arg11[%get3A_46, %get3A_47] {strides = array<i32>} : memref<4x128xi32, #tpu.memory_space<vmem>>, vector<16xi32>,
      %shift_right_logical3A = arith.constant 7 : i32
      %shift_right_logical3A_49 = vector.broadcast %shift_right_logical3A : i32 to vector<16xi32>
      %shift_right_logical3A_50 = arith.shrui %get3A_42, %shift_right_logical3A_49 : vector<16xi32>
      %mul3A_51 = arith.constant 128 : i32
      %mul3A_52 = vector.broadcast %mul3A_51 : i32 to vector<16xi32>
      %mul3A_53 = arith.muli %shift_right_logical3A_50, %mul3A_52 : vector<16xi32>
      %shift_right_logical3A_54 = arith.constant 7 : i32
      %shift_right_logical3A_55 = vector.broadcast %shift_right_logical3A_54 : i32 to vector<16xi32>
      %shift_right_logical3A_56 = arith.shrui %get3A_45, %shift_right_logical3A_55 : vector<16xi32>
      %mul3A_57 = arith.constant 128 : i32
      %mul3A_58 = vector.broadcast %mul3A_57 : i32 to vector<16xi32>
      %mul3A_59 = arith.muli %shift_right_logical3A_56, %mul3A_58 : vector<16xi32>
      %shift_right_logical3A_60 = arith.constant 7 : i32
      %shift_right_logical3A_61 = vector.broadcast %shift_right_logical3A_60 : i32 to vector<16xi32>
      %shift_right_logical3A_62 = arith.shrui %get3A_48, %shift_right_logical3A_61 : vector<16xi32>
      %mul3A_63 = arith.constant 128 : i32
      %mul3A_64 = vector.broadcast %mul3A_63 : i32 to vector<16xi32>
      %mul3A_65 = arith.muli %shift_right_logical3A_62, %mul3A_64 : vector<16xi32>
      %slice3A = vector.extract_strided_slice %mul3A_53 {offsets = [0], sizes = [1], strides = [1]} : vector<16xi32> to vector<1xi32>
      %squeeze3A = vector.extract %slice3A[0] : i32 from vector<1xi32>
      %multiple_of3A = tpu.assume_multiple %squeeze3A, 128 : i32
      %slice3A_66 = vector.extract_strided_slice %mul3A_59 {offsets = [0], sizes = [1], strides = [1]} : vector<16xi32> to vector<1xi32>
      %squeeze3A_67 = vector.extract %slice3A_66[0] : i32 from vector<1xi32>
      %multiple_of3A_68 = tpu.assume_multiple %squeeze3A_67, 128 : i32
      %slice3A_69 = vector.extract_strided_slice %mul3A_65 {offsets = [0], sizes = [1], strides = [1]} : vector<16xi32> to vector<1xi32>
      %squeeze3A_70 = vector.extract %slice3A_69[0] : i32 from vector<1xi32>
      %multiple_of3A_71 = tpu.assume_multiple %squeeze3A_70, 128 : i32
      %slice3A_72 = vector.extract_strided_slice %mul3A_53 {offsets = [1], sizes = [1], strides = [1]} : vector<16xi32> to vector<1xi32>
      %squeeze3A_73 = vector.extract %slice3A_72[0] : i32 from vector<1xi32>
      %multiple_of3A_74 = tpu.assume_multiple %squeeze3A_73, 128 : i32
      %slice3A_75 = vector.extract_strided_slice %mul3A_59 {offsets = [1], sizes = [1], strides = [1]} : vector<16xi32> to vector<1xi32>
      %squeeze3A_76 = vector.extract %slice3A_75[0] : i32 from vector<1xi32>
      %multiple_of3A_77 = tpu.assume_multiple %squeeze3A_76, 128 : i32
      %slice3A_78 = vector.extract_strided_slice %mul3A_65 {offsets = [1], sizes = [1], strides = [1]} : vector<16xi32> to vector<1xi32>
      %squeeze3A_79 = vector.extract %slice3A_78[0] : i32 from vector<1xi32>
      %multiple_of3A_80 = tpu.assume_multiple %squeeze3A_79, 128 : i32
      %slice3A_81 = vector.extract_strided_slice %mul3A_53 {offsets = [2], sizes = [1], strides = [1]} : vector<16xi32> to vector<1xi32>
      %squeeze3A_82 = vector.extract %slice3A_81[0] : i32 from vector<1xi32>
      %multiple_of3A_83 = tpu.assume_multiple %squeeze3A_82, 128 : i32
      %slice3A_84 = vector.extract_strided_slice %mul3A_59 {offsets = [2], sizes = [1], strides = [1]} : vector<16xi32> to vector<1xi32>
      %squeeze3A_85 = vector.extract %slice3A_84[0] : i32 from vector<1xi32>
      %multiple_of3A_86 = tpu.assume_multiple %squeeze3A_85, 128 : i32
      %slice3A_87 = vector.extract_strided_slice %mul3A_65 {offsets = [2], sizes = [1], strides = [1]} : vector<16xi32> to vector<1xi32>
      %squeeze3A_88 = vector.extract %slice3A_87[0] : i32 from vector<1xi32>
      %multiple_of3A_89 = tpu.assume_multiple %squeeze3A_88, 128 : i32
      %slice3A_90 = vector.extract_strided_slice %mul3A_53 {offsets = [3], sizes = [1], strides = [1]} : vector<16xi32> to vector<1xi32>
      %squeeze3A_91 = vector.extract %slice3A_90[0] : i32 from vector<1xi32>
      %multiple_of3A_92 = tpu.assume_multiple %squeeze3A_91, 128 : i32
      %slice3A_93 = vector.extract_strided_slice %mul3A_59 {offsets = [3], sizes = [1], strides = [1]} : vector<16xi32> to vector<1xi32>
      %squeeze3A_94 = vector.extract %slice3A_93[0] : i32 from vector<1xi32>
      %multiple_of3A_95 = tpu.assume_multiple %squeeze3A_94, 128 : i32
      %slice3A_96 = vector.extract_strided_slice %mul3A_65 {offsets = [3], sizes = [1], strides = [1]} : vector<16xi32> to vector<1xi32>
      %squeeze3A_97 = vector.extract %slice3A_96[0] : i32 from vector<1xi32>
      %multiple_of3A_98 = tpu.assume_multiple %squeeze3A_97, 128 : i32
      %slice3A_99 = vector.extract_strided_slice %mul3A_53 {offsets = [4], sizes = [1], strides = [1]} : vector<16xi32> to vector<1xi32>
      %squeeze3A_100 = vector.extract %slice3A_99[0] : i32 from vector<1xi32>
      %multiple_of3A_101 = tpu.assume_multiple %squeeze3A_100, 128 : i32
      %slice3A_102 = vector.extract_strided_slice %mul3A_59 {offsets = [4], sizes = [1], strides = [1]} : vector<16xi32> to vector<1xi32>
      %squeeze3A_103 = vector.extract %slice3A_102[0] : i32 from vector<1xi32>
      %multiple_of3A_104 = tpu.assume_multiple %squeeze3A_103, 128 : i32
      %slice3A_105 = vector.extract_strided_slice %mul3A_65 {offsets = [4], sizes = [1], strides = [1]} : vector<16xi32> to vector<1xi32>
      %squeeze3A_106 = vector.extract %slice3A_105[0] : i32 from vector<1xi32>
      %multiple_of3A_107 = tpu.assume_multiple %squeeze3A_106, 128 : i32
      %slice3A_108 = vector.extract_strided_slice %mul3A_53 {offsets = [5], sizes = [1], strides = [1]} : vector<16xi32> to vector<1xi32>
      %squeeze3A_109 = vector.extract %slice3A_108[0] : i32 from vector<1xi32>
      %multiple_of3A_110 = tpu.assume_multiple %squeeze3A_109, 128 : i32
      %slice3A_111 = vector.extract_strided_slice %mul3A_59 {offsets = [5], sizes = [1], strides = [1]} : vector<16xi32> to vector<1xi32>
      %squeeze3A_112 = vector.extract %slice3A_111[0] : i32 from vector<1xi32>
      %multiple_of3A_113 = tpu.assume_multiple %squeeze3A_112, 128 : i32
      %slice3A_114 = vector.extract_strided_slice %mul3A_65 {offsets = [5], sizes = [1], strides = [1]} : vector<16xi32> to vector<1xi32>
      %squeeze3A_115 = vector.extract %slice3A_114[0] : i32 from vector<1xi32>
      %multiple_of3A_116 = tpu.assume_multiple %squeeze3A_115, 128 : i32
      %slice3A_117 = vector.extract_strided_slice %mul3A_53 {offsets = [6], sizes = [1], strides = [1]} : vector<16xi32> to vector<1xi32>
      %squeeze3A_118 = vector.extract %slice3A_117[0] : i32 from vector<1xi32>
      %multiple_of3A_119 = tpu.assume_multiple %squeeze3A_118, 128 : i32
      %slice3A_120 = vector.extract_strided_slice %mul3A_59 {offsets = [6], sizes = [1], strides = [1]} : vector<16xi32> to vector<1xi32>
      %squeeze3A_121 = vector.extract %slice3A_120[0] : i32 from vector<1xi32>
      %multiple_of3A_122 = tpu.assume_multiple %squeeze3A_121, 128 : i32
      %slice3A_123 = vector.extract_strided_slice %mul3A_65 {offsets = [6], sizes = [1], strides = [1]} : vector<16xi32> to vector<1xi32>
      %squeeze3A_124 = vector.extract %slice3A_123[0] : i32 from vector<1xi32>
      %multiple_of3A_125 = tpu.assume_multiple %squeeze3A_124, 128 : i32
      %slice3A_126 = vector.extract_strided_slice %mul3A_53 {offsets = [7], sizes = [1], strides = [1]} : vector<16xi32> to vector<1xi32>
      %squeeze3A_127 = vector.extract %slice3A_126[0] : i32 from vector<1xi32>
      %multiple_of3A_128 = tpu.assume_multiple %squeeze3A_127, 128 : i32
      %slice3A_129 = vector.extract_strided_slice %mul3A_59 {offsets = [7], sizes = [1], strides = [1]} : vector<16xi32> to vector<1xi32>
      %squeeze3A_130 = vector.extract %slice3A_129[0] : i32 from vector<1xi32>
      %multiple_of3A_131 = tpu.assume_multiple %squeeze3A_130, 128 : i32
      %slice3A_132 = vector.extract_strided_slice %mul3A_65 {offsets = [7], sizes = [1], strides = [1]} : vector<16xi32> to vector<1xi32>
      %squeeze3A_133 = vector.extract %slice3A_132[0] : i32 from vector<1xi32>
      %multiple_of3A_134 = tpu.assume_multiple %squeeze3A_133, 128 : i32
      %slice3A_135 = vector.extract_strided_slice %mul3A_53 {offsets = [8], sizes = [1], strides = [1]} : vector<16xi32> to vector<1xi32>
      %squeeze3A_136 = vector.extract %slice3A_135[0] : i32 from vector<1xi32>
      %multiple_of3A_137 = tpu.assume_multiple %squeeze3A_136, 128 : i32
      %slice3A_138 = vector.extract_strided_slice %mul3A_59 {offsets = [8], sizes = [1], strides = [1]} : vector<16xi32> to vector<1xi32>
      %squeeze3A_139 = vector.extract %slice3A_138[0] : i32 from vector<1xi32>
      %multiple_of3A_140 = tpu.assume_multiple %squeeze3A_139, 128 : i32
      %slice3A_141 = vector.extract_strided_slice %mul3A_65 {offsets = [8], sizes = [1], strides = [1]} : vector<16xi32> to vector<1xi32>
      %squeeze3A_142 = vector.extract %slice3A_141[0] : i32 from vector<1xi32>
      %multiple_of3A_143 = tpu.assume_multiple %squeeze3A_142, 128 : i32
      %slice3A_144 = vector.extract_strided_slice %mul3A_53 {offsets = [9], sizes = [1], strides = [1]} : vector<16xi32> to vector<1xi32>
      %squeeze3A_145 = vector.extract %slice3A_144[0] : i32 from vector<1xi32>
      %multiple_of3A_146 = tpu.assume_multiple %squeeze3A_145, 128 : i32
      %slice3A_147 = vector.extract_strided_slice %mul3A_59 {offsets = [9], sizes = [1], strides = [1]} : vector<16xi32> to vector<1xi32>
      %squeeze3A_148 = vector.extract %slice3A_147[0] : i32 from vector<1xi32>
      %multiple_of3A_149 = tpu.assume_multiple %squeeze3A_148, 128 : i32
      %slice3A_150 = vector.extract_strided_slice %mul3A_65 {offsets = [9], sizes = [1], strides = [1]} : vector<16xi32> to vector<1xi32>
      %squeeze3A_151 = vector.extract %slice3A_150[0] : i32 from vector<1xi32>
      %multiple_of3A_152 = tpu.assume_multiple %squeeze3A_151, 128 : i32
      %slice3A_153 = vector.extract_strided_slice %mul3A_53 {offsets = [10], sizes = [1], strides = [1]} : vector<16xi32> to vector<1xi32>
      %squeeze3A_154 = vector.extract %slice3A_153[0] : i32 from vector<1xi32>
      %multiple_of3A_155 = tpu.assume_multiple %squeeze3A_154, 128 : i32
      %slice3A_156 = vector.extract_strided_slice %mul3A_59 {offsets = [10], sizes = [1], strides = [1]} : vector<16xi32> to vector<1xi32>
      %squeeze3A_157 = vector.extract %slice3A_156[0] : i32 from vector<1xi32>
      %multiple_of3A_158 = tpu.assume_multiple %squeeze3A_157, 128 : i32
      %slice3A_159 = vector.extract_strided_slice %mul3A_65 {offsets = [10], sizes = [1], strides = [1]} : vector<16xi32> to vector<1xi32>
      %squeeze3A_160 = vector.extract %slice3A_159[0] : i32 from vector<1xi32>
      %multiple_of3A_161 = tpu.assume_multiple %squeeze3A_160, 128 : i32
      %slice3A_162 = vector.extract_strided_slice %mul3A_53 {offsets = [11], sizes = [1], strides = [1]} : vector<16xi32> to vector<1xi32>
      %squeeze3A_163 = vector.extract %slice3A_162[0] : i32 from vector<1xi32>
      %multiple_of3A_164 = tpu.assume_multiple %squeeze3A_163, 128 : i32
      %slice3A_165 = vector.extract_strided_slice %mul3A_59 {offsets = [11], sizes = [1], strides = [1]} : vector<16xi32> to vector<1xi32>
      %squeeze3A_166 = vector.extract %slice3A_165[0] : i32 from vector<1xi32>
      %multiple_of3A_167 = tpu.assume_multiple %squeeze3A_166, 128 : i32
      %slice3A_168 = vector.extract_strided_slice %mul3A_65 {offsets = [11], sizes = [1], strides = [1]} : vector<16xi32> to vector<1xi32>
      %squeeze3A_169 = vector.extract %slice3A_168[0] : i32 from vector<1xi32>
      %multiple_of3A_170 = tpu.assume_multiple %squeeze3A_169, 128 : i32
      %slice3A_171 = vector.extract_strided_slice %mul3A_53 {offsets = [12], sizes = [1], strides = [1]} : vector<16xi32> to vector<1xi32>
      %squeeze3A_172 = vector.extract %slice3A_171[0] : i32 from vector<1xi32>
      %multiple_of3A_173 = tpu.assume_multiple %squeeze3A_172, 128 : i32
      %slice3A_174 = vector.extract_strided_slice %mul3A_59 {offsets = [12], sizes = [1], strides = [1]} : vector<16xi32> to vector<1xi32>
      %squeeze3A_175 = vector.extract %slice3A_174[0] : i32 from vector<1xi32>
      %multiple_of3A_176 = tpu.assume_multiple %squeeze3A_175, 128 : i32
      %slice3A_177 = vector.extract_strided_slice %mul3A_65 {offsets = [12], sizes = [1], strides = [1]} : vector<16xi32> to vector<1xi32>
      %squeeze3A_178 = vector.extract %slice3A_177[0] : i32 from vector<1xi32>
      %multiple_of3A_179 = tpu.assume_multiple %squeeze3A_178, 128 : i32
      %slice3A_180 = vector.extract_strided_slice %mul3A_53 {offsets = [13], sizes = [1], strides = [1]} : vector<16xi32> to vector<1xi32>
      %squeeze3A_181 = vector.extract %slice3A_180[0] : i32 from vector<1xi32>
      %multiple_of3A_182 = tpu.assume_multiple %squeeze3A_181, 128 : i32
      %slice3A_183 = vector.extract_strided_slice %mul3A_59 {offsets = [13], sizes = [1], strides = [1]} : vector<16xi32> to vector<1xi32>
      %squeeze3A_184 = vector.extract %slice3A_183[0] : i32 from vector<1xi32>
      %multiple_of3A_185 = tpu.assume_multiple %squeeze3A_184, 128 : i32
      %slice3A_186 = vector.extract_strided_slice %mul3A_65 {offsets = [13], sizes = [1], strides = [1]} : vector<16xi32> to vector<1xi32>
      %squeeze3A_187 = vector.extract %slice3A_186[0] : i32 from vector<1xi32>
      %multiple_of3A_188 = tpu.assume_multiple %squeeze3A_187, 128 : i32
      %slice3A_189 = vector.extract_strided_slice %mul3A_53 {offsets = [14], sizes = [1], strides = [1]} : vector<16xi32> to vector<1xi32>
      %squeeze3A_190 = vector.extract %slice3A_189[0] : i32 from vector<1xi32>
      %multiple_of3A_191 = tpu.assume_multiple %squeeze3A_190, 128 : i32
      %slice3A_192 = vector.extract_strided_slice %mul3A_59 {offsets = [14], sizes = [1], strides = [1]} : vector<16xi32> to vector<1xi32>
      %squeeze3A_193 = vector.extract %slice3A_192[0] : i32 from vector<1xi32>
      %multiple_of3A_194 = tpu.assume_multiple %squeeze3A_193, 128 : i32
      %slice3A_195 = vector.extract_strided_slice %mul3A_65 {offsets = [14], sizes = [1], strides = [1]} : vector<16xi32> to vector<1xi32>
      %squeeze3A_196 = vector.extract %slice3A_195[0] : i32 from vector<1xi32>
      %multiple_of3A_197 = tpu.assume_multiple %squeeze3A_196, 128 : i32
      %slice3A_198 = vector.extract_strided_slice %mul3A_53 {offsets = [15], sizes = [1], strides = [1]} : vector<16xi32> to vector<1xi32>
      %squeeze3A_199 = vector.extract %slice3A_198[0] : i32 from vector<1xi32>
      %multiple_of3A_200 = tpu.assume_multiple %squeeze3A_199, 128 : i32
      %slice3A_201 = vector.extract_strided_slice %mul3A_59 {offsets = [15], sizes = [1], strides = [1]} : vector<16xi32> to vector<1xi32>
      %squeeze3A_202 = vector.extract %slice3A_201[0] : i32 from vector<1xi32>
      %multiple_of3A_203 = tpu.assume_multiple %squeeze3A_202, 128 : i32
      %slice3A_204 = vector.extract_strided_slice %mul3A_65 {offsets = [15], sizes = [1], strides = [1]} : vector<16xi32> to vector<1xi32>
      %squeeze3A_205 = vector.extract %slice3A_204[0] : i32 from vector<1xi32>
      %multiple_of3A_206 = tpu.assume_multiple %squeeze3A_205, 128 : i32
      %dma_start3A = arith.constant 0 : i32
      %dma_start3A_207 = arith.constant 0 : i32
      %dma_start3A_208 = arith.constant 0 : i32
      %dma_start3A_209 = tpu.memref_slice %arg12[%dma_start3A, %dma_start3A_207, %dma_start3A_208] : memref<16x16x128xf32, #tpu.memory_space<vmem>> -> memref<1x16x128xf32, #tpu.memory_space<vmem>>
      %dma_start3A_210 = tpu.memref_squeeze %dma_start3A_209 : memref<1x16x128xf32, #tpu.memory_space<vmem>> -> memref<16x128xf32, #tpu.memory_space<vmem>>
      %dma_start3A_211 = arith.constant 0 : i32
      %dma_start3A_212 = tpu.memref_slice %arg5[%dma_start3A_211, %multiple_of3A] : memref<16x1000000xf32, #tpu.memory_space<hbm>> -> memref<16x128xf32, #tpu.memory_space<hbm>>
      %dma_start3A_213 = arith.constant 0 : i32
      %dma_start3A_214 = arith.constant 0 : i32
      %dma_start3A_215 = tpu.memref_slice %arg12[%dma_start3A, %dma_start3A_213, %dma_start3A_214] : memref<16x16x128xf32, #tpu.memory_space<vmem>> -> memref<1x16x128xf32, #tpu.memory_space<vmem>>
      %dma_start3A_216 = tpu.memref_squeeze %dma_start3A_215 : memref<1x16x128xf32, #tpu.memory_space<vmem>> -> memref<16x128xf32, #tpu.memory_space<vmem>>
      %dma_start3A_217 = arith.constant 0 : i32
      %dma_start3A_218 = tpu.memref_slice %arg5[%dma_start3A_217, %multiple_of3A] : memref<16x1000000xf32, #tpu.memory_space<hbm>> -> memref<16x128xf32, #tpu.memory_space<hbm>>
      tpu.enqueue_dma source(%dma_start3A_218 : memref<16x128xf32, #tpu.memory_space<hbm>>) target(%dma_start3A_216 : memref<16x128xf32, #tpu.memory_space<vmem>>) target_semaphore(%arg17 : memref<!tpu.dma_semaphore, #tpu.memory_space<semaphore_mem>>)
      %dma_start3A_219 = arith.constant 0 : i32
      %dma_start3A_220 = arith.constant 0 : i32
      %dma_start3A_221 = arith.constant 0 : i32
      %dma_start3A_222 = tpu.memref_slice %arg13[%dma_start3A_219, %dma_start3A_220, %dma_start3A_221] : memref<16x16x128xf32, #tpu.memory_space<vmem>> -> memref<1x16x128xf32, #tpu.memory_space<vmem>>
      %dma_start3A_223 = tpu.memref_squeeze %dma_start3A_222 : memref<1x16x128xf32, #tpu.memory_space<vmem>> -> memref<16x128xf32, #tpu.memory_space<vmem>>
      %dma_start3A_224 = arith.constant 0 : i32
      %dma_start3A_225 = tpu.memref_slice %arg6[%dma_start3A_224, %multiple_of3A_68] : memref<16x1000000xf32, #tpu.memory_space<hbm>> -> memref<16x128xf32, #tpu.memory_space<hbm>>
      %dma_start3A_226 = arith.constant 0 : i32
      %dma_start3A_227 = arith.constant 0 : i32
      %dma_start3A_228 = tpu.memref_slice %arg13[%dma_start3A_219, %dma_start3A_226, %dma_start3A_227] : memref<16x16x128xf32, #tpu.memory_space<vmem>> -> memref<1x16x128xf32, #tpu.memory_space<vmem>>
      %dma_start3A_229 = tpu.memref_squeeze %dma_start3A_228 : memref<1x16x128xf32, #tpu.memory_space<vmem>> -> memref<16x128xf32, #tpu.memory_space<vmem>>
      %dma_start3A_230 = arith.constant 0 : i32
      %dma_start3A_231 = tpu.memref_slice %arg6[%dma_start3A_230, %multiple_of3A_68] : memref<16x1000000xf32, #tpu.memory_space<hbm>> -> memref<16x128xf32, #tpu.memory_space<hbm>>
      tpu.enqueue_dma source(%dma_start3A_231 : memref<16x128xf32, #tpu.memory_space<hbm>>) target(%dma_start3A_229 : memref<16x128xf32, #tpu.memory_space<vmem>>) target_semaphore(%arg17 : memref<!tpu.dma_semaphore, #tpu.memory_space<semaphore_mem>>)
      %dma_start3A_232 = arith.constant 0 : i32
      %dma_start3A_233 = arith.constant 0 : i32
      %dma_start3A_234 = arith.constant 0 : i32
      %dma_start3A_235 = tpu.memref_slice %arg14[%dma_start3A_232, %dma_start3A_233, %dma_start3A_234] : memref<16x16x128xf32, #tpu.memory_space<vmem>> -> memref<1x16x128xf32, #tpu.memory_space<vmem>>
      %dma_start3A_236 = tpu.memref_squeeze %dma_start3A_235 : memref<1x16x128xf32, #tpu.memory_space<vmem>> -> memref<16x128xf32, #tpu.memory_space<vmem>>
      %dma_start3A_237 = arith.constant 0 : i32
      %dma_start3A_238 = tpu.memref_slice %arg6[%dma_start3A_237, %multiple_of3A_71] : memref<16x1000000xf32, #tpu.memory_space<hbm>> -> memref<16x128xf32, #tpu.memory_space<hbm>>
      %dma_start3A_239 = arith.constant 0 : i32
      %dma_start3A_240 = arith.constant 0 : i32
      %dma_start3A_241 = tpu.memref_slice %arg14[%dma_start3A_232, %dma_start3A_239, %dma_start3A_240] : memref<16x16x128xf32, #tpu.memory_space<vmem>> -> memref<1x16x128xf32, #tpu.memory_space<vmem>>
      %dma_start3A_242 = tpu.memref_squeeze %dma_start3A_241 : memref<1x16x128xf32, #tpu.memory_space<vmem>> -> memref<16x128xf32, #tpu.memory_space<vmem>>
      %dma_start3A_243 = arith.constant 0 : i32
      %dma_start3A_244 = tpu.memref_slice %arg6[%dma_start3A_243, %multiple_of3A_71] : memref<16x1000000xf32, #tpu.memory_space<hbm>> -> memref<16x128xf32, #tpu.memory_space<hbm>>
      tpu.enqueue_dma source(%dma_start3A_244 : memref<16x128xf32, #tpu.memory_space<hbm>>) target(%dma_start3A_242 : memref<16x128xf32, #tpu.memory_space<vmem>>) target_semaphore(%arg17 : memref<!tpu.dma_semaphore, #tpu.memory_space<semaphore_mem>>)
      %dma_start3A_245 = arith.constant 1 : i32
      %dma_start3A_246 = arith.constant 0 : i32
      %dma_start3A_247 = arith.constant 0 : i32
      %dma_start3A_248 = tpu.memref_slice %arg12[%dma_start3A_245, %dma_start3A_246, %dma_start3A_247] : memref<16x16x128xf32, #tpu.memory_space<vmem>> -> memref<1x16x128xf32, #tpu.memory_space<vmem>>
      %dma_start3A_249 = tpu.memref_squeeze %dma_start3A_248 : memref<1x16x128xf32, #tpu.memory_space<vmem>> -> memref<16x128xf32, #tpu.memory_space<vmem>>
      %dma_start3A_250 = arith.constant 0 : i32
      %dma_start3A_251 = tpu.memref_slice %arg5[%dma_start3A_250, %multiple_of3A_74] : memref<16x1000000xf32, #tpu.memory_space<hbm>> -> memref<16x128xf32, #tpu.memory_space<hbm>>
      %dma_start3A_252 = arith.constant 0 : i32
      %dma_start3A_253 = arith.constant 0 : i32
      %dma_start3A_254 = tpu.memref_slice %arg12[%dma_start3A_245, %dma_start3A_252, %dma_start3A_253] : memref<16x16x128xf32, #tpu.memory_space<vmem>> -> memref<1x16x128xf32, #tpu.memory_space<vmem>>
      %dma_start3A_255 = tpu.memref_squeeze %dma_start3A_254 : memref<1x16x128xf32, #tpu.memory_space<vmem>> -> memref<16x128xf32, #tpu.memory_space<vmem>>
      %dma_start3A_256 = arith.constant 0 : i32
      %dma_start3A_257 = tpu.memref_slice %arg5[%dma_start3A_256, %multiple_of3A_74] : memref<16x1000000xf32, #tpu.memory_space<hbm>> -> memref<16x128xf32, #tpu.memory_space<hbm>>
      tpu.enqueue_dma source(%dma_start3A_257 : memref<16x128xf32, #tpu.memory_space<hbm>>) target(%dma_start3A_255 : memref<16x128xf32, #tpu.memory_space<vmem>>) target_semaphore(%arg17 : memref<!tpu.dma_semaphore, #tpu.memory_space<semaphore_mem>>)
      %dma_start3A_258 = arith.constant 1 : i32
      %dma_start3A_259 = arith.constant 0 : i32
      %dma_start3A_260 = arith.constant 0 : i32
      %dma_start3A_261 = tpu.memref_slice %arg13[%dma_start3A_258, %dma_start3A_259, %dma_start3A_260] : memref<16x16x128xf32, #tpu.memory_space<vmem>> -> memref<1x16x128xf32, #tpu.memory_space<vmem>>
      %dma_start3A_262 = tpu.memref_squeeze %dma_start3A_261 : memref<1x16x128xf32, #tpu.memory_space<vmem>> -> memref<16x128xf32, #tpu.memory_space<vmem>>
      %dma_start3A_263 = arith.constant 0 : i32
      %dma_start3A_264 = tpu.memref_slice %arg6[%dma_start3A_263, %multiple_of3A_77] : memref<16x1000000xf32, #tpu.memory_space<hbm>> -> memref<16x128xf32, #tpu.memory_space<hbm>>
      %dma_start3A_265 = arith.constant 0 : i32
      %dma_start3A_266 = arith.constant 0 : i32
      %dma_start3A_267 = tpu.memref_slice %arg13[%dma_start3A_258, %dma_start3A_265, %dma_start3A_266] : memref<16x16x128xf32, #tpu.memory_space<vmem>> -> memref<1x16x128xf32, #tpu.memory_space<vmem>>
      %dma_start3A_268 = tpu.memref_squeeze %dma_start3A_267 : memref<1x16x128xf32, #tpu.memory_space<vmem>> -> memref<16x128xf32, #tpu.memory_space<vmem>>
      %dma_start3A_269 = arith.constant 0 : i32
      %dma_start3A_270 = tpu.memref_slice %arg6[%dma_start3A_269, %multiple_of3A_77] : memref<16x1000000xf32, #tpu.memory_space<hbm>> -> memref<16x128xf32, #tpu.memory_space<hbm>>
      tpu.enqueue_dma source(%dma_start3A_270 : memref<16x128xf32, #tpu.memory_space<hbm>>) target(%dma_start3A_268 : memref<16x128xf32, #tpu.memory_space<vmem>>) target_semaphore(%arg17 : memref<!tpu.dma_semaphore, #tpu.memory_space<semaphore_mem>>)
      %dma_start3A_271 = arith.constant 1 : i32
      %dma_start3A_272 = arith.constant 0 : i32
      %dma_start3A_273 = arith.constant 0 : i32
      %dma_start3A_274 = tpu.memref_slice %arg14[%dma_start3A_271, %dma_start3A_272, %dma_start3A_273] : memref<16x16x128xf32, #tpu.memory_space<vmem>> -> memref<1x16x128xf32, #tpu.memory_space<vmem>>
      %dma_start3A_275 = tpu.memref_squeeze %dma_start3A_274 : memref<1x16x128xf32, #tpu.memory_space<vmem>> -> memref<16x128xf32, #tpu.memory_space<vmem>>
      %dma_start3A_276 = arith.constant 0 : i32
      %dma_start3A_277 = tpu.memref_slice %arg6[%dma_start3A_276, %multiple_of3A_80] : memref<16x1000000xf32, #tpu.memory_space<hbm>> -> memref<16x128xf32, #tpu.memory_space<hbm>>
      %dma_start3A_278 = arith.constant 0 : i32
      %dma_start3A_279 = arith.constant 0 : i32
      %dma_start3A_280 = tpu.memref_slice %arg14[%dma_start3A_271, %dma_start3A_278, %dma_start3A_279] : memref<16x16x128xf32, #tpu.memory_space<vmem>> -> memref<1x16x128xf32, #tpu.memory_space<vmem>>
      %dma_start3A_281 = tpu.memref_squeeze %dma_start3A_280 : memref<1x16x128xf32, #tpu.memory_space<vmem>> -> memref<16x128xf32, #tpu.memory_space<vmem>>
      %dma_start3A_282 = arith.constant 0 : i32
      %dma_start3A_283 = tpu.memref_slice %arg6[%dma_start3A_282, %multiple_of3A_80] : memref<16x1000000xf32, #tpu.memory_space<hbm>> -> memref<16x128xf32, #tpu.memory_space<hbm>>
      tpu.enqueue_dma source(%dma_start3A_283 : memref<16x128xf32, #tpu.memory_space<hbm>>) target(%dma_start3A_281 : memref<16x128xf32, #tpu.memory_space<vmem>>) target_semaphore(%arg17 : memref<!tpu.dma_semaphore, #tpu.memory_space<semaphore_mem>>)
      %dma_start3A_284 = arith.constant 2 : i32
      %dma_start3A_285 = arith.constant 0 : i32
      %dma_start3A_286 = arith.constant 0 : i32
      %dma_start3A_287 = tpu.memref_slice %arg12[%dma_start3A_284, %dma_start3A_285, %dma_start3A_286] : memref<16x16x128xf32, #tpu.memory_space<vmem>> -> memref<1x16x128xf32, #tpu.memory_space<vmem>>
      %dma_start3A_288 = tpu.memref_squeeze %dma_start3A_287 : memref<1x16x128xf32, #tpu.memory_space<vmem>> -> memref<16x128xf32, #tpu.memory_space<vmem>>
      %dma_start3A_289 = arith.constant 0 : i32
      %dma_start3A_290 = tpu.memref_slice %arg5[%dma_start3A_289, %multiple_of3A_83] : memref<16x1000000xf32, #tpu.memory_space<hbm>> -> memref<16x128xf32, #tpu.memory_space<hbm>>
      %dma_start3A_291 = arith.constant 0 : i32
      %dma_start3A_292 = arith.constant 0 : i32
      %dma_start3A_293 = tpu.memref_slice %arg12[%dma_start3A_284, %dma_start3A_291, %dma_start3A_292] : memref<16x16x128xf32, #tpu.memory_space<vmem>> -> memref<1x16x128xf32, #tpu.memory_space<vmem>>
      %dma_start3A_294 = tpu.memref_squeeze %dma_start3A_293 : memref<1x16x128xf32, #tpu.memory_space<vmem>> -> memref<16x128xf32, #tpu.memory_space<vmem>>
      %dma_start3A_295 = arith.constant 0 : i32
      %dma_start3A_296 = tpu.memref_slice %arg5[%dma_start3A_295, %multiple_of3A_83] : memref<16x1000000xf32, #tpu.memory_space<hbm>> -> memref<16x128xf32, #tpu.memory_space<hbm>>
      tpu.enqueue_dma source(%dma_start3A_296 : memref<16x128xf32, #tpu.memory_space<hbm>>) target(%dma_start3A_294 : memref<16x128xf32, #tpu.memory_space<vmem>>) target_semaphore(%arg17 : memref<!tpu.dma_semaphore, #tpu.memory_space<semaphore_mem>>)
      %dma_start3A_297 = arith.constant 2 : i32
      %dma_start3A_298 = arith.constant 0 : i32
      %dma_start3A_299 = arith.constant 0 : i32
      %dma_start3A_300 = tpu.memref_slice %arg13[%dma_start3A_297, %dma_start3A_298, %dma_start3A_299] : memref<16x16x128xf32, #tpu.memory_space<vmem>> -> memref<1x16x128xf32, #tpu.memory_space<vmem>>
      %dma_start3A_301 = tpu.memref_squeeze %dma_start3A_300 : memref<1x16x128xf32, #tpu.memory_space<vmem>> -> memref<16x128xf32, #tpu.memory_space<vmem>>
      %dma_start3A_302 = arith.constant 0 : i32
      %dma_start3A_303 = tpu.memref_slice %arg6[%dma_start3A_302, %multiple_of3A_86] : memref<16x1000000xf32, #tpu.memory_space<hbm>> -> memref<16x128xf32, #tpu.memory_space<hbm>>
      %dma_start3A_304 = arith.constant 0 : i32
      %dma_start3A_305 = arith.constant 0 : i32
      %dma_start3A_306 = tpu.memref_slice %arg13[%dma_start3A_297, %dma_start3A_304, %dma_start3A_305] : memref<16x16x128xf32, #tpu.memory_space<vmem>> -> memref<1x16x128xf32, #tpu.memory_space<vmem>>
      %dma_start3A_307 = tpu.memref_squeeze %dma_start3A_306 : memref<1x16x128xf32, #tpu.memory_space<vmem>> -> memref<16x128xf32, #tpu.memory_space<vmem>>
      %dma_start3A_308 = arith.constant 0 : i32
      %dma_start3A_309 = tpu.memref_slice %arg6[%dma_start3A_308, %multiple_of3A_86] : memref<16x1000000xf32, #tpu.memory_space<hbm>> -> memref<16x128xf32, #tpu.memory_space<hbm>>
      tpu.enqueue_dma source(%dma_start3A_309 : memref<16x128xf32, #tpu.memory_space<hbm>>) target(%dma_start3A_307 : memref<16x128xf32, #tpu.memory_space<vmem>>) target_semaphore(%arg17 : memref<!tpu.dma_semaphore, #tpu.memory_space<semaphore_mem>>)
      %dma_start3A_310 = arith.constant 2 : i32
      %dma_start3A_311 = arith.constant 0 : i32
      %dma_start3A_312 = arith.constant 0 : i32
      %dma_start3A_313 = tpu.memref_slice %arg14[%dma_start3A_310, %dma_start3A_311, %dma_start3A_312] : memref<16x16x128xf32, #tpu.memory_space<vmem>> -> memref<1x16x128xf32, #tpu.memory_space<vmem>>
      %dma_start3A_314 = tpu.memref_squeeze %dma_start3A_313 : memref<1x16x128xf32, #tpu.memory_space<vmem>> -> memref<16x128xf32, #tpu.memory_space<vmem>>
      %dma_start3A_315 = arith.constant 0 : i32
      %dma_start3A_316 = tpu.memref_slice %arg6[%dma_start3A_315, %multiple_of3A_89] : memref<16x1000000xf32, #tpu.memory_space<hbm>> -> memref<16x128xf32, #tpu.memory_space<hbm>>
      %dma_start3A_317 = arith.constant 0 : i32
      %dma_start3A_318 = arith.constant 0 : i32
      %dma_start3A_319 = tpu.memref_slice %arg14[%dma_start3A_310, %dma_start3A_317, %dma_start3A_318] : memref<16x16x128xf32, #tpu.memory_space<vmem>> -> memref<1x16x128xf32, #tpu.memory_space<vmem>>
      %dma_start3A_320 = tpu.memref_squeeze %dma_start3A_319 : memref<1x16x128xf32, #tpu.memory_space<vmem>> -> memref<16x128xf32, #tpu.memory_space<vmem>>
      %dma_start3A_321 = arith.constant 0 : i32
      %dma_start3A_322 = tpu.memref_slice %arg6[%dma_start3A_321, %multiple_of3A_89] : memref<16x1000000xf32, #tpu.memory_space<hbm>> -> memref<16x128xf32, #tpu.memory_space<hbm>>
      tpu.enqueue_dma source(%dma_start3A_322 : memref<16x128xf32, #tpu.memory_space<hbm>>) target(%dma_start3A_320 : memref<16x128xf32, #tpu.memory_space<vmem>>) target_semaphore(%arg17 : memref<!tpu.dma_semaphore, #tpu.memory_space<semaphore_mem>>)
      %dma_start3A_323 = arith.constant 3 : i32
      %dma_start3A_324 = arith.constant 0 : i32
      %dma_start3A_325 = arith.constant 0 : i32
      %dma_start3A_326 = tpu.memref_slice %arg12[%dma_start3A_323, %dma_start3A_324, %dma_start3A_325] : memref<16x16x128xf32, #tpu.memory_space<vmem>> -> memref<1x16x128xf32, #tpu.memory_space<vmem>>
      %dma_start3A_327 = tpu.memref_squeeze %dma_start3A_326 : memref<1x16x128xf32, #tpu.memory_space<vmem>> -> memref<16x128xf32, #tpu.memory_space<vmem>>
      %dma_start3A_328 = arith.constant 0 : i32
      %dma_start3A_329 = tpu.memref_slice %arg5[%dma_start3A_328, %multiple_of3A_92] : memref<16x1000000xf32, #tpu.memory_space<hbm>> -> memref<16x128xf32, #tpu.memory_space<hbm>>
      %dma_start3A_330 = arith.constant 0 : i32
      %dma_start3A_331 = arith.constant 0 : i32
      %dma_start3A_332 = tpu.memref_slice %arg12[%dma_start3A_323, %dma_start3A_330, %dma_start3A_331] : memref<16x16x128xf32, #tpu.memory_space<vmem>> -> memref<1x16x128xf32, #tpu.memory_space<vmem>>
      %dma_start3A_333 = tpu.memref_squeeze %dma_start3A_332 : memref<1x16x128xf32, #tpu.memory_space<vmem>> -> memref<16x128xf32, #tpu.memory_space<vmem>>
      %dma_start3A_334 = arith.constant 0 : i32
      %dma_start3A_335 = tpu.memref_slice %arg5[%dma_start3A_334, %multiple_of3A_92] : memref<16x1000000xf32, #tpu.memory_space<hbm>> -> memref<16x128xf32, #tpu.memory_space<hbm>>
      tpu.enqueue_dma source(%dma_start3A_335 : memref<16x128xf32, #tpu.memory_space<hbm>>) target(%dma_start3A_333 : memref<16x128xf32, #tpu.memory_space<vmem>>) target_semaphore(%arg17 : memref<!tpu.dma_semaphore, #tpu.memory_space<semaphore_mem>>)
      %dma_start3A_336 = arith.constant 3 : i32
      %dma_start3A_337 = arith.constant 0 : i32
      %dma_start3A_338 = arith.constant 0 : i32
      %dma_start3A_339 = tpu.memref_slice %arg13[%dma_start3A_336, %dma_start3A_337, %dma_start3A_338] : memref<16x16x128xf32, #tpu.memory_space<vmem>> -> memref<1x16x128xf32, #tpu.memory_space<vmem>>
      %dma_start3A_340 = tpu.memref_squeeze %dma_start3A_339 : memref<1x16x128xf32, #tpu.memory_space<vmem>> -> memref<16x128xf32, #tpu.memory_space<vmem>>
      %dma_start3A_341 = arith.constant 0 : i32
      %dma_start3A_342 = tpu.memref_slice %arg6[%dma_start3A_341, %multiple_of3A_95] : memref<16x1000000xf32, #tpu.memory_space<hbm>> -> memref<16x128xf32, #tpu.memory_space<hbm>>
      %dma_start3A_343 = arith.constant 0 : i32
      %dma_start3A_344 = arith.constant 0 : i32
      %dma_start3A_345 = tpu.memref_slice %arg13[%dma_start3A_336, %dma_start3A_343, %dma_start3A_344] : memref<16x16x128xf32, #tpu.memory_space<vmem>> -> memref<1x16x128xf32, #tpu.memory_space<vmem>>
      %dma_start3A_346 = tpu.memref_squeeze %dma_start3A_345 : memref<1x16x128xf32, #tpu.memory_space<vmem>> -> memref<16x128xf32, #tpu.memory_space<vmem>>
      %dma_start3A_347 = arith.constant 0 : i32
      %dma_start3A_348 = tpu.memref_slice %arg6[%dma_start3A_347, %multiple_of3A_95] : memref<16x1000000xf32, #tpu.memory_space<hbm>> -> memref<16x128xf32, #tpu.memory_space<hbm>>
      tpu.enqueue_dma source(%dma_start3A_348 : memref<16x128xf32, #tpu.memory_space<hbm>>) target(%dma_start3A_346 : memref<16x128xf32, #tpu.memory_space<vmem>>) target_semaphore(%arg17 : memref<!tpu.dma_semaphore, #tpu.memory_space<semaphore_mem>>)
      %dma_start3A_349 = arith.constant 3 : i32
      %dma_start3A_350 = arith.constant 0 : i32
      %dma_start3A_351 = arith.constant 0 : i32
      %dma_start3A_352 = tpu.memref_slice %arg14[%dma_start3A_349, %dma_start3A_350, %dma_start3A_351] : memref<16x16x128xf32, #tpu.memory_space<vmem>> -> memref<1x16x128xf32, #tpu.memory_space<vmem>>
      %dma_start3A_353 = tpu.memref_squeeze %dma_start3A_352 : memref<1x16x128xf32, #tpu.memory_space<vmem>> -> memref<16x128xf32, #tpu.memory_space<vmem>>
      %dma_start3A_354 = arith.constant 0 : i32
      %dma_start3A_355 = tpu.memref_slice %arg6[%dma_start3A_354, %multiple_of3A_98] : memref<16x1000000xf32, #tpu.memory_space<hbm>> -> memref<16x128xf32, #tpu.memory_space<hbm>>
      %dma_start3A_356 = arith.constant 0 : i32
      %dma_start3A_357 = arith.constant 0 : i32
      %dma_start3A_358 = tpu.memref_slice %arg14[%dma_start3A_349, %dma_start3A_356, %dma_start3A_357] : memref<16x16x128xf32, #tpu.memory_space<vmem>> -> memref<1x16x128xf32, #tpu.memory_space<vmem>>
      %dma_start3A_359 = tpu.memref_squeeze %dma_start3A_358 : memref<1x16x128xf32, #tpu.memory_space<vmem>> -> memref<16x128xf32, #tpu.memory_space<vmem>>
      %dma_start3A_360 = arith.constant 0 : i32
      %dma_start3A_361 = tpu.memref_slice %arg6[%dma_start3A_360, %multiple_of3A_98] : memref<16x1000000xf32, #tpu.memory_space<hbm>> -> memref<16x128xf32, #tpu.memory_space<hbm>>
      tpu.enqueue_dma source(%dma_start3A_361 : memref<16x128xf32, #tpu.memory_space<hbm>>) target(%dma_start3A_359 : memref<16x128xf32, #tpu.memory_space<vmem>>) target_semaphore(%arg17 : memref<!tpu.dma_semaphore, #tpu.memory_space<semaphore_mem>>)
      %dma_start3A_362 = arith.constant 4 : i32
      %dma_start3A_363 = arith.constant 0 : i32
      %dma_start3A_364 = arith.constant 0 : i32
      %dma_start3A_365 = tpu.memref_slice %arg12[%dma_start3A_362, %dma_start3A_363, %dma_start3A_364] : memref<16x16x128xf32, #tpu.memory_space<vmem>> -> memref<1x16x128xf32, #tpu.memory_space<vmem>>
      %dma_start3A_366 = tpu.memref_squeeze %dma_start3A_365 : memref<1x16x128xf32, #tpu.memory_space<vmem>> -> memref<16x128xf32, #tpu.memory_space<vmem>>
      %dma_start3A_367 = arith.constant 0 : i32
      %dma_start3A_368 = tpu.memref_slice %arg5[%dma_start3A_367, %multiple_of3A_101] : memref<16x1000000xf32, #tpu.memory_space<hbm>> -> memref<16x128xf32, #tpu.memory_space<hbm>>
      %dma_start3A_369 = arith.constant 0 : i32
      %dma_start3A_370 = arith.constant 0 : i32
      %dma_start3A_371 = tpu.memref_slice %arg12[%dma_start3A_362, %dma_start3A_369, %dma_start3A_370] : memref<16x16x128xf32, #tpu.memory_space<vmem>> -> memref<1x16x128xf32, #tpu.memory_space<vmem>>
      %dma_start3A_372 = tpu.memref_squeeze %dma_start3A_371 : memref<1x16x128xf32, #tpu.memory_space<vmem>> -> memref<16x128xf32, #tpu.memory_space<vmem>>
      %dma_start3A_373 = arith.constant 0 : i32
      %dma_start3A_374 = tpu.memref_slice %arg5[%dma_start3A_373, %multiple_of3A_101] : memref<16x1000000xf32, #tpu.memory_space<hbm>> -> memref<16x128xf32, #tpu.memory_space<hbm>>
      tpu.enqueue_dma source(%dma_start3A_374 : memref<16x128xf32, #tpu.memory_space<hbm>>) target(%dma_start3A_372 : memref<16x128xf32, #tpu.memory_space<vmem>>) target_semaphore(%arg17 : memref<!tpu.dma_semaphore, #tpu.memory_space<semaphore_mem>>)
      %dma_start3A_375 = arith.constant 4 : i32
      %dma_start3A_376 = arith.constant 0 : i32
      %dma_start3A_377 = arith.constant 0 : i32
      %dma_start3A_378 = tpu.memref_slice %arg13[%dma_start3A_375, %dma_start3A_376, %dma_start3A_377] : memref<16x16x128xf32, #tpu.memory_space<vmem>> -> memref<1x16x128xf32, #tpu.memory_space<vmem>>
      %dma_start3A_379 = tpu.memref_squeeze %dma_start3A_378 : memref<1x16x128xf32, #tpu.memory_space<vmem>> -> memref<16x128xf32, #tpu.memory_space<vmem>>
      %dma_start3A_380 = arith.constant 0 : i32
      %dma_start3A_381 = tpu.memref_slice %arg6[%dma_start3A_380, %multiple_of3A_104] : memref<16x1000000xf32, #tpu.memory_space<hbm>> -> memref<16x128xf32, #tpu.memory_space<hbm>>
      %dma_start3A_382 = arith.constant 0 : i32
      %dma_start3A_383 = arith.constant 0 : i32
      %dma_start3A_384 = tpu.memref_slice %arg13[%dma_start3A_375, %dma_start3A_382, %dma_start3A_383] : memref<16x16x128xf32, #tpu.memory_space<vmem>> -> memref<1x16x128xf32, #tpu.memory_space<vmem>>
      %dma_start3A_385 = tpu.memref_squeeze %dma_start3A_384 : memref<1x16x128xf32, #tpu.memory_space<vmem>> -> memref<16x128xf32, #tpu.memory_space<vmem>>
      %dma_start3A_386 = arith.constant 0 : i32
      %dma_start3A_387 = tpu.memref_slice %arg6[%dma_start3A_386, %multiple_of3A_104] : memref<16x1000000xf32, #tpu.memory_space<hbm>> -> memref<16x128xf32, #tpu.memory_space<hbm>>
      tpu.enqueue_dma source(%dma_start3A_387 : memref<16x128xf32, #tpu.memory_space<hbm>>) target(%dma_start3A_385 : memref<16x128xf32, #tpu.memory_space<vmem>>) target_semaphore(%arg17 : memref<!tpu.dma_semaphore, #tpu.memory_space<semaphore_mem>>)
      %dma_start3A_388 = arith.constant 4 : i32
      %dma_start3A_389 = arith.constant 0 : i32
      %dma_start3A_390 = arith.constant 0 : i32
      %dma_start3A_391 = tpu.memref_slice %arg14[%dma_start3A_388, %dma_start3A_389, %dma_start3A_390] : memref<16x16x128xf32, #tpu.memory_space<vmem>> -> memref<1x16x128xf32, #tpu.memory_space<vmem>>
      %dma_start3A_392 = tpu.memref_squeeze %dma_start3A_391 : memref<1x16x128xf32, #tpu.memory_space<vmem>> -> memref<16x128xf32, #tpu.memory_space<vmem>>
      %dma_start3A_393 = arith.constant 0 : i32
      %dma_start3A_394 = tpu.memref_slice %arg6[%dma_start3A_393, %multiple_of3A_107] : memref<16x1000000xf32, #tpu.memory_space<hbm>> -> memref<16x128xf32, #tpu.memory_space<hbm>>
      %dma_start3A_395 = arith.constant 0 : i32
      %dma_start3A_396 = arith.constant 0 : i32
      %dma_start3A_397 = tpu.memref_slice %arg14[%dma_start3A_388, %dma_start3A_395, %dma_start3A_396] : memref<16x16x128xf32, #tpu.memory_space<vmem>> -> memref<1x16x128xf32, #tpu.memory_space<vmem>>
      %dma_start3A_398 = tpu.memref_squeeze %dma_start3A_397 : memref<1x16x128xf32, #tpu.memory_space<vmem>> -> memref<16x128xf32, #tpu.memory_space<vmem>>
      %dma_start3A_399 = arith.constant 0 : i32
      %dma_start3A_400 = tpu.memref_slice %arg6[%dma_start3A_399, %multiple_of3A_107] : memref<16x1000000xf32, #tpu.memory_space<hbm>> -> memref<16x128xf32, #tpu.memory_space<hbm>>
      tpu.enqueue_dma source(%dma_start3A_400 : memref<16x128xf32, #tpu.memory_space<hbm>>) target(%dma_start3A_398 : memref<16x128xf32, #tpu.memory_space<vmem>>) target_semaphore(%arg17 : memref<!tpu.dma_semaphore, #tpu.memory_space<semaphore_mem>>)
      %dma_start3A_401 = arith.constant 5 : i32
      %dma_start3A_402 = arith.constant 0 : i32
      %dma_start3A_403 = arith.constant 0 : i32
      %dma_start3A_404 = tpu.memref_slice %arg12[%dma_start3A_401, %dma_start3A_402, %dma_start3A_403] : memref<16x16x128xf32, #tpu.memory_space<vmem>> -> memref<1x16x128xf32, #tpu.memory_space<vmem>>
      %dma_start3A_405 = tpu.memref_squeeze %dma_start3A_404 : memref<1x16x128xf32, #tpu.memory_space<vmem>> -> memref<16x128xf32, #tpu.memory_space<vmem>>
      %dma_start3A_406 = arith.constant 0 : i32
      %dma_start3A_407 = tpu.memref_slice %arg5[%dma_start3A_406, %multiple_of3A_110] : memref<16x1000000xf32, #tpu.memory_space<hbm>> -> memref<16x128xf32, #tpu.memory_space<hbm>>
      %dma_start3A_408 = arith.constant 0 : i32
      %dma_start3A_409 = arith.constant 0 : i32
      %dma_start3A_410 = tpu.memref_slice %arg12[%dma_start3A_401, %dma_start3A_408, %dma_start3A_409] : memref<16x16x128xf32, #tpu.memory_space<vmem>> -> memref<1x16x128xf32, #tpu.memory_space<vmem>>
      %dma_start3A_411 = tpu.memref_squeeze %dma_start3A_410 : memref<1x16x128xf32, #tpu.memory_space<vmem>> -> memref<16x128xf32, #tpu.memory_space<vmem>>
      %dma_start3A_412 = arith.constant 0 : i32
      %dma_start3A_413 = tpu.memref_slice %arg5[%dma_start3A_412, %multiple_of3A_110] : memref<16x1000000xf32, #tpu.memory_space<hbm>> -> memref<16x128xf32, #tpu.memory_space<hbm>>
      tpu.enqueue_dma source(%dma_start3A_413 : memref<16x128xf32, #tpu.memory_space<hbm>>) target(%dma_start3A_411 : memref<16x128xf32, #tpu.memory_space<vmem>>) target_semaphore(%arg17 : memref<!tpu.dma_semaphore, #tpu.memory_space<semaphore_mem>>)
      %dma_start3A_414 = arith.constant 5 : i32
      %dma_start3A_415 = arith.constant 0 : i32
      %dma_start3A_416 = arith.constant 0 : i32
      %dma_start3A_417 = tpu.memref_slice %arg13[%dma_start3A_414, %dma_start3A_415, %dma_start3A_416] : memref<16x16x128xf32, #tpu.memory_space<vmem>> -> memref<1x16x128xf32, #tpu.memory_space<vmem>>
      %dma_start3A_418 = tpu.memref_squeeze %dma_start3A_417 : memref<1x16x128xf32, #tpu.memory_space<vmem>> -> memref<16x128xf32, #tpu.memory_space<vmem>>
      %dma_start3A_419 = arith.constant 0 : i32
      %dma_start3A_420 = tpu.memref_slice %arg6[%dma_start3A_419, %multiple_of3A_113] : memref<16x1000000xf32, #tpu.memory_space<hbm>> -> memref<16x128xf32, #tpu.memory_space<hbm>>
      %dma_start3A_421 = arith.constant 0 : i32
      %dma_start3A_422 = arith.constant 0 : i32
      %dma_start3A_423 = tpu.memref_slice %arg13[%dma_start3A_414, %dma_start3A_421, %dma_start3A_422] : memref<16x16x128xf32, #tpu.memory_space<vmem>> -> memref<1x16x128xf32, #tpu.memory_space<vmem>>
      %dma_start3A_424 = tpu.memref_squeeze %dma_start3A_423 : memref<1x16x128xf32, #tpu.memory_space<vmem>> -> memref<16x128xf32, #tpu.memory_space<vmem>>
      %dma_start3A_425 = arith.constant 0 : i32
      %dma_start3A_426 = tpu.memref_slice %arg6[%dma_start3A_425, %multiple_of3A_113] : memref<16x1000000xf32, #tpu.memory_space<hbm>> -> memref<16x128xf32, #tpu.memory_space<hbm>>
      tpu.enqueue_dma source(%dma_start3A_426 : memref<16x128xf32, #tpu.memory_space<hbm>>) target(%dma_start3A_424 : memref<16x128xf32, #tpu.memory_space<vmem>>) target_semaphore(%arg17 : memref<!tpu.dma_semaphore, #tpu.memory_space<semaphore_mem>>)
      %dma_start3A_427 = arith.constant 5 : i32
      %dma_start3A_428 = arith.constant 0 : i32
      %dma_start3A_429 = arith.constant 0 : i32
      %dma_start3A_430 = tpu.memref_slice %arg14[%dma_start3A_427, %dma_start3A_428, %dma_start3A_429] : memref<16x16x128xf32, #tpu.memory_space<vmem>> -> memref<1x16x128xf32, #tpu.memory_space<vmem>>
      %dma_start3A_431 = tpu.memref_squeeze %dma_start3A_430 : memref<1x16x128xf32, #tpu.memory_space<vmem>> -> memref<16x128xf32, #tpu.memory_space<vmem>>
      %dma_start3A_432 = arith.constant 0 : i32
      %dma_start3A_433 = tpu.memref_slice %arg6[%dma_start3A_432, %multiple_of3A_116] : memref<16x1000000xf32, #tpu.memory_space<hbm>> -> memref<16x128xf32, #tpu.memory_space<hbm>>
      %dma_start3A_434 = arith.constant 0 : i32
      %dma_start3A_435 = arith.constant 0 : i32
      %dma_start3A_436 = tpu.memref_slice %arg14[%dma_start3A_427, %dma_start3A_434, %dma_start3A_435] : memref<16x16x128xf32, #tpu.memory_space<vmem>> -> memref<1x16x128xf32, #tpu.memory_space<vmem>>
      %dma_start3A_437 = tpu.memref_squeeze %dma_start3A_436 : memref<1x16x128xf32, #tpu.memory_space<vmem>> -> memref<16x128xf32, #tpu.memory_space<vmem>>
      %dma_start3A_438 = arith.constant 0 : i32
      %dma_start3A_439 = tpu.memref_slice %arg6[%dma_start3A_438, %multiple_of3A_116] : memref<16x1000000xf32, #tpu.memory_space<hbm>> -> memref<16x128xf32, #tpu.memory_space<hbm>>
      tpu.enqueue_dma source(%dma_start3A_439 : memref<16x128xf32, #tpu.memory_space<hbm>>) target(%dma_start3A_437 : memref<16x128xf32, #tpu.memory_space<vmem>>) target_semaphore(%arg17 : memref<!tpu.dma_semaphore, #tpu.memory_space<semaphore_mem>>)
      %dma_start3A_440 = arith.constant 6 : i32
      %dma_start3A_441 = arith.constant 0 : i32
      %dma_start3A_442 = arith.constant 0 : i32
      %dma_start3A_443 = tpu.memref_slice %arg12[%dma_start3A_440, %dma_start3A_441, %dma_start3A_442] : memref<16x16x128xf32, #tpu.memory_space<vmem>> -> memref<1x16x128xf32, #tpu.memory_space<vmem>>
      %dma_start3A_444 = tpu.memref_squeeze %dma_start3A_443 : memref<1x16x128xf32, #tpu.memory_space<vmem>> -> memref<16x128xf32, #tpu.memory_space<vmem>>
      %dma_start3A_445 = arith.constant 0 : i32
      %dma_start3A_446 = tpu.memref_slice %arg5[%dma_start3A_445, %multiple_of3A_119] : memref<16x1000000xf32, #tpu.memory_space<hbm>> -> memref<16x128xf32, #tpu.memory_space<hbm>>
      %dma_start3A_447 = arith.constant 0 : i32
      %dma_start3A_448 = arith.constant 0 : i32
      %dma_start3A_449 = tpu.memref_slice %arg12[%dma_start3A_440, %dma_start3A_447, %dma_start3A_448] : memref<16x16x128xf32, #tpu.memory_space<vmem>> -> memref<1x16x128xf32, #tpu.memory_space<vmem>>
      %dma_start3A_450 = tpu.memref_squeeze %dma_start3A_449 : memref<1x16x128xf32, #tpu.memory_space<vmem>> -> memref<16x128xf32, #tpu.memory_space<vmem>>
      %dma_start3A_451 = arith.constant 0 : i32
      %dma_start3A_452 = tpu.memref_slice %arg5[%dma_start3A_451, %multiple_of3A_119] : memref<16x1000000xf32, #tpu.memory_space<hbm>> -> memref<16x128xf32, #tpu.memory_space<hbm>>
      tpu.enqueue_dma source(%dma_start3A_452 : memref<16x128xf32, #tpu.memory_space<hbm>>) target(%dma_start3A_450 : memref<16x128xf32, #tpu.memory_space<vmem>>) target_semaphore(%arg17 : memref<!tpu.dma_semaphore, #tpu.memory_space<semaphore_mem>>)
      %dma_start3A_453 = arith.constant 6 : i32
      %dma_start3A_454 = arith.constant 0 : i32
      %dma_start3A_455 = arith.constant 0 : i32
      %dma_start3A_456 = tpu.memref_slice %arg13[%dma_start3A_453, %dma_start3A_454, %dma_start3A_455] : memref<16x16x128xf32, #tpu.memory_space<vmem>> -> memref<1x16x128xf32, #tpu.memory_space<vmem>>
      %dma_start3A_457 = tpu.memref_squeeze %dma_start3A_456 : memref<1x16x128xf32, #tpu.memory_space<vmem>> -> memref<16x128xf32, #tpu.memory_space<vmem>>
      %dma_start3A_458 = arith.constant 0 : i32
      %dma_start3A_459 = tpu.memref_slice %arg6[%dma_start3A_458, %multiple_of3A_122] : memref<16x1000000xf32, #tpu.memory_space<hbm>> -> memref<16x128xf32, #tpu.memory_space<hbm>>
      %dma_start3A_460 = arith.constant 0 : i32
      %dma_start3A_461 = arith.constant 0 : i32
      %dma_start3A_462 = tpu.memref_slice %arg13[%dma_start3A_453, %dma_start3A_460, %dma_start3A_461] : memref<16x16x128xf32, #tpu.memory_space<vmem>> -> memref<1x16x128xf32, #tpu.memory_space<vmem>>
      %dma_start3A_463 = tpu.memref_squeeze %dma_start3A_462 : memref<1x16x128xf32, #tpu.memory_space<vmem>> -> memref<16x128xf32, #tpu.memory_space<vmem>>
      %dma_start3A_464 = arith.constant 0 : i32
      %dma_start3A_465 = tpu.memref_slice %arg6[%dma_start3A_464, %multiple_of3A_122] : memref<16x1000000xf32, #tpu.memory_space<hbm>> -> memref<16x128xf32, #tpu.memory_space<hbm>>
      tpu.enqueue_dma source(%dma_start3A_465 : memref<16x128xf32, #tpu.memory_space<hbm>>) target(%dma_start3A_463 : memref<16x128xf32, #tpu.memory_space<vmem>>) target_semaphore(%arg17 : memref<!tpu.dma_semaphore, #tpu.memory_space<semaphore_mem>>)
      %dma_start3A_466 = arith.constant 6 : i32
      %dma_start3A_467 = arith.constant 0 : i32
      %dma_start3A_468 = arith.constant 0 : i32
      %dma_start3A_469 = tpu.memref_slice %arg14[%dma_start3A_466, %dma_start3A_467, %dma_start3A_468] : memref<16x16x128xf32, #tpu.memory_space<vmem>> -> memref<1x16x128xf32, #tpu.memory_space<vmem>>
      %dma_start3A_470 = tpu.memref_squeeze %dma_start3A_469 : memref<1x16x128xf32, #tpu.memory_space<vmem>> -> memref<16x128xf32, #tpu.memory_space<vmem>>
      %dma_start3A_471 = arith.constant 0 : i32
      %dma_start3A_472 = tpu.memref_slice %arg6[%dma_start3A_471, %multiple_of3A_125] : memref<16x1000000xf32, #tpu.memory_space<hbm>> -> memref<16x128xf32, #tpu.memory_space<hbm>>
      %dma_start3A_473 = arith.constant 0 : i32
      %dma_start3A_474 = arith.constant 0 : i32
      %dma_start3A_475 = tpu.memref_slice %arg14[%dma_start3A_466, %dma_start3A_473, %dma_start3A_474] : memref<16x16x128xf32, #tpu.memory_space<vmem>> -> memref<1x16x128xf32, #tpu.memory_space<vmem>>
      %dma_start3A_476 = tpu.memref_squeeze %dma_start3A_475 : memref<1x16x128xf32, #tpu.memory_space<vmem>> -> memref<16x128xf32, #tpu.memory_space<vmem>>
      %dma_start3A_477 = arith.constant 0 : i32
      %dma_start3A_478 = tpu.memref_slice %arg6[%dma_start3A_477, %multiple_of3A_125] : memref<16x1000000xf32, #tpu.memory_space<hbm>> -> memref<16x128xf32, #tpu.memory_space<hbm>>
      tpu.enqueue_dma source(%dma_start3A_478 : memref<16x128xf32, #tpu.memory_space<hbm>>) target(%dma_start3A_476 : memref<16x128xf32, #tpu.memory_space<vmem>>) target_semaphore(%arg17 : memref<!tpu.dma_semaphore, #tpu.memory_space<semaphore_mem>>)
      %dma_start3A_479 = arith.constant 7 : i32
      %dma_start3A_480 = arith.constant 0 : i32
      %dma_start3A_481 = arith.constant 0 : i32
      %dma_start3A_482 = tpu.memref_slice %arg12[%dma_start3A_479, %dma_start3A_480, %dma_start3A_481] : memref<16x16x128xf32, #tpu.memory_space<vmem>> -> memref<1x16x128xf32, #tpu.memory_space<vmem>>
      %dma_start3A_483 = tpu.memref_squeeze %dma_start3A_482 : memref<1x16x128xf32, #tpu.memory_space<vmem>> -> memref<16x128xf32, #tpu.memory_space<vmem>>
      %dma_start3A_484 = arith.constant 0 : i32
      %dma_start3A_485 = tpu.memref_slice %arg5[%dma_start3A_484, %multiple_of3A_128] : memref<16x1000000xf32, #tpu.memory_space<hbm>> -> memref<16x128xf32, #tpu.memory_space<hbm>>
      %dma_start3A_486 = arith.constant 0 : i32
      %dma_start3A_487 = arith.constant 0 : i32
      %dma_start3A_488 = tpu.memref_slice %arg12[%dma_start3A_479, %dma_start3A_486, %dma_start3A_487] : memref<16x16x128xf32, #tpu.memory_space<vmem>> -> memref<1x16x128xf32, #tpu.memory_space<vmem>>
      %dma_start3A_489 = tpu.memref_squeeze %dma_start3A_488 : memref<1x16x128xf32, #tpu.memory_space<vmem>> -> memref<16x128xf32, #tpu.memory_space<vmem>>
      %dma_start3A_490 = arith.constant 0 : i32
      %dma_start3A_491 = tpu.memref_slice %arg5[%dma_start3A_490, %multiple_of3A_128] : memref<16x1000000xf32, #tpu.memory_space<hbm>> -> memref<16x128xf32, #tpu.memory_space<hbm>>
      tpu.enqueue_dma source(%dma_start3A_491 : memref<16x128xf32, #tpu.memory_space<hbm>>) target(%dma_start3A_489 : memref<16x128xf32, #tpu.memory_space<vmem>>) target_semaphore(%arg17 : memref<!tpu.dma_semaphore, #tpu.memory_space<semaphore_mem>>)
      %dma_start3A_492 = arith.constant 7 : i32
      %dma_start3A_493 = arith.constant 0 : i32
      %dma_start3A_494 = arith.constant 0 : i32
      %dma_start3A_495 = tpu.memref_slice %arg13[%dma_start3A_492, %dma_start3A_493, %dma_start3A_494] : memref<16x16x128xf32, #tpu.memory_space<vmem>> -> memref<1x16x128xf32, #tpu.memory_space<vmem>>
      %dma_start3A_496 = tpu.memref_squeeze %dma_start3A_495 : memref<1x16x128xf32, #tpu.memory_space<vmem>> -> memref<16x128xf32, #tpu.memory_space<vmem>>
      %dma_start3A_497 = arith.constant 0 : i32
      %dma_start3A_498 = tpu.memref_slice %arg6[%dma_start3A_497, %multiple_of3A_131] : memref<16x1000000xf32, #tpu.memory_space<hbm>> -> memref<16x128xf32, #tpu.memory_space<hbm>>
      %dma_start3A_499 = arith.constant 0 : i32
      %dma_start3A_500 = arith.constant 0 : i32
      %dma_start3A_501 = tpu.memref_slice %arg13[%dma_start3A_492, %dma_start3A_499, %dma_start3A_500] : memref<16x16x128xf32, #tpu.memory_space<vmem>> -> memref<1x16x128xf32, #tpu.memory_space<vmem>>
      %dma_start3A_502 = tpu.memref_squeeze %dma_start3A_501 : memref<1x16x128xf32, #tpu.memory_space<vmem>> -> memref<16x128xf32, #tpu.memory_space<vmem>>
      %dma_start3A_503 = arith.constant 0 : i32
      %dma_start3A_504 = tpu.memref_slice %arg6[%dma_start3A_503, %multiple_of3A_131] : memref<16x1000000xf32, #tpu.memory_space<hbm>> -> memref<16x128xf32, #tpu.memory_space<hbm>>
      tpu.enqueue_dma source(%dma_start3A_504 : memref<16x128xf32, #tpu.memory_space<hbm>>) target(%dma_start3A_502 : memref<16x128xf32, #tpu.memory_space<vmem>>) target_semaphore(%arg17 : memref<!tpu.dma_semaphore, #tpu.memory_space<semaphore_mem>>)
      %dma_start3A_505 = arith.constant 7 : i32
      %dma_start3A_506 = arith.constant 0 : i32
      %dma_start3A_507 = arith.constant 0 : i32
      %dma_start3A_508 = tpu.memref_slice %arg14[%dma_start3A_505, %dma_start3A_506, %dma_start3A_507] : memref<16x16x128xf32, #tpu.memory_space<vmem>> -> memref<1x16x128xf32, #tpu.memory_space<vmem>>
      %dma_start3A_509 = tpu.memref_squeeze %dma_start3A_508 : memref<1x16x128xf32, #tpu.memory_space<vmem>> -> memref<16x128xf32, #tpu.memory_space<vmem>>
      %dma_start3A_510 = arith.constant 0 : i32
      %dma_start3A_511 = tpu.memref_slice %arg6[%dma_start3A_510, %multiple_of3A_134] : memref<16x1000000xf32, #tpu.memory_space<hbm>> -> memref<16x128xf32, #tpu.memory_space<hbm>>
      %dma_start3A_512 = arith.constant 0 : i32
      %dma_start3A_513 = arith.constant 0 : i32
      %dma_start3A_514 = tpu.memref_slice %arg14[%dma_start3A_505, %dma_start3A_512, %dma_start3A_513] : memref<16x16x128xf32, #tpu.memory_space<vmem>> -> memref<1x16x128xf32, #tpu.memory_space<vmem>>
      %dma_start3A_515 = tpu.memref_squeeze %dma_start3A_514 : memref<1x16x128xf32, #tpu.memory_space<vmem>> -> memref<16x128xf32, #tpu.memory_space<vmem>>
      %dma_start3A_516 = arith.constant 0 : i32
      %dma_start3A_517 = tpu.memref_slice %arg6[%dma_start3A_516, %multiple_of3A_134] : memref<16x1000000xf32, #tpu.memory_space<hbm>> -> memref<16x128xf32, #tpu.memory_space<hbm>>
      tpu.enqueue_dma source(%dma_start3A_517 : memref<16x128xf32, #tpu.memory_space<hbm>>) target(%dma_start3A_515 : memref<16x128xf32, #tpu.memory_space<vmem>>) target_semaphore(%arg17 : memref<!tpu.dma_semaphore, #tpu.memory_space<semaphore_mem>>)
      %dma_start3A_518 = arith.constant 8 : i32
      %dma_start3A_519 = arith.constant 0 : i32
      %dma_start3A_520 = arith.constant 0 : i32
      %dma_start3A_521 = tpu.memref_slice %arg12[%dma_start3A_518, %dma_start3A_519, %dma_start3A_520] : memref<16x16x128xf32, #tpu.memory_space<vmem>> -> memref<1x16x128xf32, #tpu.memory_space<vmem>>
      %dma_start3A_522 = tpu.memref_squeeze %dma_start3A_521 : memref<1x16x128xf32, #tpu.memory_space<vmem>> -> memref<16x128xf32, #tpu.memory_space<vmem>>
      %dma_start3A_523 = arith.constant 0 : i32
      %dma_start3A_524 = tpu.memref_slice %arg5[%dma_start3A_523, %multiple_of3A_137] : memref<16x1000000xf32, #tpu.memory_space<hbm>> -> memref<16x128xf32, #tpu.memory_space<hbm>>
      %dma_start3A_525 = arith.constant 0 : i32
      %dma_start3A_526 = arith.constant 0 : i32
      %dma_start3A_527 = tpu.memref_slice %arg12[%dma_start3A_518, %dma_start3A_525, %dma_start3A_526] : memref<16x16x128xf32, #tpu.memory_space<vmem>> -> memref<1x16x128xf32, #tpu.memory_space<vmem>>
      %dma_start3A_528 = tpu.memref_squeeze %dma_start3A_527 : memref<1x16x128xf32, #tpu.memory_space<vmem>> -> memref<16x128xf32, #tpu.memory_space<vmem>>
      %dma_start3A_529 = arith.constant 0 : i32
      %dma_start3A_530 = tpu.memref_slice %arg5[%dma_start3A_529, %multiple_of3A_137] : memref<16x1000000xf32, #tpu.memory_space<hbm>> -> memref<16x128xf32, #tpu.memory_space<hbm>>
      tpu.enqueue_dma source(%dma_start3A_530 : memref<16x128xf32, #tpu.memory_space<hbm>>) target(%dma_start3A_528 : memref<16x128xf32, #tpu.memory_space<vmem>>) target_semaphore(%arg17 : memref<!tpu.dma_semaphore, #tpu.memory_space<semaphore_mem>>)
      %dma_start3A_531 = arith.constant 8 : i32
      %dma_start3A_532 = arith.constant 0 : i32
      %dma_start3A_533 = arith.constant 0 : i32
      %dma_start3A_534 = tpu.memref_slice %arg13[%dma_start3A_531, %dma_start3A_532, %dma_start3A_533] : memref<16x16x128xf32, #tpu.memory_space<vmem>> -> memref<1x16x128xf32, #tpu.memory_space<vmem>>
      %dma_start3A_535 = tpu.memref_squeeze %dma_start3A_534 : memref<1x16x128xf32, #tpu.memory_space<vmem>> -> memref<16x128xf32, #tpu.memory_space<vmem>>
      %dma_start3A_536 = arith.constant 0 : i32
      %dma_start3A_537 = tpu.memref_slice %arg6[%dma_start3A_536, %multiple_of3A_140] : memref<16x1000000xf32, #tpu.memory_space<hbm>> -> memref<16x128xf32, #tpu.memory_space<hbm>>
      %dma_start3A_538 = arith.constant 0 : i32
      %dma_start3A_539 = arith.constant 0 : i32
      %dma_start3A_540 = tpu.memref_slice %arg13[%dma_start3A_531, %dma_start3A_538, %dma_start3A_539] : memref<16x16x128xf32, #tpu.memory_space<vmem>> -> memref<1x16x128xf32, #tpu.memory_space<vmem>>
      %dma_start3A_541 = tpu.memref_squeeze %dma_start3A_540 : memref<1x16x128xf32, #tpu.memory_space<vmem>> -> memref<16x128xf32, #tpu.memory_space<vmem>>
      %dma_start3A_542 = arith.constant 0 : i32
      %dma_start3A_543 = tpu.memref_slice %arg6[%dma_start3A_542, %multiple_of3A_140] : memref<16x1000000xf32, #tpu.memory_space<hbm>> -> memref<16x128xf32, #tpu.memory_space<hbm>>
      tpu.enqueue_dma source(%dma_start3A_543 : memref<16x128xf32, #tpu.memory_space<hbm>>) target(%dma_start3A_541 : memref<16x128xf32, #tpu.memory_space<vmem>>) target_semaphore(%arg17 : memref<!tpu.dma_semaphore, #tpu.memory_space<semaphore_mem>>)
      %dma_start3A_544 = arith.constant 8 : i32
      %dma_start3A_545 = arith.constant 0 : i32
      %dma_start3A_546 = arith.constant 0 : i32
      %dma_start3A_547 = tpu.memref_slice %arg14[%dma_start3A_544, %dma_start3A_545, %dma_start3A_546] : memref<16x16x128xf32, #tpu.memory_space<vmem>> -> memref<1x16x128xf32, #tpu.memory_space<vmem>>
      %dma_start3A_548 = tpu.memref_squeeze %dma_start3A_547 : memref<1x16x128xf32, #tpu.memory_space<vmem>> -> memref<16x128xf32, #tpu.memory_space<vmem>>
      %dma_start3A_549 = arith.constant 0 : i32
      %dma_start3A_550 = tpu.memref_slice %arg6[%dma_start3A_549, %multiple_of3A_143] : memref<16x1000000xf32, #tpu.memory_space<hbm>> -> memref<16x128xf32, #tpu.memory_space<hbm>>
      %dma_start3A_551 = arith.constant 0 : i32
      %dma_start3A_552 = arith.constant 0 : i32
      %dma_start3A_553 = tpu.memref_slice %arg14[%dma_start3A_544, %dma_start3A_551, %dma_start3A_552] : memref<16x16x128xf32, #tpu.memory_space<vmem>> -> memref<1x16x128xf32, #tpu.memory_space<vmem>>
      %dma_start3A_554 = tpu.memref_squeeze %dma_start3A_553 : memref<1x16x128xf32, #tpu.memory_space<vmem>> -> memref<16x128xf32, #tpu.memory_space<vmem>>
      %dma_start3A_555 = arith.constant 0 : i32
      %dma_start3A_556 = tpu.memref_slice %arg6[%dma_start3A_555, %multiple_of3A_143] : memref<16x1000000xf32, #tpu.memory_space<hbm>> -> memref<16x128xf32, #tpu.memory_space<hbm>>
      tpu.enqueue_dma source(%dma_start3A_556 : memref<16x128xf32, #tpu.memory_space<hbm>>) target(%dma_start3A_554 : memref<16x128xf32, #tpu.memory_space<vmem>>) target_semaphore(%arg17 : memref<!tpu.dma_semaphore, #tpu.memory_space<semaphore_mem>>)
      %dma_start3A_557 = arith.constant 9 : i32
      %dma_start3A_558 = arith.constant 0 : i32
      %dma_start3A_559 = arith.constant 0 : i32
      %dma_start3A_560 = tpu.memref_slice %arg12[%dma_start3A_557, %dma_start3A_558, %dma_start3A_559] : memref<16x16x128xf32, #tpu.memory_space<vmem>> -> memref<1x16x128xf32, #tpu.memory_space<vmem>>
      %dma_start3A_561 = tpu.memref_squeeze %dma_start3A_560 : memref<1x16x128xf32, #tpu.memory_space<vmem>> -> memref<16x128xf32, #tpu.memory_space<vmem>>
      %dma_start3A_562 = arith.constant 0 : i32
      %dma_start3A_563 = tpu.memref_slice %arg5[%dma_start3A_562, %multiple_of3A_146] : memref<16x1000000xf32, #tpu.memory_space<hbm>> -> memref<16x128xf32, #tpu.memory_space<hbm>>
      %dma_start3A_564 = arith.constant 0 : i32
      %dma_start3A_565 = arith.constant 0 : i32
      %dma_start3A_566 = tpu.memref_slice %arg12[%dma_start3A_557, %dma_start3A_564, %dma_start3A_565] : memref<16x16x128xf32, #tpu.memory_space<vmem>> -> memref<1x16x128xf32, #tpu.memory_space<vmem>>
      %dma_start3A_567 = tpu.memref_squeeze %dma_start3A_566 : memref<1x16x128xf32, #tpu.memory_space<vmem>> -> memref<16x128xf32, #tpu.memory_space<vmem>>
      %dma_start3A_568 = arith.constant 0 : i32
      %dma_start3A_569 = tpu.memref_slice %arg5[%dma_start3A_568, %multiple_of3A_146] : memref<16x1000000xf32, #tpu.memory_space<hbm>> -> memref<16x128xf32, #tpu.memory_space<hbm>>
      tpu.enqueue_dma source(%dma_start3A_569 : memref<16x128xf32, #tpu.memory_space<hbm>>) target(%dma_start3A_567 : memref<16x128xf32, #tpu.memory_space<vmem>>) target_semaphore(%arg17 : memref<!tpu.dma_semaphore, #tpu.memory_space<semaphore_mem>>)
      %dma_start3A_570 = arith.constant 9 : i32
      %dma_start3A_571 = arith.constant 0 : i32
      %dma_start3A_572 = arith.constant 0 : i32
      %dma_start3A_573 = tpu.memref_slice %arg13[%dma_start3A_570, %dma_start3A_571, %dma_start3A_572] : memref<16x16x128xf32, #tpu.memory_space<vmem>> -> memref<1x16x128xf32, #tpu.memory_space<vmem>>
      %dma_start3A_574 = tpu.memref_squeeze %dma_start3A_573 : memref<1x16x128xf32, #tpu.memory_space<vmem>> -> memref<16x128xf32, #tpu.memory_space<vmem>>
      %dma_start3A_575 = arith.constant 0 : i32
      %dma_start3A_576 = tpu.memref_slice %arg6[%dma_start3A_575, %multiple_of3A_149] : memref<16x1000000xf32, #tpu.memory_space<hbm>> -> memref<16x128xf32, #tpu.memory_space<hbm>>
      %dma_start3A_577 = arith.constant 0 : i32
      %dma_start3A_578 = arith.constant 0 : i32
      %dma_start3A_579 = tpu.memref_slice %arg13[%dma_start3A_570, %dma_start3A_577, %dma_start3A_578] : memref<16x16x128xf32, #tpu.memory_space<vmem>> -> memref<1x16x128xf32, #tpu.memory_space<vmem>>
      %dma_start3A_580 = tpu.memref_squeeze %dma_start3A_579 : memref<1x16x128xf32, #tpu.memory_space<vmem>> -> memref<16x128xf32, #tpu.memory_space<vmem>>
      %dma_start3A_581 = arith.constant 0 : i32
      %dma_start3A_582 = tpu.memref_slice %arg6[%dma_start3A_581, %multiple_of3A_149] : memref<16x1000000xf32, #tpu.memory_space<hbm>> -> memref<16x128xf32, #tpu.memory_space<hbm>>
      tpu.enqueue_dma source(%dma_start3A_582 : memref<16x128xf32, #tpu.memory_space<hbm>>) target(%dma_start3A_580 : memref<16x128xf32, #tpu.memory_space<vmem>>) target_semaphore(%arg17 : memref<!tpu.dma_semaphore, #tpu.memory_space<semaphore_mem>>)
      %dma_start3A_583 = arith.constant 9 : i32
      %dma_start3A_584 = arith.constant 0 : i32
      %dma_start3A_585 = arith.constant 0 : i32
      %dma_start3A_586 = tpu.memref_slice %arg14[%dma_start3A_583, %dma_start3A_584, %dma_start3A_585] : memref<16x16x128xf32, #tpu.memory_space<vmem>> -> memref<1x16x128xf32, #tpu.memory_space<vmem>>
      %dma_start3A_587 = tpu.memref_squeeze %dma_start3A_586 : memref<1x16x128xf32, #tpu.memory_space<vmem>> -> memref<16x128xf32, #tpu.memory_space<vmem>>
      %dma_start3A_588 = arith.constant 0 : i32
      %dma_start3A_589 = tpu.memref_slice %arg6[%dma_start3A_588, %multiple_of3A_152] : memref<16x1000000xf32, #tpu.memory_space<hbm>> -> memref<16x128xf32, #tpu.memory_space<hbm>>
      %dma_start3A_590 = arith.constant 0 : i32
      %dma_start3A_591 = arith.constant 0 : i32
      %dma_start3A_592 = tpu.memref_slice %arg14[%dma_start3A_583, %dma_start3A_590, %dma_start3A_591] : memref<16x16x128xf32, #tpu.memory_space<vmem>> -> memref<1x16x128xf32, #tpu.memory_space<vmem>>
      %dma_start3A_593 = tpu.memref_squeeze %dma_start3A_592 : memref<1x16x128xf32, #tpu.memory_space<vmem>> -> memref<16x128xf32, #tpu.memory_space<vmem>>
      %dma_start3A_594 = arith.constant 0 : i32
      %dma_start3A_595 = tpu.memref_slice %arg6[%dma_start3A_594, %multiple_of3A_152] : memref<16x1000000xf32, #tpu.memory_space<hbm>> -> memref<16x128xf32, #tpu.memory_space<hbm>>
      tpu.enqueue_dma source(%dma_start3A_595 : memref<16x128xf32, #tpu.memory_space<hbm>>) target(%dma_start3A_593 : memref<16x128xf32, #tpu.memory_space<vmem>>) target_semaphore(%arg17 : memref<!tpu.dma_semaphore, #tpu.memory_space<semaphore_mem>>)
      %dma_start3A_596 = arith.constant 10 : i32
      %dma_start3A_597 = arith.constant 0 : i32
      %dma_start3A_598 = arith.constant 0 : i32
      %dma_start3A_599 = tpu.memref_slice %arg12[%dma_start3A_596, %dma_start3A_597, %dma_start3A_598] : memref<16x16x128xf32, #tpu.memory_space<vmem>> -> memref<1x16x128xf32, #tpu.memory_space<vmem>>
      %dma_start3A_600 = tpu.memref_squeeze %dma_start3A_599 : memref<1x16x128xf32, #tpu.memory_space<vmem>> -> memref<16x128xf32, #tpu.memory_space<vmem>>
      %dma_start3A_601 = arith.constant 0 : i32
      %dma_start3A_602 = tpu.memref_slice %arg5[%dma_start3A_601, %multiple_of3A_155] : memref<16x1000000xf32, #tpu.memory_space<hbm>> -> memref<16x128xf32, #tpu.memory_space<hbm>>
      %dma_start3A_603 = arith.constant 0 : i32
      %dma_start3A_604 = arith.constant 0 : i32
      %dma_start3A_605 = tpu.memref_slice %arg12[%dma_start3A_596, %dma_start3A_603, %dma_start3A_604] : memref<16x16x128xf32, #tpu.memory_space<vmem>> -> memref<1x16x128xf32, #tpu.memory_space<vmem>>
      %dma_start3A_606 = tpu.memref_squeeze %dma_start3A_605 : memref<1x16x128xf32, #tpu.memory_space<vmem>> -> memref<16x128xf32, #tpu.memory_space<vmem>>
      %dma_start3A_607 = arith.constant 0 : i32
      %dma_start3A_608 = tpu.memref_slice %arg5[%dma_start3A_607, %multiple_of3A_155] : memref<16x1000000xf32, #tpu.memory_space<hbm>> -> memref<16x128xf32, #tpu.memory_space<hbm>>
      tpu.enqueue_dma source(%dma_start3A_608 : memref<16x128xf32, #tpu.memory_space<hbm>>) target(%dma_start3A_606 : memref<16x128xf32, #tpu.memory_space<vmem>>) target_semaphore(%arg17 : memref<!tpu.dma_semaphore, #tpu.memory_space<semaphore_mem>>)
      %dma_start3A_609 = arith.constant 10 : i32
      %dma_start3A_610 = arith.constant 0 : i32
      %dma_start3A_611 = arith.constant 0 : i32
      %dma_start3A_612 = tpu.memref_slice %arg13[%dma_start3A_609, %dma_start3A_610, %dma_start3A_611] : memref<16x16x128xf32, #tpu.memory_space<vmem>> -> memref<1x16x128xf32, #tpu.memory_space<vmem>>
      %dma_start3A_613 = tpu.memref_squeeze %dma_start3A_612 : memref<1x16x128xf32, #tpu.memory_space<vmem>> -> memref<16x128xf32, #tpu.memory_space<vmem>>
      %dma_start3A_614 = arith.constant 0 : i32
      %dma_start3A_615 = tpu.memref_slice %arg6[%dma_start3A_614, %multiple_of3A_158] : memref<16x1000000xf32, #tpu.memory_space<hbm>> -> memref<16x128xf32, #tpu.memory_space<hbm>>
      %dma_start3A_616 = arith.constant 0 : i32
      %dma_start3A_617 = arith.constant 0 : i32
      %dma_start3A_618 = tpu.memref_slice %arg13[%dma_start3A_609, %dma_start3A_616, %dma_start3A_617] : memref<16x16x128xf32, #tpu.memory_space<vmem>> -> memref<1x16x128xf32, #tpu.memory_space<vmem>>
      %dma_start3A_619 = tpu.memref_squeeze %dma_start3A_618 : memref<1x16x128xf32, #tpu.memory_space<vmem>> -> memref<16x128xf32, #tpu.memory_space<vmem>>
      %dma_start3A_620 = arith.constant 0 : i32
      %dma_start3A_621 = tpu.memref_slice %arg6[%dma_start3A_620, %multiple_of3A_158] : memref<16x1000000xf32, #tpu.memory_space<hbm>> -> memref<16x128xf32, #tpu.memory_space<hbm>>
      tpu.enqueue_dma source(%dma_start3A_621 : memref<16x128xf32, #tpu.memory_space<hbm>>) target(%dma_start3A_619 : memref<16x128xf32, #tpu.memory_space<vmem>>) target_semaphore(%arg17 : memref<!tpu.dma_semaphore, #tpu.memory_space<semaphore_mem>>)
      %dma_start3A_622 = arith.constant 10 : i32
      %dma_start3A_623 = arith.constant 0 : i32
      %dma_start3A_624 = arith.constant 0 : i32
      %dma_start3A_625 = tpu.memref_slice %arg14[%dma_start3A_622, %dma_start3A_623, %dma_start3A_624] : memref<16x16x128xf32, #tpu.memory_space<vmem>> -> memref<1x16x128xf32, #tpu.memory_space<vmem>>
      %dma_start3A_626 = tpu.memref_squeeze %dma_start3A_625 : memref<1x16x128xf32, #tpu.memory_space<vmem>> -> memref<16x128xf32, #tpu.memory_space<vmem>>
      %dma_start3A_627 = arith.constant 0 : i32
      %dma_start3A_628 = tpu.memref_slice %arg6[%dma_start3A_627, %multiple_of3A_161] : memref<16x1000000xf32, #tpu.memory_space<hbm>> -> memref<16x128xf32, #tpu.memory_space<hbm>>
      %dma_start3A_629 = arith.constant 0 : i32
      %dma_start3A_630 = arith.constant 0 : i32
      %dma_start3A_631 = tpu.memref_slice %arg14[%dma_start3A_622, %dma_start3A_629, %dma_start3A_630] : memref<16x16x128xf32, #tpu.memory_space<vmem>> -> memref<1x16x128xf32, #tpu.memory_space<vmem>>
      %dma_start3A_632 = tpu.memref_squeeze %dma_start3A_631 : memref<1x16x128xf32, #tpu.memory_space<vmem>> -> memref<16x128xf32, #tpu.memory_space<vmem>>
      %dma_start3A_633 = arith.constant 0 : i32
      %dma_start3A_634 = tpu.memref_slice %arg6[%dma_start3A_633, %multiple_of3A_161] : memref<16x1000000xf32, #tpu.memory_space<hbm>> -> memref<16x128xf32, #tpu.memory_space<hbm>>
      tpu.enqueue_dma source(%dma_start3A_634 : memref<16x128xf32, #tpu.memory_space<hbm>>) target(%dma_start3A_632 : memref<16x128xf32, #tpu.memory_space<vmem>>) target_semaphore(%arg17 : memref<!tpu.dma_semaphore, #tpu.memory_space<semaphore_mem>>)
      %dma_start3A_635 = arith.constant 11 : i32
      %dma_start3A_636 = arith.constant 0 : i32
      %dma_start3A_637 = arith.constant 0 : i32
      %dma_start3A_638 = tpu.memref_slice %arg12[%dma_start3A_635, %dma_start3A_636, %dma_start3A_637] : memref<16x16x128xf32, #tpu.memory_space<vmem>> -> memref<1x16x128xf32, #tpu.memory_space<vmem>>
      %dma_start3A_639 = tpu.memref_squeeze %dma_start3A_638 : memref<1x16x128xf32, #tpu.memory_space<vmem>> -> memref<16x128xf32, #tpu.memory_space<vmem>>
      %dma_start3A_640 = arith.constant 0 : i32
      %dma_start3A_641 = tpu.memref_slice %arg5[%dma_start3A_640, %multiple_of3A_164] : memref<16x1000000xf32, #tpu.memory_space<hbm>> -> memref<16x128xf32, #tpu.memory_space<hbm>>
      %dma_start3A_642 = arith.constant 0 : i32
      %dma_start3A_643 = arith.constant 0 : i32
      %dma_start3A_644 = tpu.memref_slice %arg12[%dma_start3A_635, %dma_start3A_642, %dma_start3A_643] : memref<16x16x128xf32, #tpu.memory_space<vmem>> -> memref<1x16x128xf32, #tpu.memory_space<vmem>>
      %dma_start3A_645 = tpu.memref_squeeze %dma_start3A_644 : memref<1x16x128xf32, #tpu.memory_space<vmem>> -> memref<16x128xf32, #tpu.memory_space<vmem>>
      %dma_start3A_646 = arith.constant 0 : i32
      %dma_start3A_647 = tpu.memref_slice %arg5[%dma_start3A_646, %multiple_of3A_164] : memref<16x1000000xf32, #tpu.memory_space<hbm>> -> memref<16x128xf32, #tpu.memory_space<hbm>>
      tpu.enqueue_dma source(%dma_start3A_647 : memref<16x128xf32, #tpu.memory_space<hbm>>) target(%dma_start3A_645 : memref<16x128xf32, #tpu.memory_space<vmem>>) target_semaphore(%arg17 : memref<!tpu.dma_semaphore, #tpu.memory_space<semaphore_mem>>)
      %dma_start3A_648 = arith.constant 11 : i32
      %dma_start3A_649 = arith.constant 0 : i32
      %dma_start3A_650 = arith.constant 0 : i32
      %dma_start3A_651 = tpu.memref_slice %arg13[%dma_start3A_648, %dma_start3A_649, %dma_start3A_650] : memref<16x16x128xf32, #tpu.memory_space<vmem>> -> memref<1x16x128xf32, #tpu.memory_space<vmem>>
      %dma_start3A_652 = tpu.memref_squeeze %dma_start3A_651 : memref<1x16x128xf32, #tpu.memory_space<vmem>> -> memref<16x128xf32, #tpu.memory_space<vmem>>
      %dma_start3A_653 = arith.constant 0 : i32
      %dma_start3A_654 = tpu.memref_slice %arg6[%dma_start3A_653, %multiple_of3A_167] : memref<16x1000000xf32, #tpu.memory_space<hbm>> -> memref<16x128xf32, #tpu.memory_space<hbm>>
      %dma_start3A_655 = arith.constant 0 : i32
      %dma_start3A_656 = arith.constant 0 : i32
      %dma_start3A_657 = tpu.memref_slice %arg13[%dma_start3A_648, %dma_start3A_655, %dma_start3A_656] : memref<16x16x128xf32, #tpu.memory_space<vmem>> -> memref<1x16x128xf32, #tpu.memory_space<vmem>>
      %dma_start3A_658 = tpu.memref_squeeze %dma_start3A_657 : memref<1x16x128xf32, #tpu.memory_space<vmem>> -> memref<16x128xf32, #tpu.memory_space<vmem>>
      %dma_start3A_659 = arith.constant 0 : i32
      %dma_start3A_660 = tpu.memref_slice %arg6[%dma_start3A_659, %multiple_of3A_167] : memref<16x1000000xf32, #tpu.memory_space<hbm>> -> memref<16x128xf32, #tpu.memory_space<hbm>>
      tpu.enqueue_dma source(%dma_start3A_660 : memref<16x128xf32, #tpu.memory_space<hbm>>) target(%dma_start3A_658 : memref<16x128xf32, #tpu.memory_space<vmem>>) target_semaphore(%arg17 : memref<!tpu.dma_semaphore, #tpu.memory_space<semaphore_mem>>)
      %dma_start3A_661 = arith.constant 11 : i32
      %dma_start3A_662 = arith.constant 0 : i32
      %dma_start3A_663 = arith.constant 0 : i32
      %dma_start3A_664 = tpu.memref_slice %arg14[%dma_start3A_661, %dma_start3A_662, %dma_start3A_663] : memref<16x16x128xf32, #tpu.memory_space<vmem>> -> memref<1x16x128xf32, #tpu.memory_space<vmem>>
      %dma_start3A_665 = tpu.memref_squeeze %dma_start3A_664 : memref<1x16x128xf32, #tpu.memory_space<vmem>> -> memref<16x128xf32, #tpu.memory_space<vmem>>
      %dma_start3A_666 = arith.constant 0 : i32
      %dma_start3A_667 = tpu.memref_slice %arg6[%dma_start3A_666, %multiple_of3A_170] : memref<16x1000000xf32, #tpu.memory_space<hbm>> -> memref<16x128xf32, #tpu.memory_space<hbm>>
      %dma_start3A_668 = arith.constant 0 : i32
      %dma_start3A_669 = arith.constant 0 : i32
      %dma_start3A_670 = tpu.memref_slice %arg14[%dma_start3A_661, %dma_start3A_668, %dma_start3A_669] : memref<16x16x128xf32, #tpu.memory_space<vmem>> -> memref<1x16x128xf32, #tpu.memory_space<vmem>>
      %dma_start3A_671 = tpu.memref_squeeze %dma_start3A_670 : memref<1x16x128xf32, #tpu.memory_space<vmem>> -> memref<16x128xf32, #tpu.memory_space<vmem>>
      %dma_start3A_672 = arith.constant 0 : i32
      %dma_start3A_673 = tpu.memref_slice %arg6[%dma_start3A_672, %multiple_of3A_170] : memref<16x1000000xf32, #tpu.memory_space<hbm>> -> memref<16x128xf32, #tpu.memory_space<hbm>>
      tpu.enqueue_dma source(%dma_start3A_673 : memref<16x128xf32, #tpu.memory_space<hbm>>) target(%dma_start3A_671 : memref<16x128xf32, #tpu.memory_space<vmem>>) target_semaphore(%arg17 : memref<!tpu.dma_semaphore, #tpu.memory_space<semaphore_mem>>)
      %dma_start3A_674 = arith.constant 12 : i32
      %dma_start3A_675 = arith.constant 0 : i32
      %dma_start3A_676 = arith.constant 0 : i32
      %dma_start3A_677 = tpu.memref_slice %arg12[%dma_start3A_674, %dma_start3A_675, %dma_start3A_676] : memref<16x16x128xf32, #tpu.memory_space<vmem>> -> memref<1x16x128xf32, #tpu.memory_space<vmem>>
      %dma_start3A_678 = tpu.memref_squeeze %dma_start3A_677 : memref<1x16x128xf32, #tpu.memory_space<vmem>> -> memref<16x128xf32, #tpu.memory_space<vmem>>
      %dma_start3A_679 = arith.constant 0 : i32
      %dma_start3A_680 = tpu.memref_slice %arg5[%dma_start3A_679, %multiple_of3A_173] : memref<16x1000000xf32, #tpu.memory_space<hbm>> -> memref<16x128xf32, #tpu.memory_space<hbm>>
      %dma_start3A_681 = arith.constant 0 : i32
      %dma_start3A_682 = arith.constant 0 : i32
      %dma_start3A_683 = tpu.memref_slice %arg12[%dma_start3A_674, %dma_start3A_681, %dma_start3A_682] : memref<16x16x128xf32, #tpu.memory_space<vmem>> -> memref<1x16x128xf32, #tpu.memory_space<vmem>>
      %dma_start3A_684 = tpu.memref_squeeze %dma_start3A_683 : memref<1x16x128xf32, #tpu.memory_space<vmem>> -> memref<16x128xf32, #tpu.memory_space<vmem>>
      %dma_start3A_685 = arith.constant 0 : i32
      %dma_start3A_686 = tpu.memref_slice %arg5[%dma_start3A_685, %multiple_of3A_173] : memref<16x1000000xf32, #tpu.memory_space<hbm>> -> memref<16x128xf32, #tpu.memory_space<hbm>>
      tpu.enqueue_dma source(%dma_start3A_686 : memref<16x128xf32, #tpu.memory_space<hbm>>) target(%dma_start3A_684 : memref<16x128xf32, #tpu.memory_space<vmem>>) target_semaphore(%arg17 : memref<!tpu.dma_semaphore, #tpu.memory_space<semaphore_mem>>)
      %dma_start3A_687 = arith.constant 12 : i32
      %dma_start3A_688 = arith.constant 0 : i32
      %dma_start3A_689 = arith.constant 0 : i32
      %dma_start3A_690 = tpu.memref_slice %arg13[%dma_start3A_687, %dma_start3A_688, %dma_start3A_689] : memref<16x16x128xf32, #tpu.memory_space<vmem>> -> memref<1x16x128xf32, #tpu.memory_space<vmem>>
      %dma_start3A_691 = tpu.memref_squeeze %dma_start3A_690 : memref<1x16x128xf32, #tpu.memory_space<vmem>> -> memref<16x128xf32, #tpu.memory_space<vmem>>
      %dma_start3A_692 = arith.constant 0 : i32
      %dma_start3A_693 = tpu.memref_slice %arg6[%dma_start3A_692, %multiple_of3A_176] : memref<16x1000000xf32, #tpu.memory_space<hbm>> -> memref<16x128xf32, #tpu.memory_space<hbm>>
      %dma_start3A_694 = arith.constant 0 : i32
      %dma_start3A_695 = arith.constant 0 : i32
      %dma_start3A_696 = tpu.memref_slice %arg13[%dma_start3A_687, %dma_start3A_694, %dma_start3A_695] : memref<16x16x128xf32, #tpu.memory_space<vmem>> -> memref<1x16x128xf32, #tpu.memory_space<vmem>>
      %dma_start3A_697 = tpu.memref_squeeze %dma_start3A_696 : memref<1x16x128xf32, #tpu.memory_space<vmem>> -> memref<16x128xf32, #tpu.memory_space<vmem>>
      %dma_start3A_698 = arith.constant 0 : i32
      %dma_start3A_699 = tpu.memref_slice %arg6[%dma_start3A_698, %multiple_of3A_176] : memref<16x1000000xf32, #tpu.memory_space<hbm>> -> memref<16x128xf32, #tpu.memory_space<hbm>>
      tpu.enqueue_dma source(%dma_start3A_699 : memref<16x128xf32, #tpu.memory_space<hbm>>) target(%dma_start3A_697 : memref<16x128xf32, #tpu.memory_space<vmem>>) target_semaphore(%arg17 : memref<!tpu.dma_semaphore, #tpu.memory_space<semaphore_mem>>)
      %dma_start3A_700 = arith.constant 12 : i32
      %dma_start3A_701 = arith.constant 0 : i32
      %dma_start3A_702 = arith.constant 0 : i32
      %dma_start3A_703 = tpu.memref_slice %arg14[%dma_start3A_700, %dma_start3A_701, %dma_start3A_702] : memref<16x16x128xf32, #tpu.memory_space<vmem>> -> memref<1x16x128xf32, #tpu.memory_space<vmem>>
      %dma_start3A_704 = tpu.memref_squeeze %dma_start3A_703 : memref<1x16x128xf32, #tpu.memory_space<vmem>> -> memref<16x128xf32, #tpu.memory_space<vmem>>
      %dma_start3A_705 = arith.constant 0 : i32
      %dma_start3A_706 = tpu.memref_slice %arg6[%dma_start3A_705, %multiple_of3A_179] : memref<16x1000000xf32, #tpu.memory_space<hbm>> -> memref<16x128xf32, #tpu.memory_space<hbm>>
      %dma_start3A_707 = arith.constant 0 : i32
      %dma_start3A_708 = arith.constant 0 : i32
      %dma_start3A_709 = tpu.memref_slice %arg14[%dma_start3A_700, %dma_start3A_707, %dma_start3A_708] : memref<16x16x128xf32, #tpu.memory_space<vmem>> -> memref<1x16x128xf32, #tpu.memory_space<vmem>>
      %dma_start3A_710 = tpu.memref_squeeze %dma_start3A_709 : memref<1x16x128xf32, #tpu.memory_space<vmem>> -> memref<16x128xf32, #tpu.memory_space<vmem>>
      %dma_start3A_711 = arith.constant 0 : i32
      %dma_start3A_712 = tpu.memref_slice %arg6[%dma_start3A_711, %multiple_of3A_179] : memref<16x1000000xf32, #tpu.memory_space<hbm>> -> memref<16x128xf32, #tpu.memory_space<hbm>>
      tpu.enqueue_dma source(%dma_start3A_712 : memref<16x128xf32, #tpu.memory_space<hbm>>) target(%dma_start3A_710 : memref<16x128xf32, #tpu.memory_space<vmem>>) target_semaphore(%arg17 : memref<!tpu.dma_semaphore, #tpu.memory_space<semaphore_mem>>)
      %dma_start3A_713 = arith.constant 13 : i32
      %dma_start3A_714 = arith.constant 0 : i32
      %dma_start3A_715 = arith.constant 0 : i32
      %dma_start3A_716 = tpu.memref_slice %arg12[%dma_start3A_713, %dma_start3A_714, %dma_start3A_715] : memref<16x16x128xf32, #tpu.memory_space<vmem>> -> memref<1x16x128xf32, #tpu.memory_space<vmem>>
      %dma_start3A_717 = tpu.memref_squeeze %dma_start3A_716 : memref<1x16x128xf32, #tpu.memory_space<vmem>> -> memref<16x128xf32, #tpu.memory_space<vmem>>
      %dma_start3A_718 = arith.constant 0 : i32
      %dma_start3A_719 = tpu.memref_slice %arg5[%dma_start3A_718, %multiple_of3A_182] : memref<16x1000000xf32, #tpu.memory_space<hbm>> -> memref<16x128xf32, #tpu.memory_space<hbm>>
      %dma_start3A_720 = arith.constant 0 : i32
      %dma_start3A_721 = arith.constant 0 : i32
      %dma_start3A_722 = tpu.memref_slice %arg12[%dma_start3A_713, %dma_start3A_720, %dma_start3A_721] : memref<16x16x128xf32, #tpu.memory_space<vmem>> -> memref<1x16x128xf32, #tpu.memory_space<vmem>>
      %dma_start3A_723 = tpu.memref_squeeze %dma_start3A_722 : memref<1x16x128xf32, #tpu.memory_space<vmem>> -> memref<16x128xf32, #tpu.memory_space<vmem>>
      %dma_start3A_724 = arith.constant 0 : i32
      %dma_start3A_725 = tpu.memref_slice %arg5[%dma_start3A_724, %multiple_of3A_182] : memref<16x1000000xf32, #tpu.memory_space<hbm>> -> memref<16x128xf32, #tpu.memory_space<hbm>>
      tpu.enqueue_dma source(%dma_start3A_725 : memref<16x128xf32, #tpu.memory_space<hbm>>) target(%dma_start3A_723 : memref<16x128xf32, #tpu.memory_space<vmem>>) target_semaphore(%arg17 : memref<!tpu.dma_semaphore, #tpu.memory_space<semaphore_mem>>)
      %dma_start3A_726 = arith.constant 13 : i32
      %dma_start3A_727 = arith.constant 0 : i32
      %dma_start3A_728 = arith.constant 0 : i32
      %dma_start3A_729 = tpu.memref_slice %arg13[%dma_start3A_726, %dma_start3A_727, %dma_start3A_728] : memref<16x16x128xf32, #tpu.memory_space<vmem>> -> memref<1x16x128xf32, #tpu.memory_space<vmem>>
      %dma_start3A_730 = tpu.memref_squeeze %dma_start3A_729 : memref<1x16x128xf32, #tpu.memory_space<vmem>> -> memref<16x128xf32, #tpu.memory_space<vmem>>
      %dma_start3A_731 = arith.constant 0 : i32
      %dma_start3A_732 = tpu.memref_slice %arg6[%dma_start3A_731, %multiple_of3A_185] : memref<16x1000000xf32, #tpu.memory_space<hbm>> -> memref<16x128xf32, #tpu.memory_space<hbm>>
      %dma_start3A_733 = arith.constant 0 : i32
      %dma_start3A_734 = arith.constant 0 : i32
      %dma_start3A_735 = tpu.memref_slice %arg13[%dma_start3A_726, %dma_start3A_733, %dma_start3A_734] : memref<16x16x128xf32, #tpu.memory_space<vmem>> -> memref<1x16x128xf32, #tpu.memory_space<vmem>>
      %dma_start3A_736 = tpu.memref_squeeze %dma_start3A_735 : memref<1x16x128xf32, #tpu.memory_space<vmem>> -> memref<16x128xf32, #tpu.memory_space<vmem>>
      %dma_start3A_737 = arith.constant 0 : i32
      %dma_start3A_738 = tpu.memref_slice %arg6[%dma_start3A_737, %multiple_of3A_185] : memref<16x1000000xf32, #tpu.memory_space<hbm>> -> memref<16x128xf32, #tpu.memory_space<hbm>>
      tpu.enqueue_dma source(%dma_start3A_738 : memref<16x128xf32, #tpu.memory_space<hbm>>) target(%dma_start3A_736 : memref<16x128xf32, #tpu.memory_space<vmem>>) target_semaphore(%arg17 : memref<!tpu.dma_semaphore, #tpu.memory_space<semaphore_mem>>)
      %dma_start3A_739 = arith.constant 13 : i32
      %dma_start3A_740 = arith.constant 0 : i32
      %dma_start3A_741 = arith.constant 0 : i32
      %dma_start3A_742 = tpu.memref_slice %arg14[%dma_start3A_739, %dma_start3A_740, %dma_start3A_741] : memref<16x16x128xf32, #tpu.memory_space<vmem>> -> memref<1x16x128xf32, #tpu.memory_space<vmem>>
      %dma_start3A_743 = tpu.memref_squeeze %dma_start3A_742 : memref<1x16x128xf32, #tpu.memory_space<vmem>> -> memref<16x128xf32, #tpu.memory_space<vmem>>
      %dma_start3A_744 = arith.constant 0 : i32
      %dma_start3A_745 = tpu.memref_slice %arg6[%dma_start3A_744, %multiple_of3A_188] : memref<16x1000000xf32, #tpu.memory_space<hbm>> -> memref<16x128xf32, #tpu.memory_space<hbm>>
      %dma_start3A_746 = arith.constant 0 : i32
      %dma_start3A_747 = arith.constant 0 : i32
      %dma_start3A_748 = tpu.memref_slice %arg14[%dma_start3A_739, %dma_start3A_746, %dma_start3A_747] : memref<16x16x128xf32, #tpu.memory_space<vmem>> -> memref<1x16x128xf32, #tpu.memory_space<vmem>>
      %dma_start3A_749 = tpu.memref_squeeze %dma_start3A_748 : memref<1x16x128xf32, #tpu.memory_space<vmem>> -> memref<16x128xf32, #tpu.memory_space<vmem>>
      %dma_start3A_750 = arith.constant 0 : i32
      %dma_start3A_751 = tpu.memref_slice %arg6[%dma_start3A_750, %multiple_of3A_188] : memref<16x1000000xf32, #tpu.memory_space<hbm>> -> memref<16x128xf32, #tpu.memory_space<hbm>>
      tpu.enqueue_dma source(%dma_start3A_751 : memref<16x128xf32, #tpu.memory_space<hbm>>) target(%dma_start3A_749 : memref<16x128xf32, #tpu.memory_space<vmem>>) target_semaphore(%arg17 : memref<!tpu.dma_semaphore, #tpu.memory_space<semaphore_mem>>)
      %dma_start3A_752 = arith.constant 14 : i32
      %dma_start3A_753 = arith.constant 0 : i32
      %dma_start3A_754 = arith.constant 0 : i32
      %dma_start3A_755 = tpu.memref_slice %arg12[%dma_start3A_752, %dma_start3A_753, %dma_start3A_754] : memref<16x16x128xf32, #tpu.memory_space<vmem>> -> memref<1x16x128xf32, #tpu.memory_space<vmem>>
      %dma_start3A_756 = tpu.memref_squeeze %dma_start3A_755 : memref<1x16x128xf32, #tpu.memory_space<vmem>> -> memref<16x128xf32, #tpu.memory_space<vmem>>
      %dma_start3A_757 = arith.constant 0 : i32
      %dma_start3A_758 = tpu.memref_slice %arg5[%dma_start3A_757, %multiple_of3A_191] : memref<16x1000000xf32, #tpu.memory_space<hbm>> -> memref<16x128xf32, #tpu.memory_space<hbm>>
      %dma_start3A_759 = arith.constant 0 : i32
      %dma_start3A_760 = arith.constant 0 : i32
      %dma_start3A_761 = tpu.memref_slice %arg12[%dma_start3A_752, %dma_start3A_759, %dma_start3A_760] : memref<16x16x128xf32, #tpu.memory_space<vmem>> -> memref<1x16x128xf32, #tpu.memory_space<vmem>>
      %dma_start3A_762 = tpu.memref_squeeze %dma_start3A_761 : memref<1x16x128xf32, #tpu.memory_space<vmem>> -> memref<16x128xf32, #tpu.memory_space<vmem>>
      %dma_start3A_763 = arith.constant 0 : i32
      %dma_start3A_764 = tpu.memref_slice %arg5[%dma_start3A_763, %multiple_of3A_191] : memref<16x1000000xf32, #tpu.memory_space<hbm>> -> memref<16x128xf32, #tpu.memory_space<hbm>>
      tpu.enqueue_dma source(%dma_start3A_764 : memref<16x128xf32, #tpu.memory_space<hbm>>) target(%dma_start3A_762 : memref<16x128xf32, #tpu.memory_space<vmem>>) target_semaphore(%arg17 : memref<!tpu.dma_semaphore, #tpu.memory_space<semaphore_mem>>)
      %dma_start3A_765 = arith.constant 14 : i32
      %dma_start3A_766 = arith.constant 0 : i32
      %dma_start3A_767 = arith.constant 0 : i32
      %dma_start3A_768 = tpu.memref_slice %arg13[%dma_start3A_765, %dma_start3A_766, %dma_start3A_767] : memref<16x16x128xf32, #tpu.memory_space<vmem>> -> memref<1x16x128xf32, #tpu.memory_space<vmem>>
      %dma_start3A_769 = tpu.memref_squeeze %dma_start3A_768 : memref<1x16x128xf32, #tpu.memory_space<vmem>> -> memref<16x128xf32, #tpu.memory_space<vmem>>
      %dma_start3A_770 = arith.constant 0 : i32
      %dma_start3A_771 = tpu.memref_slice %arg6[%dma_start3A_770, %multiple_of3A_194] : memref<16x1000000xf32, #tpu.memory_space<hbm>> -> memref<16x128xf32, #tpu.memory_space<hbm>>
      %dma_start3A_772 = arith.constant 0 : i32
      %dma_start3A_773 = arith.constant 0 : i32
      %dma_start3A_774 = tpu.memref_slice %arg13[%dma_start3A_765, %dma_start3A_772, %dma_start3A_773] : memref<16x16x128xf32, #tpu.memory_space<vmem>> -> memref<1x16x128xf32, #tpu.memory_space<vmem>>
      %dma_start3A_775 = tpu.memref_squeeze %dma_start3A_774 : memref<1x16x128xf32, #tpu.memory_space<vmem>> -> memref<16x128xf32, #tpu.memory_space<vmem>>
      %dma_start3A_776 = arith.constant 0 : i32
      %dma_start3A_777 = tpu.memref_slice %arg6[%dma_start3A_776, %multiple_of3A_194] : memref<16x1000000xf32, #tpu.memory_space<hbm>> -> memref<16x128xf32, #tpu.memory_space<hbm>>
      tpu.enqueue_dma source(%dma_start3A_777 : memref<16x128xf32, #tpu.memory_space<hbm>>) target(%dma_start3A_775 : memref<16x128xf32, #tpu.memory_space<vmem>>) target_semaphore(%arg17 : memref<!tpu.dma_semaphore, #tpu.memory_space<semaphore_mem>>)
      %dma_start3A_778 = arith.constant 14 : i32
      %dma_start3A_779 = arith.constant 0 : i32
      %dma_start3A_780 = arith.constant 0 : i32
      %dma_start3A_781 = tpu.memref_slice %arg14[%dma_start3A_778, %dma_start3A_779, %dma_start3A_780] : memref<16x16x128xf32, #tpu.memory_space<vmem>> -> memref<1x16x128xf32, #tpu.memory_space<vmem>>
      %dma_start3A_782 = tpu.memref_squeeze %dma_start3A_781 : memref<1x16x128xf32, #tpu.memory_space<vmem>> -> memref<16x128xf32, #tpu.memory_space<vmem>>
      %dma_start3A_783 = arith.constant 0 : i32
      %dma_start3A_784 = tpu.memref_slice %arg6[%dma_start3A_783, %multiple_of3A_197] : memref<16x1000000xf32, #tpu.memory_space<hbm>> -> memref<16x128xf32, #tpu.memory_space<hbm>>
      %dma_start3A_785 = arith.constant 0 : i32
      %dma_start3A_786 = arith.constant 0 : i32
      %dma_start3A_787 = tpu.memref_slice %arg14[%dma_start3A_778, %dma_start3A_785, %dma_start3A_786] : memref<16x16x128xf32, #tpu.memory_space<vmem>> -> memref<1x16x128xf32, #tpu.memory_space<vmem>>
      %dma_start3A_788 = tpu.memref_squeeze %dma_start3A_787 : memref<1x16x128xf32, #tpu.memory_space<vmem>> -> memref<16x128xf32, #tpu.memory_space<vmem>>
      %dma_start3A_789 = arith.constant 0 : i32
      %dma_start3A_790 = tpu.memref_slice %arg6[%dma_start3A_789, %multiple_of3A_197] : memref<16x1000000xf32, #tpu.memory_space<hbm>> -> memref<16x128xf32, #tpu.memory_space<hbm>>
      tpu.enqueue_dma source(%dma_start3A_790 : memref<16x128xf32, #tpu.memory_space<hbm>>) target(%dma_start3A_788 : memref<16x128xf32, #tpu.memory_space<vmem>>) target_semaphore(%arg17 : memref<!tpu.dma_semaphore, #tpu.memory_space<semaphore_mem>>)
      %dma_start3A_791 = arith.constant 15 : i32
      %dma_start3A_792 = arith.constant 0 : i32
      %dma_start3A_793 = arith.constant 0 : i32
      %dma_start3A_794 = tpu.memref_slice %arg12[%dma_start3A_791, %dma_start3A_792, %dma_start3A_793] : memref<16x16x128xf32, #tpu.memory_space<vmem>> -> memref<1x16x128xf32, #tpu.memory_space<vmem>>
      %dma_start3A_795 = tpu.memref_squeeze %dma_start3A_794 : memref<1x16x128xf32, #tpu.memory_space<vmem>> -> memref<16x128xf32, #tpu.memory_space<vmem>>
      %dma_start3A_796 = arith.constant 0 : i32
      %dma_start3A_797 = tpu.memref_slice %arg5[%dma_start3A_796, %multiple_of3A_200] : memref<16x1000000xf32, #tpu.memory_space<hbm>> -> memref<16x128xf32, #tpu.memory_space<hbm>>
      %dma_start3A_798 = arith.constant 0 : i32
      %dma_start3A_799 = arith.constant 0 : i32
      %dma_start3A_800 = tpu.memref_slice %arg12[%dma_start3A_791, %dma_start3A_798, %dma_start3A_799] : memref<16x16x128xf32, #tpu.memory_space<vmem>> -> memref<1x16x128xf32, #tpu.memory_space<vmem>>
      %dma_start3A_801 = tpu.memref_squeeze %dma_start3A_800 : memref<1x16x128xf32, #tpu.memory_space<vmem>> -> memref<16x128xf32, #tpu.memory_space<vmem>>
      %dma_start3A_802 = arith.constant 0 : i32
      %dma_start3A_803 = tpu.memref_slice %arg5[%dma_start3A_802, %multiple_of3A_200] : memref<16x1000000xf32, #tpu.memory_space<hbm>> -> memref<16x128xf32, #tpu.memory_space<hbm>>
      tpu.enqueue_dma source(%dma_start3A_803 : memref<16x128xf32, #tpu.memory_space<hbm>>) target(%dma_start3A_801 : memref<16x128xf32, #tpu.memory_space<vmem>>) target_semaphore(%arg17 : memref<!tpu.dma_semaphore, #tpu.memory_space<semaphore_mem>>)
      %dma_start3A_804 = arith.constant 15 : i32
      %dma_start3A_805 = arith.constant 0 : i32
      %dma_start3A_806 = arith.constant 0 : i32
      %dma_start3A_807 = tpu.memref_slice %arg13[%dma_start3A_804, %dma_start3A_805, %dma_start3A_806] : memref<16x16x128xf32, #tpu.memory_space<vmem>> -> memref<1x16x128xf32, #tpu.memory_space<vmem>>
      %dma_start3A_808 = tpu.memref_squeeze %dma_start3A_807 : memref<1x16x128xf32, #tpu.memory_space<vmem>> -> memref<16x128xf32, #tpu.memory_space<vmem>>
      %dma_start3A_809 = arith.constant 0 : i32
      %dma_start3A_810 = tpu.memref_slice %arg6[%dma_start3A_809, %multiple_of3A_203] : memref<16x1000000xf32, #tpu.memory_space<hbm>> -> memref<16x128xf32, #tpu.memory_space<hbm>>
      %dma_start3A_811 = arith.constant 0 : i32
      %dma_start3A_812 = arith.constant 0 : i32
      %dma_start3A_813 = tpu.memref_slice %arg13[%dma_start3A_804, %dma_start3A_811, %dma_start3A_812] : memref<16x16x128xf32, #tpu.memory_space<vmem>> -> memref<1x16x128xf32, #tpu.memory_space<vmem>>
      %dma_start3A_814 = tpu.memref_squeeze %dma_start3A_813 : memref<1x16x128xf32, #tpu.memory_space<vmem>> -> memref<16x128xf32, #tpu.memory_space<vmem>>
      %dma_start3A_815 = arith.constant 0 : i32
      %dma_start3A_816 = tpu.memref_slice %arg6[%dma_start3A_815, %multiple_of3A_203] : memref<16x1000000xf32, #tpu.memory_space<hbm>> -> memref<16x128xf32, #tpu.memory_space<hbm>>
      tpu.enqueue_dma source(%dma_start3A_816 : memref<16x128xf32, #tpu.memory_space<hbm>>) target(%dma_start3A_814 : memref<16x128xf32, #tpu.memory_space<vmem>>) target_semaphore(%arg17 : memref<!tpu.dma_semaphore, #tpu.memory_space<semaphore_mem>>)
      %dma_start3A_817 = arith.constant 15 : i32
      %dma_start3A_818 = arith.constant 0 : i32
      %dma_start3A_819 = arith.constant 0 : i32
      %dma_start3A_820 = tpu.memref_slice %arg14[%dma_start3A_817, %dma_start3A_818, %dma_start3A_819] : memref<16x16x128xf32, #tpu.memory_space<vmem>> -> memref<1x16x128xf32, #tpu.memory_space<vmem>>
      %dma_start3A_821 = tpu.memref_squeeze %dma_start3A_820 : memref<1x16x128xf32, #tpu.memory_space<vmem>> -> memref<16x128xf32, #tpu.memory_space<vmem>>
      %dma_start3A_822 = arith.constant 0 : i32
      %dma_start3A_823 = tpu.memref_slice %arg6[%dma_start3A_822, %multiple_of3A_206] : memref<16x1000000xf32, #tpu.memory_space<hbm>> -> memref<16x128xf32, #tpu.memory_space<hbm>>
      %dma_start3A_824 = arith.constant 0 : i32
      %dma_start3A_825 = arith.constant 0 : i32
      %dma_start3A_826 = tpu.memref_slice %arg14[%dma_start3A_817, %dma_start3A_824, %dma_start3A_825] : memref<16x16x128xf32, #tpu.memory_space<vmem>> -> memref<1x16x128xf32, #tpu.memory_space<vmem>>
      %dma_start3A_827 = tpu.memref_squeeze %dma_start3A_826 : memref<1x16x128xf32, #tpu.memory_space<vmem>> -> memref<16x128xf32, #tpu.memory_space<vmem>>
      %dma_start3A_828 = arith.constant 0 : i32
      %dma_start3A_829 = tpu.memref_slice %arg6[%dma_start3A_828, %multiple_of3A_206] : memref<16x1000000xf32, #tpu.memory_space<hbm>> -> memref<16x128xf32, #tpu.memory_space<hbm>>
      tpu.enqueue_dma source(%dma_start3A_829 : memref<16x128xf32, #tpu.memory_space<hbm>>) target(%dma_start3A_827 : memref<16x128xf32, #tpu.memory_space<vmem>>) target_semaphore(%arg17 : memref<!tpu.dma_semaphore, #tpu.memory_space<semaphore_mem>>)
      %dma_wait3A = arith.constant 0 : i32
      %dma_wait3A_830 = arith.constant 0 : i32
      %dma_wait3A_831 = arith.constant 0 : i32
      %dma_wait3A_832 = tpu.memref_slice %arg12[%dma_wait3A, %dma_wait3A_830, %dma_wait3A_831] : memref<16x16x128xf32, #tpu.memory_space<vmem>> -> memref<1x16x128xf32, #tpu.memory_space<vmem>>
      %dma_wait3A_833 = tpu.memref_squeeze %dma_wait3A_832 : memref<1x16x128xf32, #tpu.memory_space<vmem>> -> memref<16x128xf32, #tpu.memory_space<vmem>>
      %dma_wait3A_834 = arith.constant 0 : i32
      %dma_wait3A_835 = tpu.memref_slice %arg5[%dma_wait3A_834, %multiple_of3A] : memref<16x1000000xf32, #tpu.memory_space<hbm>> -> memref<16x128xf32, #tpu.memory_space<hbm>>
      %dma_wait3A_836 = arith.constant 0 : i32
      %dma_wait3A_837 = arith.constant 0 : i32
      %dma_wait3A_838 = tpu.memref_slice %arg12[%dma_wait3A, %dma_wait3A_836, %dma_wait3A_837] : memref<16x16x128xf32, #tpu.memory_space<vmem>> -> memref<1x16x128xf32, #tpu.memory_space<vmem>>
      %dma_wait3A_839 = tpu.memref_squeeze %dma_wait3A_838 : memref<1x16x128xf32, #tpu.memory_space<vmem>> -> memref<16x128xf32, #tpu.memory_space<vmem>>
      %dma_wait3A_840 = arith.constant 0 : i32
      %dma_wait3A_841 = tpu.memref_slice %arg5[%dma_wait3A_840, %multiple_of3A] : memref<16x1000000xf32, #tpu.memory_space<hbm>> -> memref<16x128xf32, #tpu.memory_space<hbm>>
      tpu.wait_dma2 semaphore(%arg17 : memref<!tpu.dma_semaphore, #tpu.memory_space<semaphore_mem>>) src(%dma_wait3A_841 : memref<16x128xf32, #tpu.memory_space<hbm>>) dst(%dma_wait3A_839 : memref<16x128xf32, #tpu.memory_space<vmem>>)
      %dma_wait3A_842 = arith.constant 0 : i32
      %dma_wait3A_843 = arith.constant 0 : i32
      %dma_wait3A_844 = arith.constant 0 : i32
      %dma_wait3A_845 = tpu.memref_slice %arg13[%dma_wait3A_842, %dma_wait3A_843, %dma_wait3A_844] : memref<16x16x128xf32, #tpu.memory_space<vmem>> -> memref<1x16x128xf32, #tpu.memory_space<vmem>>
      %dma_wait3A_846 = tpu.memref_squeeze %dma_wait3A_845 : memref<1x16x128xf32, #tpu.memory_space<vmem>> -> memref<16x128xf32, #tpu.memory_space<vmem>>
      %dma_wait3A_847 = arith.constant 0 : i32
      %dma_wait3A_848 = tpu.memref_slice %arg6[%dma_wait3A_847, %multiple_of3A_68] : memref<16x1000000xf32, #tpu.memory_space<hbm>> -> memref<16x128xf32, #tpu.memory_space<hbm>>
      %dma_wait3A_849 = arith.constant 0 : i32
      %dma_wait3A_850 = arith.constant 0 : i32
      %dma_wait3A_851 = tpu.memref_slice %arg13[%dma_wait3A_842, %dma_wait3A_849, %dma_wait3A_850] : memref<16x16x128xf32, #tpu.memory_space<vmem>> -> memref<1x16x128xf32, #tpu.memory_space<vmem>>
      %dma_wait3A_852 = tpu.memref_squeeze %dma_wait3A_851 : memref<1x16x128xf32, #tpu.memory_space<vmem>> -> memref<16x128xf32, #tpu.memory_space<vmem>>
      %dma_wait3A_853 = arith.constant 0 : i32
      %dma_wait3A_854 = tpu.memref_slice %arg6[%dma_wait3A_853, %multiple_of3A_68] : memref<16x1000000xf32, #tpu.memory_space<hbm>> -> memref<16x128xf32, #tpu.memory_space<hbm>>
      tpu.wait_dma2 semaphore(%arg17 : memref<!tpu.dma_semaphore, #tpu.memory_space<semaphore_mem>>) src(%dma_wait3A_854 : memref<16x128xf32, #tpu.memory_space<hbm>>) dst(%dma_wait3A_852 : memref<16x128xf32, #tpu.memory_space<vmem>>)
      %dma_wait3A_855 = arith.constant 0 : i32
      %dma_wait3A_856 = arith.constant 0 : i32
      %dma_wait3A_857 = arith.constant 0 : i32
      %dma_wait3A_858 = tpu.memref_slice %arg14[%dma_wait3A_855, %dma_wait3A_856, %dma_wait3A_857] : memref<16x16x128xf32, #tpu.memory_space<vmem>> -> memref<1x16x128xf32, #tpu.memory_space<vmem>>
      %dma_wait3A_859 = tpu.memref_squeeze %dma_wait3A_858 : memref<1x16x128xf32, #tpu.memory_space<vmem>> -> memref<16x128xf32, #tpu.memory_space<vmem>>
      %dma_wait3A_860 = arith.constant 0 : i32
      %dma_wait3A_861 = tpu.memref_slice %arg6[%dma_wait3A_860, %multiple_of3A_71] : memref<16x1000000xf32, #tpu.memory_space<hbm>> -> memref<16x128xf32, #tpu.memory_space<hbm>>
      %dma_wait3A_862 = arith.constant 0 : i32
      %dma_wait3A_863 = arith.constant 0 : i32
      %dma_wait3A_864 = tpu.memref_slice %arg14[%dma_wait3A_855, %dma_wait3A_862, %dma_wait3A_863] : memref<16x16x128xf32, #tpu.memory_space<vmem>> -> memref<1x16x128xf32, #tpu.memory_space<vmem>>
      %dma_wait3A_865 = tpu.memref_squeeze %dma_wait3A_864 : memref<1x16x128xf32, #tpu.memory_space<vmem>> -> memref<16x128xf32, #tpu.memory_space<vmem>>
      %dma_wait3A_866 = arith.constant 0 : i32
      %dma_wait3A_867 = tpu.memref_slice %arg6[%dma_wait3A_866, %multiple_of3A_71] : memref<16x1000000xf32, #tpu.memory_space<hbm>> -> memref<16x128xf32, #tpu.memory_space<hbm>>
      tpu.wait_dma2 semaphore(%arg17 : memref<!tpu.dma_semaphore, #tpu.memory_space<semaphore_mem>>) src(%dma_wait3A_867 : memref<16x128xf32, #tpu.memory_space<hbm>>) dst(%dma_wait3A_865 : memref<16x128xf32, #tpu.memory_space<vmem>>)
      %dma_wait3A_868 = arith.constant 1 : i32
      %dma_wait3A_869 = arith.constant 0 : i32
      %dma_wait3A_870 = arith.constant 0 : i32
      %dma_wait3A_871 = tpu.memref_slice %arg12[%dma_wait3A_868, %dma_wait3A_869, %dma_wait3A_870] : memref<16x16x128xf32, #tpu.memory_space<vmem>> -> memref<1x16x128xf32, #tpu.memory_space<vmem>>
      %dma_wait3A_872 = tpu.memref_squeeze %dma_wait3A_871 : memref<1x16x128xf32, #tpu.memory_space<vmem>> -> memref<16x128xf32, #tpu.memory_space<vmem>>
      %dma_wait3A_873 = arith.constant 0 : i32
      %dma_wait3A_874 = tpu.memref_slice %arg5[%dma_wait3A_873, %multiple_of3A_74] : memref<16x1000000xf32, #tpu.memory_space<hbm>> -> memref<16x128xf32, #tpu.memory_space<hbm>>
      %dma_wait3A_875 = arith.constant 0 : i32
      %dma_wait3A_876 = arith.constant 0 : i32
      %dma_wait3A_877 = tpu.memref_slice %arg12[%dma_wait3A_868, %dma_wait3A_875, %dma_wait3A_876] : memref<16x16x128xf32, #tpu.memory_space<vmem>> -> memref<1x16x128xf32, #tpu.memory_space<vmem>>
      %dma_wait3A_878 = tpu.memref_squeeze %dma_wait3A_877 : memref<1x16x128xf32, #tpu.memory_space<vmem>> -> memref<16x128xf32, #tpu.memory_space<vmem>>
      %dma_wait3A_879 = arith.constant 0 : i32
      %dma_wait3A_880 = tpu.memref_slice %arg5[%dma_wait3A_879, %multiple_of3A_74] : memref<16x1000000xf32, #tpu.memory_space<hbm>> -> memref<16x128xf32, #tpu.memory_space<hbm>>
      tpu.wait_dma2 semaphore(%arg17 : memref<!tpu.dma_semaphore, #tpu.memory_space<semaphore_mem>>) src(%dma_wait3A_880 : memref<16x128xf32, #tpu.memory_space<hbm>>) dst(%dma_wait3A_878 : memref<16x128xf32, #tpu.memory_space<vmem>>)
      %dma_wait3A_881 = arith.constant 1 : i32
      %dma_wait3A_882 = arith.constant 0 : i32
      %dma_wait3A_883 = arith.constant 0 : i32
      %dma_wait3A_884 = tpu.memref_slice %arg13[%dma_wait3A_881, %dma_wait3A_882, %dma_wait3A_883] : memref<16x16x128xf32, #tpu.memory_space<vmem>> -> memref<1x16x128xf32, #tpu.memory_space<vmem>>
      %dma_wait3A_885 = tpu.memref_squeeze %dma_wait3A_884 : memref<1x16x128xf32, #tpu.memory_space<vmem>> -> memref<16x128xf32, #tpu.memory_space<vmem>>
      %dma_wait3A_886 = arith.constant 0 : i32
      %dma_wait3A_887 = tpu.memref_slice %arg6[%dma_wait3A_886, %multiple_of3A_77] : memref<16x1000000xf32, #tpu.memory_space<hbm>> -> memref<16x128xf32, #tpu.memory_space<hbm>>
      %dma_wait3A_888 = arith.constant 0 : i32
      %dma_wait3A_889 = arith.constant 0 : i32
      %dma_wait3A_890 = tpu.memref_slice %arg13[%dma_wait3A_881, %dma_wait3A_888, %dma_wait3A_889] : memref<16x16x128xf32, #tpu.memory_space<vmem>> -> memref<1x16x128xf32, #tpu.memory_space<vmem>>
      %dma_wait3A_891 = tpu.memref_squeeze %dma_wait3A_890 : memref<1x16x128xf32, #tpu.memory_space<vmem>> -> memref<16x128xf32, #tpu.memory_space<vmem>>
      %dma_wait3A_892 = arith.constant 0 : i32
      %dma_wait3A_893 = tpu.memref_slice %arg6[%dma_wait3A_892, %multiple_of3A_77] : memref<16x1000000xf32, #tpu.memory_space<hbm>> -> memref<16x128xf32, #tpu.memory_space<hbm>>
      tpu.wait_dma2 semaphore(%arg17 : memref<!tpu.dma_semaphore, #tpu.memory_space<semaphore_mem>>) src(%dma_wait3A_893 : memref<16x128xf32, #tpu.memory_space<hbm>>) dst(%dma_wait3A_891 : memref<16x128xf32, #tpu.memory_space<vmem>>)
      %dma_wait3A_894 = arith.constant 1 : i32
      %dma_wait3A_895 = arith.constant 0 : i32
      %dma_wait3A_896 = arith.constant 0 : i32
      %dma_wait3A_897 = tpu.memref_slice %arg14[%dma_wait3A_894, %dma_wait3A_895, %dma_wait3A_896] : memref<16x16x128xf32, #tpu.memory_space<vmem>> -> memref<1x16x128xf32, #tpu.memory_space<vmem>>
      %dma_wait3A_898 = tpu.memref_squeeze %dma_wait3A_897 : memref<1x16x128xf32, #tpu.memory_space<vmem>> -> memref<16x128xf32, #tpu.memory_space<vmem>>
      %dma_wait3A_899 = arith.constant 0 : i32
      %dma_wait3A_900 = tpu.memref_slice %arg6[%dma_wait3A_899, %multiple_of3A_80] : memref<16x1000000xf32, #tpu.memory_space<hbm>> -> memref<16x128xf32, #tpu.memory_space<hbm>>
      %dma_wait3A_901 = arith.constant 0 : i32
      %dma_wait3A_902 = arith.constant 0 : i32
      %dma_wait3A_903 = tpu.memref_slice %arg14[%dma_wait3A_894, %dma_wait3A_901, %dma_wait3A_902] : memref<16x16x128xf32, #tpu.memory_space<vmem>> -> memref<1x16x128xf32, #tpu.memory_space<vmem>>
      %dma_wait3A_904 = tpu.memref_squeeze %dma_wait3A_903 : memref<1x16x128xf32, #tpu.memory_space<vmem>> -> memref<16x128xf32, #tpu.memory_space<vmem>>
      %dma_wait3A_905 = arith.constant 0 : i32
      %dma_wait3A_906 = tpu.memref_slice %arg6[%dma_wait3A_905, %multiple_of3A_80] : memref<16x1000000xf32, #tpu.memory_space<hbm>> -> memref<16x128xf32, #tpu.memory_space<hbm>>
      tpu.wait_dma2 semaphore(%arg17 : memref<!tpu.dma_semaphore, #tpu.memory_space<semaphore_mem>>) src(%dma_wait3A_906 : memref<16x128xf32, #tpu.memory_space<hbm>>) dst(%dma_wait3A_904 : memref<16x128xf32, #tpu.memory_space<vmem>>)
      %dma_wait3A_907 = arith.constant 2 : i32
      %dma_wait3A_908 = arith.constant 0 : i32
      %dma_wait3A_909 = arith.constant 0 : i32
      %dma_wait3A_910 = tpu.memref_slice %arg12[%dma_wait3A_907, %dma_wait3A_908, %dma_wait3A_909] : memref<16x16x128xf32, #tpu.memory_space<vmem>> -> memref<1x16x128xf32, #tpu.memory_space<vmem>>
      %dma_wait3A_911 = tpu.memref_squeeze %dma_wait3A_910 : memref<1x16x128xf32, #tpu.memory_space<vmem>> -> memref<16x128xf32, #tpu.memory_space<vmem>>
      %dma_wait3A_912 = arith.constant 0 : i32
      %dma_wait3A_913 = tpu.memref_slice %arg5[%dma_wait3A_912, %multiple_of3A_83] : memref<16x1000000xf32, #tpu.memory_space<hbm>> -> memref<16x128xf32, #tpu.memory_space<hbm>>
      %dma_wait3A_914 = arith.constant 0 : i32
      %dma_wait3A_915 = arith.constant 0 : i32
      %dma_wait3A_916 = tpu.memref_slice %arg12[%dma_wait3A_907, %dma_wait3A_914, %dma_wait3A_915] : memref<16x16x128xf32, #tpu.memory_space<vmem>> -> memref<1x16x128xf32, #tpu.memory_space<vmem>>
      %dma_wait3A_917 = tpu.memref_squeeze %dma_wait3A_916 : memref<1x16x128xf32, #tpu.memory_space<vmem>> -> memref<16x128xf32, #tpu.memory_space<vmem>>
      %dma_wait3A_918 = arith.constant 0 : i32
      %dma_wait3A_919 = tpu.memref_slice %arg5[%dma_wait3A_918, %multiple_of3A_83] : memref<16x1000000xf32, #tpu.memory_space<hbm>> -> memref<16x128xf32, #tpu.memory_space<hbm>>
      tpu.wait_dma2 semaphore(%arg17 : memref<!tpu.dma_semaphore, #tpu.memory_space<semaphore_mem>>) src(%dma_wait3A_919 : memref<16x128xf32, #tpu.memory_space<hbm>>) dst(%dma_wait3A_917 : memref<16x128xf32, #tpu.memory_space<vmem>>)
      %dma_wait3A_920 = arith.constant 2 : i32
      %dma_wait3A_921 = arith.constant 0 : i32
      %dma_wait3A_922 = arith.constant 0 : i32
      %dma_wait3A_923 = tpu.memref_slice %arg13[%dma_wait3A_920, %dma_wait3A_921, %dma_wait3A_922] : memref<16x16x128xf32, #tpu.memory_space<vmem>> -> memref<1x16x128xf32, #tpu.memory_space<vmem>>
      %dma_wait3A_924 = tpu.memref_squeeze %dma_wait3A_923 : memref<1x16x128xf32, #tpu.memory_space<vmem>> -> memref<16x128xf32, #tpu.memory_space<vmem>>
      %dma_wait3A_925 = arith.constant 0 : i32
      %dma_wait3A_926 = tpu.memref_slice %arg6[%dma_wait3A_925, %multiple_of3A_86] : memref<16x1000000xf32, #tpu.memory_space<hbm>> -> memref<16x128xf32, #tpu.memory_space<hbm>>
      %dma_wait3A_927 = arith.constant 0 : i32
      %dma_wait3A_928 = arith.constant 0 : i32
      %dma_wait3A_929 = tpu.memref_slice %arg13[%dma_wait3A_920, %dma_wait3A_927, %dma_wait3A_928] : memref<16x16x128xf32, #tpu.memory_space<vmem>> -> memref<1x16x128xf32, #tpu.memory_space<vmem>>
      %dma_wait3A_930 = tpu.memref_squeeze %dma_wait3A_929 : memref<1x16x128xf32, #tpu.memory_space<vmem>> -> memref<16x128xf32, #tpu.memory_space<vmem>>
      %dma_wait3A_931 = arith.constant 0 : i32
      %dma_wait3A_932 = tpu.memref_slice %arg6[%dma_wait3A_931, %multiple_of3A_86] : memref<16x1000000xf32, #tpu.memory_space<hbm>> -> memref<16x128xf32, #tpu.memory_space<hbm>>
      tpu.wait_dma2 semaphore(%arg17 : memref<!tpu.dma_semaphore, #tpu.memory_space<semaphore_mem>>) src(%dma_wait3A_932 : memref<16x128xf32, #tpu.memory_space<hbm>>) dst(%dma_wait3A_930 : memref<16x128xf32, #tpu.memory_space<vmem>>)
      %dma_wait3A_933 = arith.constant 2 : i32
      %dma_wait3A_934 = arith.constant 0 : i32
      %dma_wait3A_935 = arith.constant 0 : i32
      %dma_wait3A_936 = tpu.memref_slice %arg14[%dma_wait3A_933, %dma_wait3A_934, %dma_wait3A_935] : memref<16x16x128xf32, #tpu.memory_space<vmem>> -> memref<1x16x128xf32, #tpu.memory_space<vmem>>
      %dma_wait3A_937 = tpu.memref_squeeze %dma_wait3A_936 : memref<1x16x128xf32, #tpu.memory_space<vmem>> -> memref<16x128xf32, #tpu.memory_space<vmem>>
      %dma_wait3A_938 = arith.constant 0 : i32
      %dma_wait3A_939 = tpu.memref_slice %arg6[%dma_wait3A_938, %multiple_of3A_89] : memref<16x1000000xf32, #tpu.memory_space<hbm>> -> memref<16x128xf32, #tpu.memory_space<hbm>>
      %dma_wait3A_940 = arith.constant 0 : i32
      %dma_wait3A_941 = arith.constant 0 : i32
      %dma_wait3A_942 = tpu.memref_slice %arg14[%dma_wait3A_933, %dma_wait3A_940, %dma_wait3A_941] : memref<16x16x128xf32, #tpu.memory_space<vmem>> -> memref<1x16x128xf32, #tpu.memory_space<vmem>>
      %dma_wait3A_943 = tpu.memref_squeeze %dma_wait3A_942 : memref<1x16x128xf32, #tpu.memory_space<vmem>> -> memref<16x128xf32, #tpu.memory_space<vmem>>
      %dma_wait3A_944 = arith.constant 0 : i32
      %dma_wait3A_945 = tpu.memref_slice %arg6[%dma_wait3A_944, %multiple_of3A_89] : memref<16x1000000xf32, #tpu.memory_space<hbm>> -> memref<16x128xf32, #tpu.memory_space<hbm>>
      tpu.wait_dma2 semaphore(%arg17 : memref<!tpu.dma_semaphore, #tpu.memory_space<semaphore_mem>>) src(%dma_wait3A_945 : memref<16x128xf32, #tpu.memory_space<hbm>>) dst(%dma_wait3A_943 : memref<16x128xf32, #tpu.memory_space<vmem>>)
      %dma_wait3A_946 = arith.constant 3 : i32
      %dma_wait3A_947 = arith.constant 0 : i32
      %dma_wait3A_948 = arith.constant 0 : i32
      %dma_wait3A_949 = tpu.memref_slice %arg12[%dma_wait3A_946, %dma_wait3A_947, %dma_wait3A_948] : memref<16x16x128xf32, #tpu.memory_space<vmem>> -> memref<1x16x128xf32, #tpu.memory_space<vmem>>
      %dma_wait3A_950 = tpu.memref_squeeze %dma_wait3A_949 : memref<1x16x128xf32, #tpu.memory_space<vmem>> -> memref<16x128xf32, #tpu.memory_space<vmem>>
      %dma_wait3A_951 = arith.constant 0 : i32
      %dma_wait3A_952 = tpu.memref_slice %arg5[%dma_wait3A_951, %multiple_of3A_92] : memref<16x1000000xf32, #tpu.memory_space<hbm>> -> memref<16x128xf32, #tpu.memory_space<hbm>>
      %dma_wait3A_953 = arith.constant 0 : i32
      %dma_wait3A_954 = arith.constant 0 : i32
      %dma_wait3A_955 = tpu.memref_slice %arg12[%dma_wait3A_946, %dma_wait3A_953, %dma_wait3A_954] : memref<16x16x128xf32, #tpu.memory_space<vmem>> -> memref<1x16x128xf32, #tpu.memory_space<vmem>>
      %dma_wait3A_956 = tpu.memref_squeeze %dma_wait3A_955 : memref<1x16x128xf32, #tpu.memory_space<vmem>> -> memref<16x128xf32, #tpu.memory_space<vmem>>
      %dma_wait3A_957 = arith.constant 0 : i32
      %dma_wait3A_958 = tpu.memref_slice %arg5[%dma_wait3A_957, %multiple_of3A_92] : memref<16x1000000xf32, #tpu.memory_space<hbm>> -> memref<16x128xf32, #tpu.memory_space<hbm>>
      tpu.wait_dma2 semaphore(%arg17 : memref<!tpu.dma_semaphore, #tpu.memory_space<semaphore_mem>>) src(%dma_wait3A_958 : memref<16x128xf32, #tpu.memory_space<hbm>>) dst(%dma_wait3A_956 : memref<16x128xf32, #tpu.memory_space<vmem>>)
      %dma_wait3A_959 = arith.constant 3 : i32
      %dma_wait3A_960 = arith.constant 0 : i32
      %dma_wait3A_961 = arith.constant 0 : i32
      %dma_wait3A_962 = tpu.memref_slice %arg13[%dma_wait3A_959, %dma_wait3A_960, %dma_wait3A_961] : memref<16x16x128xf32, #tpu.memory_space<vmem>> -> memref<1x16x128xf32, #tpu.memory_space<vmem>>
      %dma_wait3A_963 = tpu.memref_squeeze %dma_wait3A_962 : memref<1x16x128xf32, #tpu.memory_space<vmem>> -> memref<16x128xf32, #tpu.memory_space<vmem>>
      %dma_wait3A_964 = arith.constant 0 : i32
      %dma_wait3A_965 = tpu.memref_slice %arg6[%dma_wait3A_964, %multiple_of3A_95] : memref<16x1000000xf32, #tpu.memory_space<hbm>> -> memref<16x128xf32, #tpu.memory_space<hbm>>
      %dma_wait3A_966 = arith.constant 0 : i32
      %dma_wait3A_967 = arith.constant 0 : i32
      %dma_wait3A_968 = tpu.memref_slice %arg13[%dma_wait3A_959, %dma_wait3A_966, %dma_wait3A_967] : memref<16x16x128xf32, #tpu.memory_space<vmem>> -> memref<1x16x128xf32, #tpu.memory_space<vmem>>
      %dma_wait3A_969 = tpu.memref_squeeze %dma_wait3A_968 : memref<1x16x128xf32, #tpu.memory_space<vmem>> -> memref<16x128xf32, #tpu.memory_space<vmem>>
      %dma_wait3A_970 = arith.constant 0 : i32
      %dma_wait3A_971 = tpu.memref_slice %arg6[%dma_wait3A_970, %multiple_of3A_95] : memref<16x1000000xf32, #tpu.memory_space<hbm>> -> memref<16x128xf32, #tpu.memory_space<hbm>>
      tpu.wait_dma2 semaphore(%arg17 : memref<!tpu.dma_semaphore, #tpu.memory_space<semaphore_mem>>) src(%dma_wait3A_971 : memref<16x128xf32, #tpu.memory_space<hbm>>) dst(%dma_wait3A_969 : memref<16x128xf32, #tpu.memory_space<vmem>>)
      %dma_wait3A_972 = arith.constant 3 : i32
      %dma_wait3A_973 = arith.constant 0 : i32
      %dma_wait3A_974 = arith.constant 0 : i32
      %dma_wait3A_975 = tpu.memref_slice %arg14[%dma_wait3A_972, %dma_wait3A_973, %dma_wait3A_974] : memref<16x16x128xf32, #tpu.memory_space<vmem>> -> memref<1x16x128xf32, #tpu.memory_space<vmem>>
      %dma_wait3A_976 = tpu.memref_squeeze %dma_wait3A_975 : memref<1x16x128xf32, #tpu.memory_space<vmem>> -> memref<16x128xf32, #tpu.memory_space<vmem>>
      %dma_wait3A_977 = arith.constant 0 : i32
      %dma_wait3A_978 = tpu.memref_slice %arg6[%dma_wait3A_977, %multiple_of3A_98] : memref<16x1000000xf32, #tpu.memory_space<hbm>> -> memref<16x128xf32, #tpu.memory_space<hbm>>
      %dma_wait3A_979 = arith.constant 0 : i32
      %dma_wait3A_980 = arith.constant 0 : i32
      %dma_wait3A_981 = tpu.memref_slice %arg14[%dma_wait3A_972, %dma_wait3A_979, %dma_wait3A_980] : memref<16x16x128xf32, #tpu.memory_space<vmem>> -> memref<1x16x128xf32, #tpu.memory_space<vmem>>
      %dma_wait3A_982 = tpu.memref_squeeze %dma_wait3A_981 : memref<1x16x128xf32, #tpu.memory_space<vmem>> -> memref<16x128xf32, #tpu.memory_space<vmem>>
      %dma_wait3A_983 = arith.constant 0 : i32
      %dma_wait3A_984 = tpu.memref_slice %arg6[%dma_wait3A_983, %multiple_of3A_98] : memref<16x1000000xf32, #tpu.memory_space<hbm>> -> memref<16x128xf32, #tpu.memory_space<hbm>>
      tpu.wait_dma2 semaphore(%arg17 : memref<!tpu.dma_semaphore, #tpu.memory_space<semaphore_mem>>) src(%dma_wait3A_984 : memref<16x128xf32, #tpu.memory_space<hbm>>) dst(%dma_wait3A_982 : memref<16x128xf32, #tpu.memory_space<vmem>>)
      %dma_wait3A_985 = arith.constant 4 : i32
      %dma_wait3A_986 = arith.constant 0 : i32
      %dma_wait3A_987 = arith.constant 0 : i32
      %dma_wait3A_988 = tpu.memref_slice %arg12[%dma_wait3A_985, %dma_wait3A_986, %dma_wait3A_987] : memref<16x16x128xf32, #tpu.memory_space<vmem>> -> memref<1x16x128xf32, #tpu.memory_space<vmem>>
      %dma_wait3A_989 = tpu.memref_squeeze %dma_wait3A_988 : memref<1x16x128xf32, #tpu.memory_space<vmem>> -> memref<16x128xf32, #tpu.memory_space<vmem>>
      %dma_wait3A_990 = arith.constant 0 : i32
      %dma_wait3A_991 = tpu.memref_slice %arg5[%dma_wait3A_990, %multiple_of3A_101] : memref<16x1000000xf32, #tpu.memory_space<hbm>> -> memref<16x128xf32, #tpu.memory_space<hbm>>
      %dma_wait3A_992 = arith.constant 0 : i32
      %dma_wait3A_993 = arith.constant 0 : i32
      %dma_wait3A_994 = tpu.memref_slice %arg12[%dma_wait3A_985, %dma_wait3A_992, %dma_wait3A_993] : memref<16x16x128xf32, #tpu.memory_space<vmem>> -> memref<1x16x128xf32, #tpu.memory_space<vmem>>
      %dma_wait3A_995 = tpu.memref_squeeze %dma_wait3A_994 : memref<1x16x128xf32, #tpu.memory_space<vmem>> -> memref<16x128xf32, #tpu.memory_space<vmem>>
      %dma_wait3A_996 = arith.constant 0 : i32
      %dma_wait3A_997 = tpu.memref_slice %arg5[%dma_wait3A_996, %multiple_of3A_101] : memref<16x1000000xf32, #tpu.memory_space<hbm>> -> memref<16x128xf32, #tpu.memory_space<hbm>>
      tpu.wait_dma2 semaphore(%arg17 : memref<!tpu.dma_semaphore, #tpu.memory_space<semaphore_mem>>) src(%dma_wait3A_997 : memref<16x128xf32, #tpu.memory_space<hbm>>) dst(%dma_wait3A_995 : memref<16x128xf32, #tpu.memory_space<vmem>>)
      %dma_wait3A_998 = arith.constant 4 : i32
      %dma_wait3A_999 = arith.constant 0 : i32
      %dma_wait3A_1000 = arith.constant 0 : i32
      %dma_wait3A_1001 = tpu.memref_slice %arg13[%dma_wait3A_998, %dma_wait3A_999, %dma_wait3A_1000] : memref<16x16x128xf32, #tpu.memory_space<vmem>> -> memref<1x16x128xf32, #tpu.memory_space<vmem>>
      %dma_wait3A_1002 = tpu.memref_squeeze %dma_wait3A_1001 : memref<1x16x128xf32, #tpu.memory_space<vmem>> -> memref<16x128xf32, #tpu.memory_space<vmem>>
      %dma_wait3A_1003 = arith.constant 0 : i32
      %dma_wait3A_1004 = tpu.memref_slice %arg6[%dma_wait3A_1003, %multiple_of3A_104] : memref<16x1000000xf32, #tpu.memory_space<hbm>> -> memref<16x128xf32, #tpu.memory_space<hbm>>
      %dma_wait3A_1005 = arith.constant 0 : i32
      %dma_wait3A_1006 = arith.constant 0 : i32
      %dma_wait3A_1007 = tpu.memref_slice %arg13[%dma_wait3A_998, %dma_wait3A_1005, %dma_wait3A_1006] : memref<16x16x128xf32, #tpu.memory_space<vmem>> -> memref<1x16x128xf32, #tpu.memory_space<vmem>>
      %dma_wait3A_1008 = tpu.memref_squeeze %dma_wait3A_1007 : memref<1x16x128xf32, #tpu.memory_space<vmem>> -> memref<16x128xf32, #tpu.memory_space<vmem>>
      %dma_wait3A_1009 = arith.constant 0 : i32
      %dma_wait3A_1010 = tpu.memref_slice %arg6[%dma_wait3A_1009, %multiple_of3A_104] : memref<16x1000000xf32, #tpu.memory_space<hbm>> -> memref<16x128xf32, #tpu.memory_space<hbm>>
      tpu.wait_dma2 semaphore(%arg17 : memref<!tpu.dma_semaphore, #tpu.memory_space<semaphore_mem>>) src(%dma_wait3A_1010 : memref<16x128xf32, #tpu.memory_space<hbm>>) dst(%dma_wait3A_1008 : memref<16x128xf32, #tpu.memory_space<vmem>>)
      %dma_wait3A_1011 = arith.constant 4 : i32
      %dma_wait3A_1012 = arith.constant 0 : i32
      %dma_wait3A_1013 = arith.constant 0 : i32
      %dma_wait3A_1014 = tpu.memref_slice %arg14[%dma_wait3A_1011, %dma_wait3A_1012, %dma_wait3A_1013] : memref<16x16x128xf32, #tpu.memory_space<vmem>> -> memref<1x16x128xf32, #tpu.memory_space<vmem>>
      %dma_wait3A_1015 = tpu.memref_squeeze %dma_wait3A_1014 : memref<1x16x128xf32, #tpu.memory_space<vmem>> -> memref<16x128xf32, #tpu.memory_space<vmem>>
      %dma_wait3A_1016 = arith.constant 0 : i32
      %dma_wait3A_1017 = tpu.memref_slice %arg6[%dma_wait3A_1016, %multiple_of3A_107] : memref<16x1000000xf32, #tpu.memory_space<hbm>> -> memref<16x128xf32, #tpu.memory_space<hbm>>
      %dma_wait3A_1018 = arith.constant 0 : i32
      %dma_wait3A_1019 = arith.constant 0 : i32
      %dma_wait3A_1020 = tpu.memref_slice %arg14[%dma_wait3A_1011, %dma_wait3A_1018, %dma_wait3A_1019] : memref<16x16x128xf32, #tpu.memory_space<vmem>> -> memref<1x16x128xf32, #tpu.memory_space<vmem>>
      %dma_wait3A_1021 = tpu.memref_squeeze %dma_wait3A_1020 : memref<1x16x128xf32, #tpu.memory_space<vmem>> -> memref<16x128xf32, #tpu.memory_space<vmem>>
      %dma_wait3A_1022 = arith.constant 0 : i32
      %dma_wait3A_1023 = tpu.memref_slice %arg6[%dma_wait3A_1022, %multiple_of3A_107] : memref<16x1000000xf32, #tpu.memory_space<hbm>> -> memref<16x128xf32, #tpu.memory_space<hbm>>
      tpu.wait_dma2 semaphore(%arg17 : memref<!tpu.dma_semaphore, #tpu.memory_space<semaphore_mem>>) src(%dma_wait3A_1023 : memref<16x128xf32, #tpu.memory_space<hbm>>) dst(%dma_wait3A_1021 : memref<16x128xf32, #tpu.memory_space<vmem>>)
      %dma_wait3A_1024 = arith.constant 5 : i32
      %dma_wait3A_1025 = arith.constant 0 : i32
      %dma_wait3A_1026 = arith.constant 0 : i32
      %dma_wait3A_1027 = tpu.memref_slice %arg12[%dma_wait3A_1024, %dma_wait3A_1025, %dma_wait3A_1026] : memref<16x16x128xf32, #tpu.memory_space<vmem>> -> memref<1x16x128xf32, #tpu.memory_space<vmem>>
      %dma_wait3A_1028 = tpu.memref_squeeze %dma_wait3A_1027 : memref<1x16x128xf32, #tpu.memory_space<vmem>> -> memref<16x128xf32, #tpu.memory_space<vmem>>
      %dma_wait3A_1029 = arith.constant 0 : i32
      %dma_wait3A_1030 = tpu.memref_slice %arg5[%dma_wait3A_1029, %multiple_of3A_110] : memref<16x1000000xf32, #tpu.memory_space<hbm>> -> memref<16x128xf32, #tpu.memory_space<hbm>>
      %dma_wait3A_1031 = arith.constant 0 : i32
      %dma_wait3A_1032 = arith.constant 0 : i32
      %dma_wait3A_1033 = tpu.memref_slice %arg12[%dma_wait3A_1024, %dma_wait3A_1031, %dma_wait3A_1032] : memref<16x16x128xf32, #tpu.memory_space<vmem>> -> memref<1x16x128xf32, #tpu.memory_space<vmem>>
      %dma_wait3A_1034 = tpu.memref_squeeze %dma_wait3A_1033 : memref<1x16x128xf32, #tpu.memory_space<vmem>> -> memref<16x128xf32, #tpu.memory_space<vmem>>
      %dma_wait3A_1035 = arith.constant 0 : i32
      %dma_wait3A_1036 = tpu.memref_slice %arg5[%dma_wait3A_1035, %multiple_of3A_110] : memref<16x1000000xf32, #tpu.memory_space<hbm>> -> memref<16x128xf32, #tpu.memory_space<hbm>>
      tpu.wait_dma2 semaphore(%arg17 : memref<!tpu.dma_semaphore, #tpu.memory_space<semaphore_mem>>) src(%dma_wait3A_1036 : memref<16x128xf32, #tpu.memory_space<hbm>>) dst(%dma_wait3A_1034 : memref<16x128xf32, #tpu.memory_space<vmem>>)
      %dma_wait3A_1037 = arith.constant 5 : i32
      %dma_wait3A_1038 = arith.constant 0 : i32
      %dma_wait3A_1039 = arith.constant 0 : i32
      %dma_wait3A_1040 = tpu.memref_slice %arg13[%dma_wait3A_1037, %dma_wait3A_1038, %dma_wait3A_1039] : memref<16x16x128xf32, #tpu.memory_space<vmem>> -> memref<1x16x128xf32, #tpu.memory_space<vmem>>
      %dma_wait3A_1041 = tpu.memref_squeeze %dma_wait3A_1040 : memref<1x16x128xf32, #tpu.memory_space<vmem>> -> memref<16x128xf32, #tpu.memory_space<vmem>>
      %dma_wait3A_1042 = arith.constant 0 : i32
      %dma_wait3A_1043 = tpu.memref_slice %arg6[%dma_wait3A_1042, %multiple_of3A_113] : memref<16x1000000xf32, #tpu.memory_space<hbm>> -> memref<16x128xf32, #tpu.memory_space<hbm>>
      %dma_wait3A_1044 = arith.constant 0 : i32
      %dma_wait3A_1045 = arith.constant 0 : i32
      %dma_wait3A_1046 = tpu.memref_slice %arg13[%dma_wait3A_1037, %dma_wait3A_1044, %dma_wait3A_1045] : memref<16x16x128xf32, #tpu.memory_space<vmem>> -> memref<1x16x128xf32, #tpu.memory_space<vmem>>
      %dma_wait3A_1047 = tpu.memref_squeeze %dma_wait3A_1046 : memref<1x16x128xf32, #tpu.memory_space<vmem>> -> memref<16x128xf32, #tpu.memory_space<vmem>>
      %dma_wait3A_1048 = arith.constant 0 : i32
      %dma_wait3A_1049 = tpu.memref_slice %arg6[%dma_wait3A_1048, %multiple_of3A_113] : memref<16x1000000xf32, #tpu.memory_space<hbm>> -> memref<16x128xf32, #tpu.memory_space<hbm>>
      tpu.wait_dma2 semaphore(%arg17 : memref<!tpu.dma_semaphore, #tpu.memory_space<semaphore_mem>>) src(%dma_wait3A_1049 : memref<16x128xf32, #tpu.memory_space<hbm>>) dst(%dma_wait3A_1047 : memref<16x128xf32, #tpu.memory_space<vmem>>)
      %dma_wait3A_1050 = arith.constant 5 : i32
      %dma_wait3A_1051 = arith.constant 0 : i32
      %dma_wait3A_1052 = arith.constant 0 : i32
      %dma_wait3A_1053 = tpu.memref_slice %arg14[%dma_wait3A_1050, %dma_wait3A_1051, %dma_wait3A_1052] : memref<16x16x128xf32, #tpu.memory_space<vmem>> -> memref<1x16x128xf32, #tpu.memory_space<vmem>>
      %dma_wait3A_1054 = tpu.memref_squeeze %dma_wait3A_1053 : memref<1x16x128xf32, #tpu.memory_space<vmem>> -> memref<16x128xf32, #tpu.memory_space<vmem>>
      %dma_wait3A_1055 = arith.constant 0 : i32
      %dma_wait3A_1056 = tpu.memref_slice %arg6[%dma_wait3A_1055, %multiple_of3A_116] : memref<16x1000000xf32, #tpu.memory_space<hbm>> -> memref<16x128xf32, #tpu.memory_space<hbm>>
      %dma_wait3A_1057 = arith.constant 0 : i32
      %dma_wait3A_1058 = arith.constant 0 : i32
      %dma_wait3A_1059 = tpu.memref_slice %arg14[%dma_wait3A_1050, %dma_wait3A_1057, %dma_wait3A_1058] : memref<16x16x128xf32, #tpu.memory_space<vmem>> -> memref<1x16x128xf32, #tpu.memory_space<vmem>>
      %dma_wait3A_1060 = tpu.memref_squeeze %dma_wait3A_1059 : memref<1x16x128xf32, #tpu.memory_space<vmem>> -> memref<16x128xf32, #tpu.memory_space<vmem>>
      %dma_wait3A_1061 = arith.constant 0 : i32
      %dma_wait3A_1062 = tpu.memref_slice %arg6[%dma_wait3A_1061, %multiple_of3A_116] : memref<16x1000000xf32, #tpu.memory_space<hbm>> -> memref<16x128xf32, #tpu.memory_space<hbm>>
      tpu.wait_dma2 semaphore(%arg17 : memref<!tpu.dma_semaphore, #tpu.memory_space<semaphore_mem>>) src(%dma_wait3A_1062 : memref<16x128xf32, #tpu.memory_space<hbm>>) dst(%dma_wait3A_1060 : memref<16x128xf32, #tpu.memory_space<vmem>>)
      %dma_wait3A_1063 = arith.constant 6 : i32
      %dma_wait3A_1064 = arith.constant 0 : i32
      %dma_wait3A_1065 = arith.constant 0 : i32
      %dma_wait3A_1066 = tpu.memref_slice %arg12[%dma_wait3A_1063, %dma_wait3A_1064, %dma_wait3A_1065] : memref<16x16x128xf32, #tpu.memory_space<vmem>> -> memref<1x16x128xf32, #tpu.memory_space<vmem>>
      %dma_wait3A_1067 = tpu.memref_squeeze %dma_wait3A_1066 : memref<1x16x128xf32, #tpu.memory_space<vmem>> -> memref<16x128xf32, #tpu.memory_space<vmem>>
      %dma_wait3A_1068 = arith.constant 0 : i32
      %dma_wait3A_1069 = tpu.memref_slice %arg5[%dma_wait3A_1068, %multiple_of3A_119] : memref<16x1000000xf32, #tpu.memory_space<hbm>> -> memref<16x128xf32, #tpu.memory_space<hbm>>
      %dma_wait3A_1070 = arith.constant 0 : i32
      %dma_wait3A_1071 = arith.constant 0 : i32
      %dma_wait3A_1072 = tpu.memref_slice %arg12[%dma_wait3A_1063, %dma_wait3A_1070, %dma_wait3A_1071] : memref<16x16x128xf32, #tpu.memory_space<vmem>> -> memref<1x16x128xf32, #tpu.memory_space<vmem>>
      %dma_wait3A_1073 = tpu.memref_squeeze %dma_wait3A_1072 : memref<1x16x128xf32, #tpu.memory_space<vmem>> -> memref<16x128xf32, #tpu.memory_space<vmem>>
      %dma_wait3A_1074 = arith.constant 0 : i32
      %dma_wait3A_1075 = tpu.memref_slice %arg5[%dma_wait3A_1074, %multiple_of3A_119] : memref<16x1000000xf32, #tpu.memory_space<hbm>> -> memref<16x128xf32, #tpu.memory_space<hbm>>
      tpu.wait_dma2 semaphore(%arg17 : memref<!tpu.dma_semaphore, #tpu.memory_space<semaphore_mem>>) src(%dma_wait3A_1075 : memref<16x128xf32, #tpu.memory_space<hbm>>) dst(%dma_wait3A_1073 : memref<16x128xf32, #tpu.memory_space<vmem>>)
      %dma_wait3A_1076 = arith.constant 6 : i32
      %dma_wait3A_1077 = arith.constant 0 : i32
      %dma_wait3A_1078 = arith.constant 0 : i32
      %dma_wait3A_1079 = tpu.memref_slice %arg13[%dma_wait3A_1076, %dma_wait3A_1077, %dma_wait3A_1078] : memref<16x16x128xf32, #tpu.memory_space<vmem>> -> memref<1x16x128xf32, #tpu.memory_space<vmem>>
      %dma_wait3A_1080 = tpu.memref_squeeze %dma_wait3A_1079 : memref<1x16x128xf32, #tpu.memory_space<vmem>> -> memref<16x128xf32, #tpu.memory_space<vmem>>
      %dma_wait3A_1081 = arith.constant 0 : i32
      %dma_wait3A_1082 = tpu.memref_slice %arg6[%dma_wait3A_1081, %multiple_of3A_122] : memref<16x1000000xf32, #tpu.memory_space<hbm>> -> memref<16x128xf32, #tpu.memory_space<hbm>>
      %dma_wait3A_1083 = arith.constant 0 : i32
      %dma_wait3A_1084 = arith.constant 0 : i32
      %dma_wait3A_1085 = tpu.memref_slice %arg13[%dma_wait3A_1076, %dma_wait3A_1083, %dma_wait3A_1084] : memref<16x16x128xf32, #tpu.memory_space<vmem>> -> memref<1x16x128xf32, #tpu.memory_space<vmem>>
      %dma_wait3A_1086 = tpu.memref_squeeze %dma_wait3A_1085 : memref<1x16x128xf32, #tpu.memory_space<vmem>> -> memref<16x128xf32, #tpu.memory_space<vmem>>
      %dma_wait3A_1087 = arith.constant 0 : i32
      %dma_wait3A_1088 = tpu.memref_slice %arg6[%dma_wait3A_1087, %multiple_of3A_122] : memref<16x1000000xf32, #tpu.memory_space<hbm>> -> memref<16x128xf32, #tpu.memory_space<hbm>>
      tpu.wait_dma2 semaphore(%arg17 : memref<!tpu.dma_semaphore, #tpu.memory_space<semaphore_mem>>) src(%dma_wait3A_1088 : memref<16x128xf32, #tpu.memory_space<hbm>>) dst(%dma_wait3A_1086 : memref<16x128xf32, #tpu.memory_space<vmem>>)
      %dma_wait3A_1089 = arith.constant 6 : i32
      %dma_wait3A_1090 = arith.constant 0 : i32
      %dma_wait3A_1091 = arith.constant 0 : i32
      %dma_wait3A_1092 = tpu.memref_slice %arg14[%dma_wait3A_1089, %dma_wait3A_1090, %dma_wait3A_1091] : memref<16x16x128xf32, #tpu.memory_space<vmem>> -> memref<1x16x128xf32, #tpu.memory_space<vmem>>
      %dma_wait3A_1093 = tpu.memref_squeeze %dma_wait3A_1092 : memref<1x16x128xf32, #tpu.memory_space<vmem>> -> memref<16x128xf32, #tpu.memory_space<vmem>>
      %dma_wait3A_1094 = arith.constant 0 : i32
      %dma_wait3A_1095 = tpu.memref_slice %arg6[%dma_wait3A_1094, %multiple_of3A_125] : memref<16x1000000xf32, #tpu.memory_space<hbm>> -> memref<16x128xf32, #tpu.memory_space<hbm>>
      %dma_wait3A_1096 = arith.constant 0 : i32
      %dma_wait3A_1097 = arith.constant 0 : i32
      %dma_wait3A_1098 = tpu.memref_slice %arg14[%dma_wait3A_1089, %dma_wait3A_1096, %dma_wait3A_1097] : memref<16x16x128xf32, #tpu.memory_space<vmem>> -> memref<1x16x128xf32, #tpu.memory_space<vmem>>
      %dma_wait3A_1099 = tpu.memref_squeeze %dma_wait3A_1098 : memref<1x16x128xf32, #tpu.memory_space<vmem>> -> memref<16x128xf32, #tpu.memory_space<vmem>>
      %dma_wait3A_1100 = arith.constant 0 : i32
      %dma_wait3A_1101 = tpu.memref_slice %arg6[%dma_wait3A_1100, %multiple_of3A_125] : memref<16x1000000xf32, #tpu.memory_space<hbm>> -> memref<16x128xf32, #tpu.memory_space<hbm>>
      tpu.wait_dma2 semaphore(%arg17 : memref<!tpu.dma_semaphore, #tpu.memory_space<semaphore_mem>>) src(%dma_wait3A_1101 : memref<16x128xf32, #tpu.memory_space<hbm>>) dst(%dma_wait3A_1099 : memref<16x128xf32, #tpu.memory_space<vmem>>)
      %dma_wait3A_1102 = arith.constant 7 : i32
      %dma_wait3A_1103 = arith.constant 0 : i32
      %dma_wait3A_1104 = arith.constant 0 : i32
      %dma_wait3A_1105 = tpu.memref_slice %arg12[%dma_wait3A_1102, %dma_wait3A_1103, %dma_wait3A_1104] : memref<16x16x128xf32, #tpu.memory_space<vmem>> -> memref<1x16x128xf32, #tpu.memory_space<vmem>>
      %dma_wait3A_1106 = tpu.memref_squeeze %dma_wait3A_1105 : memref<1x16x128xf32, #tpu.memory_space<vmem>> -> memref<16x128xf32, #tpu.memory_space<vmem>>
      %dma_wait3A_1107 = arith.constant 0 : i32
      %dma_wait3A_1108 = tpu.memref_slice %arg5[%dma_wait3A_1107, %multiple_of3A_128] : memref<16x1000000xf32, #tpu.memory_space<hbm>> -> memref<16x128xf32, #tpu.memory_space<hbm>>
      %dma_wait3A_1109 = arith.constant 0 : i32
      %dma_wait3A_1110 = arith.constant 0 : i32
      %dma_wait3A_1111 = tpu.memref_slice %arg12[%dma_wait3A_1102, %dma_wait3A_1109, %dma_wait3A_1110] : memref<16x16x128xf32, #tpu.memory_space<vmem>> -> memref<1x16x128xf32, #tpu.memory_space<vmem>>
      %dma_wait3A_1112 = tpu.memref_squeeze %dma_wait3A_1111 : memref<1x16x128xf32, #tpu.memory_space<vmem>> -> memref<16x128xf32, #tpu.memory_space<vmem>>
      %dma_wait3A_1113 = arith.constant 0 : i32
      %dma_wait3A_1114 = tpu.memref_slice %arg5[%dma_wait3A_1113, %multiple_of3A_128] : memref<16x1000000xf32, #tpu.memory_space<hbm>> -> memref<16x128xf32, #tpu.memory_space<hbm>>
      tpu.wait_dma2 semaphore(%arg17 : memref<!tpu.dma_semaphore, #tpu.memory_space<semaphore_mem>>) src(%dma_wait3A_1114 : memref<16x128xf32, #tpu.memory_space<hbm>>) dst(%dma_wait3A_1112 : memref<16x128xf32, #tpu.memory_space<vmem>>)
      %dma_wait3A_1115 = arith.constant 7 : i32
      %dma_wait3A_1116 = arith.constant 0 : i32
      %dma_wait3A_1117 = arith.constant 0 : i32
      %dma_wait3A_1118 = tpu.memref_slice %arg13[%dma_wait3A_1115, %dma_wait3A_1116, %dma_wait3A_1117] : memref<16x16x128xf32, #tpu.memory_space<vmem>> -> memref<1x16x128xf32, #tpu.memory_space<vmem>>
      %dma_wait3A_1119 = tpu.memref_squeeze %dma_wait3A_1118 : memref<1x16x128xf32, #tpu.memory_space<vmem>> -> memref<16x128xf32, #tpu.memory_space<vmem>>
      %dma_wait3A_1120 = arith.constant 0 : i32
      %dma_wait3A_1121 = tpu.memref_slice %arg6[%dma_wait3A_1120, %multiple_of3A_131] : memref<16x1000000xf32, #tpu.memory_space<hbm>> -> memref<16x128xf32, #tpu.memory_space<hbm>>
      %dma_wait3A_1122 = arith.constant 0 : i32
      %dma_wait3A_1123 = arith.constant 0 : i32
      %dma_wait3A_1124 = tpu.memref_slice %arg13[%dma_wait3A_1115, %dma_wait3A_1122, %dma_wait3A_1123] : memref<16x16x128xf32, #tpu.memory_space<vmem>> -> memref<1x16x128xf32, #tpu.memory_space<vmem>>
      %dma_wait3A_1125 = tpu.memref_squeeze %dma_wait3A_1124 : memref<1x16x128xf32, #tpu.memory_space<vmem>> -> memref<16x128xf32, #tpu.memory_space<vmem>>
      %dma_wait3A_1126 = arith.constant 0 : i32
      %dma_wait3A_1127 = tpu.memref_slice %arg6[%dma_wait3A_1126, %multiple_of3A_131] : memref<16x1000000xf32, #tpu.memory_space<hbm>> -> memref<16x128xf32, #tpu.memory_space<hbm>>
      tpu.wait_dma2 semaphore(%arg17 : memref<!tpu.dma_semaphore, #tpu.memory_space<semaphore_mem>>) src(%dma_wait3A_1127 : memref<16x128xf32, #tpu.memory_space<hbm>>) dst(%dma_wait3A_1125 : memref<16x128xf32, #tpu.memory_space<vmem>>)
      %dma_wait3A_1128 = arith.constant 7 : i32
      %dma_wait3A_1129 = arith.constant 0 : i32
      %dma_wait3A_1130 = arith.constant 0 : i32
      %dma_wait3A_1131 = tpu.memref_slice %arg14[%dma_wait3A_1128, %dma_wait3A_1129, %dma_wait3A_1130] : memref<16x16x128xf32, #tpu.memory_space<vmem>> -> memref<1x16x128xf32, #tpu.memory_space<vmem>>
      %dma_wait3A_1132 = tpu.memref_squeeze %dma_wait3A_1131 : memref<1x16x128xf32, #tpu.memory_space<vmem>> -> memref<16x128xf32, #tpu.memory_space<vmem>>
      %dma_wait3A_1133 = arith.constant 0 : i32
      %dma_wait3A_1134 = tpu.memref_slice %arg6[%dma_wait3A_1133, %multiple_of3A_134] : memref<16x1000000xf32, #tpu.memory_space<hbm>> -> memref<16x128xf32, #tpu.memory_space<hbm>>
      %dma_wait3A_1135 = arith.constant 0 : i32
      %dma_wait3A_1136 = arith.constant 0 : i32
      %dma_wait3A_1137 = tpu.memref_slice %arg14[%dma_wait3A_1128, %dma_wait3A_1135, %dma_wait3A_1136] : memref<16x16x128xf32, #tpu.memory_space<vmem>> -> memref<1x16x128xf32, #tpu.memory_space<vmem>>
      %dma_wait3A_1138 = tpu.memref_squeeze %dma_wait3A_1137 : memref<1x16x128xf32, #tpu.memory_space<vmem>> -> memref<16x128xf32, #tpu.memory_space<vmem>>
      %dma_wait3A_1139 = arith.constant 0 : i32
      %dma_wait3A_1140 = tpu.memref_slice %arg6[%dma_wait3A_1139, %multiple_of3A_134] : memref<16x1000000xf32, #tpu.memory_space<hbm>> -> memref<16x128xf32, #tpu.memory_space<hbm>>
      tpu.wait_dma2 semaphore(%arg17 : memref<!tpu.dma_semaphore, #tpu.memory_space<semaphore_mem>>) src(%dma_wait3A_1140 : memref<16x128xf32, #tpu.memory_space<hbm>>) dst(%dma_wait3A_1138 : memref<16x128xf32, #tpu.memory_space<vmem>>)
      %dma_wait3A_1141 = arith.constant 8 : i32
      %dma_wait3A_1142 = arith.constant 0 : i32
      %dma_wait3A_1143 = arith.constant 0 : i32
      %dma_wait3A_1144 = tpu.memref_slice %arg12[%dma_wait3A_1141, %dma_wait3A_1142, %dma_wait3A_1143] : memref<16x16x128xf32, #tpu.memory_space<vmem>> -> memref<1x16x128xf32, #tpu.memory_space<vmem>>
      %dma_wait3A_1145 = tpu.memref_squeeze %dma_wait3A_1144 : memref<1x16x128xf32, #tpu.memory_space<vmem>> -> memref<16x128xf32, #tpu.memory_space<vmem>>
      %dma_wait3A_1146 = arith.constant 0 : i32
      %dma_wait3A_1147 = tpu.memref_slice %arg5[%dma_wait3A_1146, %multiple_of3A_137] : memref<16x1000000xf32, #tpu.memory_space<hbm>> -> memref<16x128xf32, #tpu.memory_space<hbm>>
      %dma_wait3A_1148 = arith.constant 0 : i32
      %dma_wait3A_1149 = arith.constant 0 : i32
      %dma_wait3A_1150 = tpu.memref_slice %arg12[%dma_wait3A_1141, %dma_wait3A_1148, %dma_wait3A_1149] : memref<16x16x128xf32, #tpu.memory_space<vmem>> -> memref<1x16x128xf32, #tpu.memory_space<vmem>>
      %dma_wait3A_1151 = tpu.memref_squeeze %dma_wait3A_1150 : memref<1x16x128xf32, #tpu.memory_space<vmem>> -> memref<16x128xf32, #tpu.memory_space<vmem>>
      %dma_wait3A_1152 = arith.constant 0 : i32
      %dma_wait3A_1153 = tpu.memref_slice %arg5[%dma_wait3A_1152, %multiple_of3A_137] : memref<16x1000000xf32, #tpu.memory_space<hbm>> -> memref<16x128xf32, #tpu.memory_space<hbm>>
      tpu.wait_dma2 semaphore(%arg17 : memref<!tpu.dma_semaphore, #tpu.memory_space<semaphore_mem>>) src(%dma_wait3A_1153 : memref<16x128xf32, #tpu.memory_space<hbm>>) dst(%dma_wait3A_1151 : memref<16x128xf32, #tpu.memory_space<vmem>>)
      %dma_wait3A_1154 = arith.constant 8 : i32
      %dma_wait3A_1155 = arith.constant 0 : i32
      %dma_wait3A_1156 = arith.constant 0 : i32
      %dma_wait3A_1157 = tpu.memref_slice %arg13[%dma_wait3A_1154, %dma_wait3A_1155, %dma_wait3A_1156] : memref<16x16x128xf32, #tpu.memory_space<vmem>> -> memref<1x16x128xf32, #tpu.memory_space<vmem>>
      %dma_wait3A_1158 = tpu.memref_squeeze %dma_wait3A_1157 : memref<1x16x128xf32, #tpu.memory_space<vmem>> -> memref<16x128xf32, #tpu.memory_space<vmem>>
      %dma_wait3A_1159 = arith.constant 0 : i32
      %dma_wait3A_1160 = tpu.memref_slice %arg6[%dma_wait3A_1159, %multiple_of3A_140] : memref<16x1000000xf32, #tpu.memory_space<hbm>> -> memref<16x128xf32, #tpu.memory_space<hbm>>
      %dma_wait3A_1161 = arith.constant 0 : i32
      %dma_wait3A_1162 = arith.constant 0 : i32
      %dma_wait3A_1163 = tpu.memref_slice %arg13[%dma_wait3A_1154, %dma_wait3A_1161, %dma_wait3A_1162] : memref<16x16x128xf32, #tpu.memory_space<vmem>> -> memref<1x16x128xf32, #tpu.memory_space<vmem>>
      %dma_wait3A_1164 = tpu.memref_squeeze %dma_wait3A_1163 : memref<1x16x128xf32, #tpu.memory_space<vmem>> -> memref<16x128xf32, #tpu.memory_space<vmem>>
      %dma_wait3A_1165 = arith.constant 0 : i32
      %dma_wait3A_1166 = tpu.memref_slice %arg6[%dma_wait3A_1165, %multiple_of3A_140] : memref<16x1000000xf32, #tpu.memory_space<hbm>> -> memref<16x128xf32, #tpu.memory_space<hbm>>
      tpu.wait_dma2 semaphore(%arg17 : memref<!tpu.dma_semaphore, #tpu.memory_space<semaphore_mem>>) src(%dma_wait3A_1166 : memref<16x128xf32, #tpu.memory_space<hbm>>) dst(%dma_wait3A_1164 : memref<16x128xf32, #tpu.memory_space<vmem>>)
      %dma_wait3A_1167 = arith.constant 8 : i32
      %dma_wait3A_1168 = arith.constant 0 : i32
      %dma_wait3A_1169 = arith.constant 0 : i32
      %dma_wait3A_1170 = tpu.memref_slice %arg14[%dma_wait3A_1167, %dma_wait3A_1168, %dma_wait3A_1169] : memref<16x16x128xf32, #tpu.memory_space<vmem>> -> memref<1x16x128xf32, #tpu.memory_space<vmem>>
      %dma_wait3A_1171 = tpu.memref_squeeze %dma_wait3A_1170 : memref<1x16x128xf32, #tpu.memory_space<vmem>> -> memref<16x128xf32, #tpu.memory_space<vmem>>
      %dma_wait3A_1172 = arith.constant 0 : i32
      %dma_wait3A_1173 = tpu.memref_slice %arg6[%dma_wait3A_1172, %multiple_of3A_143] : memref<16x1000000xf32, #tpu.memory_space<hbm>> -> memref<16x128xf32, #tpu.memory_space<hbm>>
      %dma_wait3A_1174 = arith.constant 0 : i32
      %dma_wait3A_1175 = arith.constant 0 : i32
      %dma_wait3A_1176 = tpu.memref_slice %arg14[%dma_wait3A_1167, %dma_wait3A_1174, %dma_wait3A_1175] : memref<16x16x128xf32, #tpu.memory_space<vmem>> -> memref<1x16x128xf32, #tpu.memory_space<vmem>>
      %dma_wait3A_1177 = tpu.memref_squeeze %dma_wait3A_1176 : memref<1x16x128xf32, #tpu.memory_space<vmem>> -> memref<16x128xf32, #tpu.memory_space<vmem>>
      %dma_wait3A_1178 = arith.constant 0 : i32
      %dma_wait3A_1179 = tpu.memref_slice %arg6[%dma_wait3A_1178, %multiple_of3A_143] : memref<16x1000000xf32, #tpu.memory_space<hbm>> -> memref<16x128xf32, #tpu.memory_space<hbm>>
      tpu.wait_dma2 semaphore(%arg17 : memref<!tpu.dma_semaphore, #tpu.memory_space<semaphore_mem>>) src(%dma_wait3A_1179 : memref<16x128xf32, #tpu.memory_space<hbm>>) dst(%dma_wait3A_1177 : memref<16x128xf32, #tpu.memory_space<vmem>>)
      %dma_wait3A_1180 = arith.constant 9 : i32
      %dma_wait3A_1181 = arith.constant 0 : i32
      %dma_wait3A_1182 = arith.constant 0 : i32
      %dma_wait3A_1183 = tpu.memref_slice %arg12[%dma_wait3A_1180, %dma_wait3A_1181, %dma_wait3A_1182] : memref<16x16x128xf32, #tpu.memory_space<vmem>> -> memref<1x16x128xf32, #tpu.memory_space<vmem>>
      %dma_wait3A_1184 = tpu.memref_squeeze %dma_wait3A_1183 : memref<1x16x128xf32, #tpu.memory_space<vmem>> -> memref<16x128xf32, #tpu.memory_space<vmem>>
      %dma_wait3A_1185 = arith.constant 0 : i32
      %dma_wait3A_1186 = tpu.memref_slice %arg5[%dma_wait3A_1185, %multiple_of3A_146] : memref<16x1000000xf32, #tpu.memory_space<hbm>> -> memref<16x128xf32, #tpu.memory_space<hbm>>
      %dma_wait3A_1187 = arith.constant 0 : i32
      %dma_wait3A_1188 = arith.constant 0 : i32
      %dma_wait3A_1189 = tpu.memref_slice %arg12[%dma_wait3A_1180, %dma_wait3A_1187, %dma_wait3A_1188] : memref<16x16x128xf32, #tpu.memory_space<vmem>> -> memref<1x16x128xf32, #tpu.memory_space<vmem>>
      %dma_wait3A_1190 = tpu.memref_squeeze %dma_wait3A_1189 : memref<1x16x128xf32, #tpu.memory_space<vmem>> -> memref<16x128xf32, #tpu.memory_space<vmem>>
      %dma_wait3A_1191 = arith.constant 0 : i32
      %dma_wait3A_1192 = tpu.memref_slice %arg5[%dma_wait3A_1191, %multiple_of3A_146] : memref<16x1000000xf32, #tpu.memory_space<hbm>> -> memref<16x128xf32, #tpu.memory_space<hbm>>
      tpu.wait_dma2 semaphore(%arg17 : memref<!tpu.dma_semaphore, #tpu.memory_space<semaphore_mem>>) src(%dma_wait3A_1192 : memref<16x128xf32, #tpu.memory_space<hbm>>) dst(%dma_wait3A_1190 : memref<16x128xf32, #tpu.memory_space<vmem>>)
      %dma_wait3A_1193 = arith.constant 9 : i32
      %dma_wait3A_1194 = arith.constant 0 : i32
      %dma_wait3A_1195 = arith.constant 0 : i32
      %dma_wait3A_1196 = tpu.memref_slice %arg13[%dma_wait3A_1193, %dma_wait3A_1194, %dma_wait3A_1195] : memref<16x16x128xf32, #tpu.memory_space<vmem>> -> memref<1x16x128xf32, #tpu.memory_space<vmem>>
      %dma_wait3A_1197 = tpu.memref_squeeze %dma_wait3A_1196 : memref<1x16x128xf32, #tpu.memory_space<vmem>> -> memref<16x128xf32, #tpu.memory_space<vmem>>
      %dma_wait3A_1198 = arith.constant 0 : i32
      %dma_wait3A_1199 = tpu.memref_slice %arg6[%dma_wait3A_1198, %multiple_of3A_149] : memref<16x1000000xf32, #tpu.memory_space<hbm>> -> memref<16x128xf32, #tpu.memory_space<hbm>>
      %dma_wait3A_1200 = arith.constant 0 : i32
      %dma_wait3A_1201 = arith.constant 0 : i32
      %dma_wait3A_1202 = tpu.memref_slice %arg13[%dma_wait3A_1193, %dma_wait3A_1200, %dma_wait3A_1201] : memref<16x16x128xf32, #tpu.memory_space<vmem>> -> memref<1x16x128xf32, #tpu.memory_space<vmem>>
      %dma_wait3A_1203 = tpu.memref_squeeze %dma_wait3A_1202 : memref<1x16x128xf32, #tpu.memory_space<vmem>> -> memref<16x128xf32, #tpu.memory_space<vmem>>
      %dma_wait3A_1204 = arith.constant 0 : i32
      %dma_wait3A_1205 = tpu.memref_slice %arg6[%dma_wait3A_1204, %multiple_of3A_149] : memref<16x1000000xf32, #tpu.memory_space<hbm>> -> memref<16x128xf32, #tpu.memory_space<hbm>>
      tpu.wait_dma2 semaphore(%arg17 : memref<!tpu.dma_semaphore, #tpu.memory_space<semaphore_mem>>) src(%dma_wait3A_1205 : memref<16x128xf32, #tpu.memory_space<hbm>>) dst(%dma_wait3A_1203 : memref<16x128xf32, #tpu.memory_space<vmem>>)
      %dma_wait3A_1206 = arith.constant 9 : i32
      %dma_wait3A_1207 = arith.constant 0 : i32
      %dma_wait3A_1208 = arith.constant 0 : i32
      %dma_wait3A_1209 = tpu.memref_slice %arg14[%dma_wait3A_1206, %dma_wait3A_1207, %dma_wait3A_1208] : memref<16x16x128xf32, #tpu.memory_space<vmem>> -> memref<1x16x128xf32, #tpu.memory_space<vmem>>
      %dma_wait3A_1210 = tpu.memref_squeeze %dma_wait3A_1209 : memref<1x16x128xf32, #tpu.memory_space<vmem>> -> memref<16x128xf32, #tpu.memory_space<vmem>>
      %dma_wait3A_1211 = arith.constant 0 : i32
      %dma_wait3A_1212 = tpu.memref_slice %arg6[%dma_wait3A_1211, %multiple_of3A_152] : memref<16x1000000xf32, #tpu.memory_space<hbm>> -> memref<16x128xf32, #tpu.memory_space<hbm>>
      %dma_wait3A_1213 = arith.constant 0 : i32
      %dma_wait3A_1214 = arith.constant 0 : i32
      %dma_wait3A_1215 = tpu.memref_slice %arg14[%dma_wait3A_1206, %dma_wait3A_1213, %dma_wait3A_1214] : memref<16x16x128xf32, #tpu.memory_space<vmem>> -> memref<1x16x128xf32, #tpu.memory_space<vmem>>
      %dma_wait3A_1216 = tpu.memref_squeeze %dma_wait3A_1215 : memref<1x16x128xf32, #tpu.memory_space<vmem>> -> memref<16x128xf32, #tpu.memory_space<vmem>>
      %dma_wait3A_1217 = arith.constant 0 : i32
      %dma_wait3A_1218 = tpu.memref_slice %arg6[%dma_wait3A_1217, %multiple_of3A_152] : memref<16x1000000xf32, #tpu.memory_space<hbm>> -> memref<16x128xf32, #tpu.memory_space<hbm>>
      tpu.wait_dma2 semaphore(%arg17 : memref<!tpu.dma_semaphore, #tpu.memory_space<semaphore_mem>>) src(%dma_wait3A_1218 : memref<16x128xf32, #tpu.memory_space<hbm>>) dst(%dma_wait3A_1216 : memref<16x128xf32, #tpu.memory_space<vmem>>)
      %dma_wait3A_1219 = arith.constant 10 : i32
      %dma_wait3A_1220 = arith.constant 0 : i32
      %dma_wait3A_1221 = arith.constant 0 : i32
      %dma_wait3A_1222 = tpu.memref_slice %arg12[%dma_wait3A_1219, %dma_wait3A_1220, %dma_wait3A_1221] : memref<16x16x128xf32, #tpu.memory_space<vmem>> -> memref<1x16x128xf32, #tpu.memory_space<vmem>>
      %dma_wait3A_1223 = tpu.memref_squeeze %dma_wait3A_1222 : memref<1x16x128xf32, #tpu.memory_space<vmem>> -> memref<16x128xf32, #tpu.memory_space<vmem>>
      %dma_wait3A_1224 = arith.constant 0 : i32
      %dma_wait3A_1225 = tpu.memref_slice %arg5[%dma_wait3A_1224, %multiple_of3A_155] : memref<16x1000000xf32, #tpu.memory_space<hbm>> -> memref<16x128xf32, #tpu.memory_space<hbm>>
      %dma_wait3A_1226 = arith.constant 0 : i32
      %dma_wait3A_1227 = arith.constant 0 : i32
      %dma_wait3A_1228 = tpu.memref_slice %arg12[%dma_wait3A_1219, %dma_wait3A_1226, %dma_wait3A_1227] : memref<16x16x128xf32, #tpu.memory_space<vmem>> -> memref<1x16x128xf32, #tpu.memory_space<vmem>>
      %dma_wait3A_1229 = tpu.memref_squeeze %dma_wait3A_1228 : memref<1x16x128xf32, #tpu.memory_space<vmem>> -> memref<16x128xf32, #tpu.memory_space<vmem>>
      %dma_wait3A_1230 = arith.constant 0 : i32
      %dma_wait3A_1231 = tpu.memref_slice %arg5[%dma_wait3A_1230, %multiple_of3A_155] : memref<16x1000000xf32, #tpu.memory_space<hbm>> -> memref<16x128xf32, #tpu.memory_space<hbm>>
      tpu.wait_dma2 semaphore(%arg17 : memref<!tpu.dma_semaphore, #tpu.memory_space<semaphore_mem>>) src(%dma_wait3A_1231 : memref<16x128xf32, #tpu.memory_space<hbm>>) dst(%dma_wait3A_1229 : memref<16x128xf32, #tpu.memory_space<vmem>>)
      %dma_wait3A_1232 = arith.constant 10 : i32
      %dma_wait3A_1233 = arith.constant 0 : i32
      %dma_wait3A_1234 = arith.constant 0 : i32
      %dma_wait3A_1235 = tpu.memref_slice %arg13[%dma_wait3A_1232, %dma_wait3A_1233, %dma_wait3A_1234] : memref<16x16x128xf32, #tpu.memory_space<vmem>> -> memref<1x16x128xf32, #tpu.memory_space<vmem>>
      %dma_wait3A_1236 = tpu.memref_squeeze %dma_wait3A_1235 : memref<1x16x128xf32, #tpu.memory_space<vmem>> -> memref<16x128xf32, #tpu.memory_space<vmem>>
      %dma_wait3A_1237 = arith.constant 0 : i32
      %dma_wait3A_1238 = tpu.memref_slice %arg6[%dma_wait3A_1237, %multiple_of3A_158] : memref<16x1000000xf32, #tpu.memory_space<hbm>> -> memref<16x128xf32, #tpu.memory_space<hbm>>
      %dma_wait3A_1239 = arith.constant 0 : i32
      %dma_wait3A_1240 = arith.constant 0 : i32
      %dma_wait3A_1241 = tpu.memref_slice %arg13[%dma_wait3A_1232, %dma_wait3A_1239, %dma_wait3A_1240] : memref<16x16x128xf32, #tpu.memory_space<vmem>> -> memref<1x16x128xf32, #tpu.memory_space<vmem>>
      %dma_wait3A_1242 = tpu.memref_squeeze %dma_wait3A_1241 : memref<1x16x128xf32, #tpu.memory_space<vmem>> -> memref<16x128xf32, #tpu.memory_space<vmem>>
      %dma_wait3A_1243 = arith.constant 0 : i32
      %dma_wait3A_1244 = tpu.memref_slice %arg6[%dma_wait3A_1243, %multiple_of3A_158] : memref<16x1000000xf32, #tpu.memory_space<hbm>> -> memref<16x128xf32, #tpu.memory_space<hbm>>
      tpu.wait_dma2 semaphore(%arg17 : memref<!tpu.dma_semaphore, #tpu.memory_space<semaphore_mem>>) src(%dma_wait3A_1244 : memref<16x128xf32, #tpu.memory_space<hbm>>) dst(%dma_wait3A_1242 : memref<16x128xf32, #tpu.memory_space<vmem>>)
      %dma_wait3A_1245 = arith.constant 10 : i32
      %dma_wait3A_1246 = arith.constant 0 : i32
      %dma_wait3A_1247 = arith.constant 0 : i32
      %dma_wait3A_1248 = tpu.memref_slice %arg14[%dma_wait3A_1245, %dma_wait3A_1246, %dma_wait3A_1247] : memref<16x16x128xf32, #tpu.memory_space<vmem>> -> memref<1x16x128xf32, #tpu.memory_space<vmem>>
      %dma_wait3A_1249 = tpu.memref_squeeze %dma_wait3A_1248 : memref<1x16x128xf32, #tpu.memory_space<vmem>> -> memref<16x128xf32, #tpu.memory_space<vmem>>
      %dma_wait3A_1250 = arith.constant 0 : i32
      %dma_wait3A_1251 = tpu.memref_slice %arg6[%dma_wait3A_1250, %multiple_of3A_161] : memref<16x1000000xf32, #tpu.memory_space<hbm>> -> memref<16x128xf32, #tpu.memory_space<hbm>>
      %dma_wait3A_1252 = arith.constant 0 : i32
      %dma_wait3A_1253 = arith.constant 0 : i32
      %dma_wait3A_1254 = tpu.memref_slice %arg14[%dma_wait3A_1245, %dma_wait3A_1252, %dma_wait3A_1253] : memref<16x16x128xf32, #tpu.memory_space<vmem>> -> memref<1x16x128xf32, #tpu.memory_space<vmem>>
      %dma_wait3A_1255 = tpu.memref_squeeze %dma_wait3A_1254 : memref<1x16x128xf32, #tpu.memory_space<vmem>> -> memref<16x128xf32, #tpu.memory_space<vmem>>
      %dma_wait3A_1256 = arith.constant 0 : i32
      %dma_wait3A_1257 = tpu.memref_slice %arg6[%dma_wait3A_1256, %multiple_of3A_161] : memref<16x1000000xf32, #tpu.memory_space<hbm>> -> memref<16x128xf32, #tpu.memory_space<hbm>>
      tpu.wait_dma2 semaphore(%arg17 : memref<!tpu.dma_semaphore, #tpu.memory_space<semaphore_mem>>) src(%dma_wait3A_1257 : memref<16x128xf32, #tpu.memory_space<hbm>>) dst(%dma_wait3A_1255 : memref<16x128xf32, #tpu.memory_space<vmem>>)
      %dma_wait3A_1258 = arith.constant 11 : i32
      %dma_wait3A_1259 = arith.constant 0 : i32
      %dma_wait3A_1260 = arith.constant 0 : i32
      %dma_wait3A_1261 = tpu.memref_slice %arg12[%dma_wait3A_1258, %dma_wait3A_1259, %dma_wait3A_1260] : memref<16x16x128xf32, #tpu.memory_space<vmem>> -> memref<1x16x128xf32, #tpu.memory_space<vmem>>
      %dma_wait3A_1262 = tpu.memref_squeeze %dma_wait3A_1261 : memref<1x16x128xf32, #tpu.memory_space<vmem>> -> memref<16x128xf32, #tpu.memory_space<vmem>>
      %dma_wait3A_1263 = arith.constant 0 : i32
      %dma_wait3A_1264 = tpu.memref_slice %arg5[%dma_wait3A_1263, %multiple_of3A_164] : memref<16x1000000xf32, #tpu.memory_space<hbm>> -> memref<16x128xf32, #tpu.memory_space<hbm>>
      %dma_wait3A_1265 = arith.constant 0 : i32
      %dma_wait3A_1266 = arith.constant 0 : i32
      %dma_wait3A_1267 = tpu.memref_slice %arg12[%dma_wait3A_1258, %dma_wait3A_1265, %dma_wait3A_1266] : memref<16x16x128xf32, #tpu.memory_space<vmem>> -> memref<1x16x128xf32, #tpu.memory_space<vmem>>
      %dma_wait3A_1268 = tpu.memref_squeeze %dma_wait3A_1267 : memref<1x16x128xf32, #tpu.memory_space<vmem>> -> memref<16x128xf32, #tpu.memory_space<vmem>>
      %dma_wait3A_1269 = arith.constant 0 : i32
      %dma_wait3A_1270 = tpu.memref_slice %arg5[%dma_wait3A_1269, %multiple_of3A_164] : memref<16x1000000xf32, #tpu.memory_space<hbm>> -> memref<16x128xf32, #tpu.memory_space<hbm>>
      tpu.wait_dma2 semaphore(%arg17 : memref<!tpu.dma_semaphore, #tpu.memory_space<semaphore_mem>>) src(%dma_wait3A_1270 : memref<16x128xf32, #tpu.memory_space<hbm>>) dst(%dma_wait3A_1268 : memref<16x128xf32, #tpu.memory_space<vmem>>)
      %dma_wait3A_1271 = arith.constant 11 : i32
      %dma_wait3A_1272 = arith.constant 0 : i32
      %dma_wait3A_1273 = arith.constant 0 : i32
      %dma_wait3A_1274 = tpu.memref_slice %arg13[%dma_wait3A_1271, %dma_wait3A_1272, %dma_wait3A_1273] : memref<16x16x128xf32, #tpu.memory_space<vmem>> -> memref<1x16x128xf32, #tpu.memory_space<vmem>>
      %dma_wait3A_1275 = tpu.memref_squeeze %dma_wait3A_1274 : memref<1x16x128xf32, #tpu.memory_space<vmem>> -> memref<16x128xf32, #tpu.memory_space<vmem>>
      %dma_wait3A_1276 = arith.constant 0 : i32
      %dma_wait3A_1277 = tpu.memref_slice %arg6[%dma_wait3A_1276, %multiple_of3A_167] : memref<16x1000000xf32, #tpu.memory_space<hbm>> -> memref<16x128xf32, #tpu.memory_space<hbm>>
      %dma_wait3A_1278 = arith.constant 0 : i32
      %dma_wait3A_1279 = arith.constant 0 : i32
      %dma_wait3A_1280 = tpu.memref_slice %arg13[%dma_wait3A_1271, %dma_wait3A_1278, %dma_wait3A_1279] : memref<16x16x128xf32, #tpu.memory_space<vmem>> -> memref<1x16x128xf32, #tpu.memory_space<vmem>>
      %dma_wait3A_1281 = tpu.memref_squeeze %dma_wait3A_1280 : memref<1x16x128xf32, #tpu.memory_space<vmem>> -> memref<16x128xf32, #tpu.memory_space<vmem>>
      %dma_wait3A_1282 = arith.constant 0 : i32
      %dma_wait3A_1283 = tpu.memref_slice %arg6[%dma_wait3A_1282, %multiple_of3A_167] : memref<16x1000000xf32, #tpu.memory_space<hbm>> -> memref<16x128xf32, #tpu.memory_space<hbm>>
      tpu.wait_dma2 semaphore(%arg17 : memref<!tpu.dma_semaphore, #tpu.memory_space<semaphore_mem>>) src(%dma_wait3A_1283 : memref<16x128xf32, #tpu.memory_space<hbm>>) dst(%dma_wait3A_1281 : memref<16x128xf32, #tpu.memory_space<vmem>>)
      %dma_wait3A_1284 = arith.constant 11 : i32
      %dma_wait3A_1285 = arith.constant 0 : i32
      %dma_wait3A_1286 = arith.constant 0 : i32
      %dma_wait3A_1287 = tpu.memref_slice %arg14[%dma_wait3A_1284, %dma_wait3A_1285, %dma_wait3A_1286] : memref<16x16x128xf32, #tpu.memory_space<vmem>> -> memref<1x16x128xf32, #tpu.memory_space<vmem>>
      %dma_wait3A_1288 = tpu.memref_squeeze %dma_wait3A_1287 : memref<1x16x128xf32, #tpu.memory_space<vmem>> -> memref<16x128xf32, #tpu.memory_space<vmem>>
      %dma_wait3A_1289 = arith.constant 0 : i32
      %dma_wait3A_1290 = tpu.memref_slice %arg6[%dma_wait3A_1289, %multiple_of3A_170] : memref<16x1000000xf32, #tpu.memory_space<hbm>> -> memref<16x128xf32, #tpu.memory_space<hbm>>
      %dma_wait3A_1291 = arith.constant 0 : i32
      %dma_wait3A_1292 = arith.constant 0 : i32
      %dma_wait3A_1293 = tpu.memref_slice %arg14[%dma_wait3A_1284, %dma_wait3A_1291, %dma_wait3A_1292] : memref<16x16x128xf32, #tpu.memory_space<vmem>> -> memref<1x16x128xf32, #tpu.memory_space<vmem>>
      %dma_wait3A_1294 = tpu.memref_squeeze %dma_wait3A_1293 : memref<1x16x128xf32, #tpu.memory_space<vmem>> -> memref<16x128xf32, #tpu.memory_space<vmem>>
      %dma_wait3A_1295 = arith.constant 0 : i32
      %dma_wait3A_1296 = tpu.memref_slice %arg6[%dma_wait3A_1295, %multiple_of3A_170] : memref<16x1000000xf32, #tpu.memory_space<hbm>> -> memref<16x128xf32, #tpu.memory_space<hbm>>
      tpu.wait_dma2 semaphore(%arg17 : memref<!tpu.dma_semaphore, #tpu.memory_space<semaphore_mem>>) src(%dma_wait3A_1296 : memref<16x128xf32, #tpu.memory_space<hbm>>) dst(%dma_wait3A_1294 : memref<16x128xf32, #tpu.memory_space<vmem>>)
      %dma_wait3A_1297 = arith.constant 12 : i32
      %dma_wait3A_1298 = arith.constant 0 : i32
      %dma_wait3A_1299 = arith.constant 0 : i32
      %dma_wait3A_1300 = tpu.memref_slice %arg12[%dma_wait3A_1297, %dma_wait3A_1298, %dma_wait3A_1299] : memref<16x16x128xf32, #tpu.memory_space<vmem>> -> memref<1x16x128xf32, #tpu.memory_space<vmem>>
      %dma_wait3A_1301 = tpu.memref_squeeze %dma_wait3A_1300 : memref<1x16x128xf32, #tpu.memory_space<vmem>> -> memref<16x128xf32, #tpu.memory_space<vmem>>
      %dma_wait3A_1302 = arith.constant 0 : i32
      %dma_wait3A_1303 = tpu.memref_slice %arg5[%dma_wait3A_1302, %multiple_of3A_173] : memref<16x1000000xf32, #tpu.memory_space<hbm>> -> memref<16x128xf32, #tpu.memory_space<hbm>>
      %dma_wait3A_1304 = arith.constant 0 : i32
      %dma_wait3A_1305 = arith.constant 0 : i32
      %dma_wait3A_1306 = tpu.memref_slice %arg12[%dma_wait3A_1297, %dma_wait3A_1304, %dma_wait3A_1305] : memref<16x16x128xf32, #tpu.memory_space<vmem>> -> memref<1x16x128xf32, #tpu.memory_space<vmem>>
      %dma_wait3A_1307 = tpu.memref_squeeze %dma_wait3A_1306 : memref<1x16x128xf32, #tpu.memory_space<vmem>> -> memref<16x128xf32, #tpu.memory_space<vmem>>
      %dma_wait3A_1308 = arith.constant 0 : i32
      %dma_wait3A_1309 = tpu.memref_slice %arg5[%dma_wait3A_1308, %multiple_of3A_173] : memref<16x1000000xf32, #tpu.memory_space<hbm>> -> memref<16x128xf32, #tpu.memory_space<hbm>>
      tpu.wait_dma2 semaphore(%arg17 : memref<!tpu.dma_semaphore, #tpu.memory_space<semaphore_mem>>) src(%dma_wait3A_1309 : memref<16x128xf32, #tpu.memory_space<hbm>>) dst(%dma_wait3A_1307 : memref<16x128xf32, #tpu.memory_space<vmem>>)
      %dma_wait3A_1310 = arith.constant 12 : i32
      %dma_wait3A_1311 = arith.constant 0 : i32
      %dma_wait3A_1312 = arith.constant 0 : i32
      %dma_wait3A_1313 = tpu.memref_slice %arg13[%dma_wait3A_1310, %dma_wait3A_1311, %dma_wait3A_1312] : memref<16x16x128xf32, #tpu.memory_space<vmem>> -> memref<1x16x128xf32, #tpu.memory_space<vmem>>
      %dma_wait3A_1314 = tpu.memref_squeeze %dma_wait3A_1313 : memref<1x16x128xf32, #tpu.memory_space<vmem>> -> memref<16x128xf32, #tpu.memory_space<vmem>>
      %dma_wait3A_1315 = arith.constant 0 : i32
      %dma_wait3A_1316 = tpu.memref_slice %arg6[%dma_wait3A_1315, %multiple_of3A_176] : memref<16x1000000xf32, #tpu.memory_space<hbm>> -> memref<16x128xf32, #tpu.memory_space<hbm>>
      %dma_wait3A_1317 = arith.constant 0 : i32
      %dma_wait3A_1318 = arith.constant 0 : i32
      %dma_wait3A_1319 = tpu.memref_slice %arg13[%dma_wait3A_1310, %dma_wait3A_1317, %dma_wait3A_1318] : memref<16x16x128xf32, #tpu.memory_space<vmem>> -> memref<1x16x128xf32, #tpu.memory_space<vmem>>
      %dma_wait3A_1320 = tpu.memref_squeeze %dma_wait3A_1319 : memref<1x16x128xf32, #tpu.memory_space<vmem>> -> memref<16x128xf32, #tpu.memory_space<vmem>>
      %dma_wait3A_1321 = arith.constant 0 : i32
      %dma_wait3A_1322 = tpu.memref_slice %arg6[%dma_wait3A_1321, %multiple_of3A_176] : memref<16x1000000xf32, #tpu.memory_space<hbm>> -> memref<16x128xf32, #tpu.memory_space<hbm>>
      tpu.wait_dma2 semaphore(%arg17 : memref<!tpu.dma_semaphore, #tpu.memory_space<semaphore_mem>>) src(%dma_wait3A_1322 : memref<16x128xf32, #tpu.memory_space<hbm>>) dst(%dma_wait3A_1320 : memref<16x128xf32, #tpu.memory_space<vmem>>)
      %dma_wait3A_1323 = arith.constant 12 : i32
      %dma_wait3A_1324 = arith.constant 0 : i32
      %dma_wait3A_1325 = arith.constant 0 : i32
      %dma_wait3A_1326 = tpu.memref_slice %arg14[%dma_wait3A_1323, %dma_wait3A_1324, %dma_wait3A_1325] : memref<16x16x128xf32, #tpu.memory_space<vmem>> -> memref<1x16x128xf32, #tpu.memory_space<vmem>>
      %dma_wait3A_1327 = tpu.memref_squeeze %dma_wait3A_1326 : memref<1x16x128xf32, #tpu.memory_space<vmem>> -> memref<16x128xf32, #tpu.memory_space<vmem>>
      %dma_wait3A_1328 = arith.constant 0 : i32
      %dma_wait3A_1329 = tpu.memref_slice %arg6[%dma_wait3A_1328, %multiple_of3A_179] : memref<16x1000000xf32, #tpu.memory_space<hbm>> -> memref<16x128xf32, #tpu.memory_space<hbm>>
      %dma_wait3A_1330 = arith.constant 0 : i32
      %dma_wait3A_1331 = arith.constant 0 : i32
      %dma_wait3A_1332 = tpu.memref_slice %arg14[%dma_wait3A_1323, %dma_wait3A_1330, %dma_wait3A_1331] : memref<16x16x128xf32, #tpu.memory_space<vmem>> -> memref<1x16x128xf32, #tpu.memory_space<vmem>>
      %dma_wait3A_1333 = tpu.memref_squeeze %dma_wait3A_1332 : memref<1x16x128xf32, #tpu.memory_space<vmem>> -> memref<16x128xf32, #tpu.memory_space<vmem>>
      %dma_wait3A_1334 = arith.constant 0 : i32
      %dma_wait3A_1335 = tpu.memref_slice %arg6[%dma_wait3A_1334, %multiple_of3A_179] : memref<16x1000000xf32, #tpu.memory_space<hbm>> -> memref<16x128xf32, #tpu.memory_space<hbm>>
      tpu.wait_dma2 semaphore(%arg17 : memref<!tpu.dma_semaphore, #tpu.memory_space<semaphore_mem>>) src(%dma_wait3A_1335 : memref<16x128xf32, #tpu.memory_space<hbm>>) dst(%dma_wait3A_1333 : memref<16x128xf32, #tpu.memory_space<vmem>>)
      %dma_wait3A_1336 = arith.constant 13 : i32
      %dma_wait3A_1337 = arith.constant 0 : i32
      %dma_wait3A_1338 = arith.constant 0 : i32
      %dma_wait3A_1339 = tpu.memref_slice %arg12[%dma_wait3A_1336, %dma_wait3A_1337, %dma_wait3A_1338] : memref<16x16x128xf32, #tpu.memory_space<vmem>> -> memref<1x16x128xf32, #tpu.memory_space<vmem>>
      %dma_wait3A_1340 = tpu.memref_squeeze %dma_wait3A_1339 : memref<1x16x128xf32, #tpu.memory_space<vmem>> -> memref<16x128xf32, #tpu.memory_space<vmem>>
      %dma_wait3A_1341 = arith.constant 0 : i32
      %dma_wait3A_1342 = tpu.memref_slice %arg5[%dma_wait3A_1341, %multiple_of3A_182] : memref<16x1000000xf32, #tpu.memory_space<hbm>> -> memref<16x128xf32, #tpu.memory_space<hbm>>
      %dma_wait3A_1343 = arith.constant 0 : i32
      %dma_wait3A_1344 = arith.constant 0 : i32
      %dma_wait3A_1345 = tpu.memref_slice %arg12[%dma_wait3A_1336, %dma_wait3A_1343, %dma_wait3A_1344] : memref<16x16x128xf32, #tpu.memory_space<vmem>> -> memref<1x16x128xf32, #tpu.memory_space<vmem>>
      %dma_wait3A_1346 = tpu.memref_squeeze %dma_wait3A_1345 : memref<1x16x128xf32, #tpu.memory_space<vmem>> -> memref<16x128xf32, #tpu.memory_space<vmem>>
      %dma_wait3A_1347 = arith.constant 0 : i32
      %dma_wait3A_1348 = tpu.memref_slice %arg5[%dma_wait3A_1347, %multiple_of3A_182] : memref<16x1000000xf32, #tpu.memory_space<hbm>> -> memref<16x128xf32, #tpu.memory_space<hbm>>
      tpu.wait_dma2 semaphore(%arg17 : memref<!tpu.dma_semaphore, #tpu.memory_space<semaphore_mem>>) src(%dma_wait3A_1348 : memref<16x128xf32, #tpu.memory_space<hbm>>) dst(%dma_wait3A_1346 : memref<16x128xf32, #tpu.memory_space<vmem>>)
      %dma_wait3A_1349 = arith.constant 13 : i32
      %dma_wait3A_1350 = arith.constant 0 : i32
      %dma_wait3A_1351 = arith.constant 0 : i32
      %dma_wait3A_1352 = tpu.memref_slice %arg13[%dma_wait3A_1349, %dma_wait3A_1350, %dma_wait3A_1351] : memref<16x16x128xf32, #tpu.memory_space<vmem>> -> memref<1x16x128xf32, #tpu.memory_space<vmem>>
      %dma_wait3A_1353 = tpu.memref_squeeze %dma_wait3A_1352 : memref<1x16x128xf32, #tpu.memory_space<vmem>> -> memref<16x128xf32, #tpu.memory_space<vmem>>
      %dma_wait3A_1354 = arith.constant 0 : i32
      %dma_wait3A_1355 = tpu.memref_slice %arg6[%dma_wait3A_1354, %multiple_of3A_185] : memref<16x1000000xf32, #tpu.memory_space<hbm>> -> memref<16x128xf32, #tpu.memory_space<hbm>>
      %dma_wait3A_1356 = arith.constant 0 : i32
      %dma_wait3A_1357 = arith.constant 0 : i32
      %dma_wait3A_1358 = tpu.memref_slice %arg13[%dma_wait3A_1349, %dma_wait3A_1356, %dma_wait3A_1357] : memref<16x16x128xf32, #tpu.memory_space<vmem>> -> memref<1x16x128xf32, #tpu.memory_space<vmem>>
      %dma_wait3A_1359 = tpu.memref_squeeze %dma_wait3A_1358 : memref<1x16x128xf32, #tpu.memory_space<vmem>> -> memref<16x128xf32, #tpu.memory_space<vmem>>
      %dma_wait3A_1360 = arith.constant 0 : i32
      %dma_wait3A_1361 = tpu.memref_slice %arg6[%dma_wait3A_1360, %multiple_of3A_185] : memref<16x1000000xf32, #tpu.memory_space<hbm>> -> memref<16x128xf32, #tpu.memory_space<hbm>>
      tpu.wait_dma2 semaphore(%arg17 : memref<!tpu.dma_semaphore, #tpu.memory_space<semaphore_mem>>) src(%dma_wait3A_1361 : memref<16x128xf32, #tpu.memory_space<hbm>>) dst(%dma_wait3A_1359 : memref<16x128xf32, #tpu.memory_space<vmem>>)
      %dma_wait3A_1362 = arith.constant 13 : i32
      %dma_wait3A_1363 = arith.constant 0 : i32
      %dma_wait3A_1364 = arith.constant 0 : i32
      %dma_wait3A_1365 = tpu.memref_slice %arg14[%dma_wait3A_1362, %dma_wait3A_1363, %dma_wait3A_1364] : memref<16x16x128xf32, #tpu.memory_space<vmem>> -> memref<1x16x128xf32, #tpu.memory_space<vmem>>
      %dma_wait3A_1366 = tpu.memref_squeeze %dma_wait3A_1365 : memref<1x16x128xf32, #tpu.memory_space<vmem>> -> memref<16x128xf32, #tpu.memory_space<vmem>>
      %dma_wait3A_1367 = arith.constant 0 : i32
      %dma_wait3A_1368 = tpu.memref_slice %arg6[%dma_wait3A_1367, %multiple_of3A_188] : memref<16x1000000xf32, #tpu.memory_space<hbm>> -> memref<16x128xf32, #tpu.memory_space<hbm>>
      %dma_wait3A_1369 = arith.constant 0 : i32
      %dma_wait3A_1370 = arith.constant 0 : i32
      %dma_wait3A_1371 = tpu.memref_slice %arg14[%dma_wait3A_1362, %dma_wait3A_1369, %dma_wait3A_1370] : memref<16x16x128xf32, #tpu.memory_space<vmem>> -> memref<1x16x128xf32, #tpu.memory_space<vmem>>
      %dma_wait3A_1372 = tpu.memref_squeeze %dma_wait3A_1371 : memref<1x16x128xf32, #tpu.memory_space<vmem>> -> memref<16x128xf32, #tpu.memory_space<vmem>>
      %dma_wait3A_1373 = arith.constant 0 : i32
      %dma_wait3A_1374 = tpu.memref_slice %arg6[%dma_wait3A_1373, %multiple_of3A_188] : memref<16x1000000xf32, #tpu.memory_space<hbm>> -> memref<16x128xf32, #tpu.memory_space<hbm>>
      tpu.wait_dma2 semaphore(%arg17 : memref<!tpu.dma_semaphore, #tpu.memory_space<semaphore_mem>>) src(%dma_wait3A_1374 : memref<16x128xf32, #tpu.memory_space<hbm>>) dst(%dma_wait3A_1372 : memref<16x128xf32, #tpu.memory_space<vmem>>)
      %dma_wait3A_1375 = arith.constant 14 : i32
      %dma_wait3A_1376 = arith.constant 0 : i32
      %dma_wait3A_1377 = arith.constant 0 : i32
      %dma_wait3A_1378 = tpu.memref_slice %arg12[%dma_wait3A_1375, %dma_wait3A_1376, %dma_wait3A_1377] : memref<16x16x128xf32, #tpu.memory_space<vmem>> -> memref<1x16x128xf32, #tpu.memory_space<vmem>>
      %dma_wait3A_1379 = tpu.memref_squeeze %dma_wait3A_1378 : memref<1x16x128xf32, #tpu.memory_space<vmem>> -> memref<16x128xf32, #tpu.memory_space<vmem>>
      %dma_wait3A_1380 = arith.constant 0 : i32
      %dma_wait3A_1381 = tpu.memref_slice %arg5[%dma_wait3A_1380, %multiple_of3A_191] : memref<16x1000000xf32, #tpu.memory_space<hbm>> -> memref<16x128xf32, #tpu.memory_space<hbm>>
      %dma_wait3A_1382 = arith.constant 0 : i32
      %dma_wait3A_1383 = arith.constant 0 : i32
      %dma_wait3A_1384 = tpu.memref_slice %arg12[%dma_wait3A_1375, %dma_wait3A_1382, %dma_wait3A_1383] : memref<16x16x128xf32, #tpu.memory_space<vmem>> -> memref<1x16x128xf32, #tpu.memory_space<vmem>>
      %dma_wait3A_1385 = tpu.memref_squeeze %dma_wait3A_1384 : memref<1x16x128xf32, #tpu.memory_space<vmem>> -> memref<16x128xf32, #tpu.memory_space<vmem>>
      %dma_wait3A_1386 = arith.constant 0 : i32
      %dma_wait3A_1387 = tpu.memref_slice %arg5[%dma_wait3A_1386, %multiple_of3A_191] : memref<16x1000000xf32, #tpu.memory_space<hbm>> -> memref<16x128xf32, #tpu.memory_space<hbm>>
      tpu.wait_dma2 semaphore(%arg17 : memref<!tpu.dma_semaphore, #tpu.memory_space<semaphore_mem>>) src(%dma_wait3A_1387 : memref<16x128xf32, #tpu.memory_space<hbm>>) dst(%dma_wait3A_1385 : memref<16x128xf32, #tpu.memory_space<vmem>>)
      %dma_wait3A_1388 = arith.constant 14 : i32
      %dma_wait3A_1389 = arith.constant 0 : i32
      %dma_wait3A_1390 = arith.constant 0 : i32
      %dma_wait3A_1391 = tpu.memref_slice %arg13[%dma_wait3A_1388, %dma_wait3A_1389, %dma_wait3A_1390] : memref<16x16x128xf32, #tpu.memory_space<vmem>> -> memref<1x16x128xf32, #tpu.memory_space<vmem>>
      %dma_wait3A_1392 = tpu.memref_squeeze %dma_wait3A_1391 : memref<1x16x128xf32, #tpu.memory_space<vmem>> -> memref<16x128xf32, #tpu.memory_space<vmem>>
      %dma_wait3A_1393 = arith.constant 0 : i32
      %dma_wait3A_1394 = tpu.memref_slice %arg6[%dma_wait3A_1393, %multiple_of3A_194] : memref<16x1000000xf32, #tpu.memory_space<hbm>> -> memref<16x128xf32, #tpu.memory_space<hbm>>
      %dma_wait3A_1395 = arith.constant 0 : i32
      %dma_wait3A_1396 = arith.constant 0 : i32
      %dma_wait3A_1397 = tpu.memref_slice %arg13[%dma_wait3A_1388, %dma_wait3A_1395, %dma_wait3A_1396] : memref<16x16x128xf32, #tpu.memory_space<vmem>> -> memref<1x16x128xf32, #tpu.memory_space<vmem>>
      %dma_wait3A_1398 = tpu.memref_squeeze %dma_wait3A_1397 : memref<1x16x128xf32, #tpu.memory_space<vmem>> -> memref<16x128xf32, #tpu.memory_space<vmem>>
      %dma_wait3A_1399 = arith.constant 0 : i32
      %dma_wait3A_1400 = tpu.memref_slice %arg6[%dma_wait3A_1399, %multiple_of3A_194] : memref<16x1000000xf32, #tpu.memory_space<hbm>> -> memref<16x128xf32, #tpu.memory_space<hbm>>
      tpu.wait_dma2 semaphore(%arg17 : memref<!tpu.dma_semaphore, #tpu.memory_space<semaphore_mem>>) src(%dma_wait3A_1400 : memref<16x128xf32, #tpu.memory_space<hbm>>) dst(%dma_wait3A_1398 : memref<16x128xf32, #tpu.memory_space<vmem>>)
      %dma_wait3A_1401 = arith.constant 14 : i32
      %dma_wait3A_1402 = arith.constant 0 : i32
      %dma_wait3A_1403 = arith.constant 0 : i32
      %dma_wait3A_1404 = tpu.memref_slice %arg14[%dma_wait3A_1401, %dma_wait3A_1402, %dma_wait3A_1403] : memref<16x16x128xf32, #tpu.memory_space<vmem>> -> memref<1x16x128xf32, #tpu.memory_space<vmem>>
      %dma_wait3A_1405 = tpu.memref_squeeze %dma_wait3A_1404 : memref<1x16x128xf32, #tpu.memory_space<vmem>> -> memref<16x128xf32, #tpu.memory_space<vmem>>
      %dma_wait3A_1406 = arith.constant 0 : i32
      %dma_wait3A_1407 = tpu.memref_slice %arg6[%dma_wait3A_1406, %multiple_of3A_197] : memref<16x1000000xf32, #tpu.memory_space<hbm>> -> memref<16x128xf32, #tpu.memory_space<hbm>>
      %dma_wait3A_1408 = arith.constant 0 : i32
      %dma_wait3A_1409 = arith.constant 0 : i32
      %dma_wait3A_1410 = tpu.memref_slice %arg14[%dma_wait3A_1401, %dma_wait3A_1408, %dma_wait3A_1409] : memref<16x16x128xf32, #tpu.memory_space<vmem>> -> memref<1x16x128xf32, #tpu.memory_space<vmem>>
      %dma_wait3A_1411 = tpu.memref_squeeze %dma_wait3A_1410 : memref<1x16x128xf32, #tpu.memory_space<vmem>> -> memref<16x128xf32, #tpu.memory_space<vmem>>
      %dma_wait3A_1412 = arith.constant 0 : i32
      %dma_wait3A_1413 = tpu.memref_slice %arg6[%dma_wait3A_1412, %multiple_of3A_197] : memref<16x1000000xf32, #tpu.memory_space<hbm>> -> memref<16x128xf32, #tpu.memory_space<hbm>>
      tpu.wait_dma2 semaphore(%arg17 : memref<!tpu.dma_semaphore, #tpu.memory_space<semaphore_mem>>) src(%dma_wait3A_1413 : memref<16x128xf32, #tpu.memory_space<hbm>>) dst(%dma_wait3A_1411 : memref<16x128xf32, #tpu.memory_space<vmem>>)
      %dma_wait3A_1414 = arith.constant 15 : i32
      %dma_wait3A_1415 = arith.constant 0 : i32
      %dma_wait3A_1416 = arith.constant 0 : i32
      %dma_wait3A_1417 = tpu.memref_slice %arg12[%dma_wait3A_1414, %dma_wait3A_1415, %dma_wait3A_1416] : memref<16x16x128xf32, #tpu.memory_space<vmem>> -> memref<1x16x128xf32, #tpu.memory_space<vmem>>
      %dma_wait3A_1418 = tpu.memref_squeeze %dma_wait3A_1417 : memref<1x16x128xf32, #tpu.memory_space<vmem>> -> memref<16x128xf32, #tpu.memory_space<vmem>>
      %dma_wait3A_1419 = arith.constant 0 : i32
      %dma_wait3A_1420 = tpu.memref_slice %arg5[%dma_wait3A_1419, %multiple_of3A_200] : memref<16x1000000xf32, #tpu.memory_space<hbm>> -> memref<16x128xf32, #tpu.memory_space<hbm>>
      %dma_wait3A_1421 = arith.constant 0 : i32
      %dma_wait3A_1422 = arith.constant 0 : i32
      %dma_wait3A_1423 = tpu.memref_slice %arg12[%dma_wait3A_1414, %dma_wait3A_1421, %dma_wait3A_1422] : memref<16x16x128xf32, #tpu.memory_space<vmem>> -> memref<1x16x128xf32, #tpu.memory_space<vmem>>
      %dma_wait3A_1424 = tpu.memref_squeeze %dma_wait3A_1423 : memref<1x16x128xf32, #tpu.memory_space<vmem>> -> memref<16x128xf32, #tpu.memory_space<vmem>>
      %dma_wait3A_1425 = arith.constant 0 : i32
      %dma_wait3A_1426 = tpu.memref_slice %arg5[%dma_wait3A_1425, %multiple_of3A_200] : memref<16x1000000xf32, #tpu.memory_space<hbm>> -> memref<16x128xf32, #tpu.memory_space<hbm>>
      tpu.wait_dma2 semaphore(%arg17 : memref<!tpu.dma_semaphore, #tpu.memory_space<semaphore_mem>>) src(%dma_wait3A_1426 : memref<16x128xf32, #tpu.memory_space<hbm>>) dst(%dma_wait3A_1424 : memref<16x128xf32, #tpu.memory_space<vmem>>)
      %dma_wait3A_1427 = arith.constant 15 : i32
      %dma_wait3A_1428 = arith.constant 0 : i32
      %dma_wait3A_1429 = arith.constant 0 : i32
      %dma_wait3A_1430 = tpu.memref_slice %arg13[%dma_wait3A_1427, %dma_wait3A_1428, %dma_wait3A_1429] : memref<16x16x128xf32, #tpu.memory_space<vmem>> -> memref<1x16x128xf32, #tpu.memory_space<vmem>>
      %dma_wait3A_1431 = tpu.memref_squeeze %dma_wait3A_1430 : memref<1x16x128xf32, #tpu.memory_space<vmem>> -> memref<16x128xf32, #tpu.memory_space<vmem>>
      %dma_wait3A_1432 = arith.constant 0 : i32
      %dma_wait3A_1433 = tpu.memref_slice %arg6[%dma_wait3A_1432, %multiple_of3A_203] : memref<16x1000000xf32, #tpu.memory_space<hbm>> -> memref<16x128xf32, #tpu.memory_space<hbm>>
      %dma_wait3A_1434 = arith.constant 0 : i32
      %dma_wait3A_1435 = arith.constant 0 : i32
      %dma_wait3A_1436 = tpu.memref_slice %arg13[%dma_wait3A_1427, %dma_wait3A_1434, %dma_wait3A_1435] : memref<16x16x128xf32, #tpu.memory_space<vmem>> -> memref<1x16x128xf32, #tpu.memory_space<vmem>>
      %dma_wait3A_1437 = tpu.memref_squeeze %dma_wait3A_1436 : memref<1x16x128xf32, #tpu.memory_space<vmem>> -> memref<16x128xf32, #tpu.memory_space<vmem>>
      %dma_wait3A_1438 = arith.constant 0 : i32
      %dma_wait3A_1439 = tpu.memref_slice %arg6[%dma_wait3A_1438, %multiple_of3A_203] : memref<16x1000000xf32, #tpu.memory_space<hbm>> -> memref<16x128xf32, #tpu.memory_space<hbm>>
      tpu.wait_dma2 semaphore(%arg17 : memref<!tpu.dma_semaphore, #tpu.memory_space<semaphore_mem>>) src(%dma_wait3A_1439 : memref<16x128xf32, #tpu.memory_space<hbm>>) dst(%dma_wait3A_1437 : memref<16x128xf32, #tpu.memory_space<vmem>>)
      %dma_wait3A_1440 = arith.constant 15 : i32
      %dma_wait3A_1441 = arith.constant 0 : i32
      %dma_wait3A_1442 = arith.constant 0 : i32
      %dma_wait3A_1443 = tpu.memref_slice %arg14[%dma_wait3A_1440, %dma_wait3A_1441, %dma_wait3A_1442] : memref<16x16x128xf32, #tpu.memory_space<vmem>> -> memref<1x16x128xf32, #tpu.memory_space<vmem>>
      %dma_wait3A_1444 = tpu.memref_squeeze %dma_wait3A_1443 : memref<1x16x128xf32, #tpu.memory_space<vmem>> -> memref<16x128xf32, #tpu.memory_space<vmem>>
      %dma_wait3A_1445 = arith.constant 0 : i32
      %dma_wait3A_1446 = tpu.memref_slice %arg6[%dma_wait3A_1445, %multiple_of3A_206] : memref<16x1000000xf32, #tpu.memory_space<hbm>> -> memref<16x128xf32, #tpu.memory_space<hbm>>
      %dma_wait3A_1447 = arith.constant 0 : i32
      %dma_wait3A_1448 = arith.constant 0 : i32
      %dma_wait3A_1449 = tpu.memref_slice %arg14[%dma_wait3A_1440, %dma_wait3A_1447, %dma_wait3A_1448] : memref<16x16x128xf32, #tpu.memory_space<vmem>> -> memref<1x16x128xf32, #tpu.memory_space<vmem>>
      %dma_wait3A_1450 = tpu.memref_squeeze %dma_wait3A_1449 : memref<1x16x128xf32, #tpu.memory_space<vmem>> -> memref<16x128xf32, #tpu.memory_space<vmem>>
      %dma_wait3A_1451 = arith.constant 0 : i32
      %dma_wait3A_1452 = tpu.memref_slice %arg6[%dma_wait3A_1451, %multiple_of3A_206] : memref<16x1000000xf32, #tpu.memory_space<hbm>> -> memref<16x128xf32, #tpu.memory_space<hbm>>
      tpu.wait_dma2 semaphore(%arg17 : memref<!tpu.dma_semaphore, #tpu.memory_space<semaphore_mem>>) src(%dma_wait3A_1452 : memref<16x128xf32, #tpu.memory_space<hbm>>) dst(%dma_wait3A_1450 : memref<16x128xf32, #tpu.memory_space<vmem>>)
      %and3A_1453 = arith.constant 127 : i32
      %and3A_1454 = vector.broadcast %and3A_1453 : i32 to vector<16xi32>
      %and3A_1455 = arith.andi %get3A_42, %and3A_1454 : vector<16xi32>
      %and3A_1456 = arith.constant 127 : i32
      %and3A_1457 = vector.broadcast %and3A_1456 : i32 to vector<16xi32>
      %and3A_1458 = arith.andi %get3A_45, %and3A_1457 : vector<16xi32>
      %and3A_1459 = arith.constant 127 : i32
      %and3A_1460 = vector.broadcast %and3A_1459 : i32 to vector<16xi32>
      %and3A_1461 = arith.andi %get3A_48, %and3A_1460 : vector<16xi32>
      %broadcast_in_dim3A = arith.constant 0.000000e+00 : f32
      %broadcast_in_dim3A_1462 = vector.broadcast %broadcast_in_dim3A : f32 to vector<16xf32>
      %broadcast_in_dim3A_1463 = arith.constant 0.000000e+00 : f32
      %broadcast_in_dim3A_1464 = vector.broadcast %broadcast_in_dim3A_1463 : f32 to vector<16xf32>
      %broadcast_in_dim3A_1465 = arith.constant 0 : i32
      %broadcast_in_dim3A_1466 = vector.broadcast %broadcast_in_dim3A_1465 : i32 to vector<16xi32>
      %gather3A = tpu.vector_load_idx %arg12[%iota3A, %broadcast_in_dim3A_1466, %and3A_1455] : memref<16x16x128xf32, #tpu.memory_space<vmem>>[vector<16xi32>, vector<16xi32>, vector<16xi32>], vector<16xf32>,
      %gather3A_1467 = tpu.vector_load_idx %arg13[%iota3A, %broadcast_in_dim3A_1466, %and3A_1458] : memref<16x16x128xf32, #tpu.memory_space<vmem>>[vector<16xi32>, vector<16xi32>, vector<16xi32>], vector<16xf32>,
      %gather3A_1468 = tpu.vector_load_idx %arg14[%iota3A, %broadcast_in_dim3A_1466, %and3A_1461] : memref<16x16x128xf32, #tpu.memory_space<vmem>>[vector<16xi32>, vector<16xi32>, vector<16xi32>], vector<16xf32>,
      %mul3A_1469 = arith.mulf %gather3A, %gather3A_1467 : vector<16xf32>
      %add3A_1470 = arith.addf %broadcast_in_dim3A_1462, %mul3A_1469 : vector<16xf32>
      %mul3A_1471 = arith.mulf %gather3A, %gather3A_1468 : vector<16xf32>
      %add3A_1472 = arith.addf %broadcast_in_dim3A_1464, %mul3A_1471 : vector<16xf32>
      %broadcast_in_dim3A_1473 = arith.constant 1 : i32
      %broadcast_in_dim3A_1474 = vector.broadcast %broadcast_in_dim3A_1473 : i32 to vector<16xi32>
      %gather3A_1475 = tpu.vector_load_idx %arg12[%iota3A, %broadcast_in_dim3A_1474, %and3A_1455] : memref<16x16x128xf32, #tpu.memory_space<vmem>>[vector<16xi32>, vector<16xi32>, vector<16xi32>], vector<16xf32>,
      %gather3A_1476 = tpu.vector_load_idx %arg13[%iota3A, %broadcast_in_dim3A_1474, %and3A_1458] : memref<16x16x128xf32, #tpu.memory_space<vmem>>[vector<16xi32>, vector<16xi32>, vector<16xi32>], vector<16xf32>,
      %gather3A_1477 = tpu.vector_load_idx %arg14[%iota3A, %broadcast_in_dim3A_1474, %and3A_1461] : memref<16x16x128xf32, #tpu.memory_space<vmem>>[vector<16xi32>, vector<16xi32>, vector<16xi32>], vector<16xf32>,
      %mul3A_1478 = arith.mulf %gather3A_1475, %gather3A_1476 : vector<16xf32>
      %add3A_1479 = arith.addf %add3A_1470, %mul3A_1478 : vector<16xf32>
      %mul3A_1480 = arith.mulf %gather3A_1475, %gather3A_1477 : vector<16xf32>
      %add3A_1481 = arith.addf %add3A_1472, %mul3A_1480 : vector<16xf32>
      %broadcast_in_dim3A_1482 = arith.constant 2 : i32
      %broadcast_in_dim3A_1483 = vector.broadcast %broadcast_in_dim3A_1482 : i32 to vector<16xi32>
      %gather3A_1484 = tpu.vector_load_idx %arg12[%iota3A, %broadcast_in_dim3A_1483, %and3A_1455] : memref<16x16x128xf32, #tpu.memory_space<vmem>>[vector<16xi32>, vector<16xi32>, vector<16xi32>], vector<16xf32>,
      %gather3A_1485 = tpu.vector_load_idx %arg13[%iota3A, %broadcast_in_dim3A_1483, %and3A_1458] : memref<16x16x128xf32, #tpu.memory_space<vmem>>[vector<16xi32>, vector<16xi32>, vector<16xi32>], vector<16xf32>,
      %gather3A_1486 = tpu.vector_load_idx %arg14[%iota3A, %broadcast_in_dim3A_1483, %and3A_1461] : memref<16x16x128xf32, #tpu.memory_space<vmem>>[vector<16xi32>, vector<16xi32>, vector<16xi32>], vector<16xf32>,
      %mul3A_1487 = arith.mulf %gather3A_1484, %gather3A_1485 : vector<16xf32>
      %add3A_1488 = arith.addf %add3A_1479, %mul3A_1487 : vector<16xf32>
      %mul3A_1489 = arith.mulf %gather3A_1484, %gather3A_1486 : vector<16xf32>
      %add3A_1490 = arith.addf %add3A_1481, %mul3A_1489 : vector<16xf32>
      %broadcast_in_dim3A_1491 = arith.constant 3 : i32
      %broadcast_in_dim3A_1492 = vector.broadcast %broadcast_in_dim3A_1491 : i32 to vector<16xi32>
      %gather3A_1493 = tpu.vector_load_idx %arg12[%iota3A, %broadcast_in_dim3A_1492, %and3A_1455] : memref<16x16x128xf32, #tpu.memory_space<vmem>>[vector<16xi32>, vector<16xi32>, vector<16xi32>], vector<16xf32>,
      %gather3A_1494 = tpu.vector_load_idx %arg13[%iota3A, %broadcast_in_dim3A_1492, %and3A_1458] : memref<16x16x128xf32, #tpu.memory_space<vmem>>[vector<16xi32>, vector<16xi32>, vector<16xi32>], vector<16xf32>,
      %gather3A_1495 = tpu.vector_load_idx %arg14[%iota3A, %broadcast_in_dim3A_1492, %and3A_1461] : memref<16x16x128xf32, #tpu.memory_space<vmem>>[vector<16xi32>, vector<16xi32>, vector<16xi32>], vector<16xf32>,
      %mul3A_1496 = arith.mulf %gather3A_1493, %gather3A_1494 : vector<16xf32>
      %add3A_1497 = arith.addf %add3A_1488, %mul3A_1496 : vector<16xf32>
      %mul3A_1498 = arith.mulf %gather3A_1493, %gather3A_1495 : vector<16xf32>
      %add3A_1499 = arith.addf %add3A_1490, %mul3A_1498 : vector<16xf32>
      %broadcast_in_dim3A_1500 = arith.constant 4 : i32
      %broadcast_in_dim3A_1501 = vector.broadcast %broadcast_in_dim3A_1500 : i32 to vector<16xi32>
      %gather3A_1502 = tpu.vector_load_idx %arg12[%iota3A, %broadcast_in_dim3A_1501, %and3A_1455] : memref<16x16x128xf32, #tpu.memory_space<vmem>>[vector<16xi32>, vector<16xi32>, vector<16xi32>], vector<16xf32>,
      %gather3A_1503 = tpu.vector_load_idx %arg13[%iota3A, %broadcast_in_dim3A_1501, %and3A_1458] : memref<16x16x128xf32, #tpu.memory_space<vmem>>[vector<16xi32>, vector<16xi32>, vector<16xi32>], vector<16xf32>,
      %gather3A_1504 = tpu.vector_load_idx %arg14[%iota3A, %broadcast_in_dim3A_1501, %and3A_1461] : memref<16x16x128xf32, #tpu.memory_space<vmem>>[vector<16xi32>, vector<16xi32>, vector<16xi32>], vector<16xf32>,
      %mul3A_1505 = arith.mulf %gather3A_1502, %gather3A_1503 : vector<16xf32>
      %add3A_1506 = arith.addf %add3A_1497, %mul3A_1505 : vector<16xf32>
      %mul3A_1507 = arith.mulf %gather3A_1502, %gather3A_1504 : vector<16xf32>
      %add3A_1508 = arith.addf %add3A_1499, %mul3A_1507 : vector<16xf32>
      %broadcast_in_dim3A_1509 = arith.constant 5 : i32
      %broadcast_in_dim3A_1510 = vector.broadcast %broadcast_in_dim3A_1509 : i32 to vector<16xi32>
      %gather3A_1511 = tpu.vector_load_idx %arg12[%iota3A, %broadcast_in_dim3A_1510, %and3A_1455] : memref<16x16x128xf32, #tpu.memory_space<vmem>>[vector<16xi32>, vector<16xi32>, vector<16xi32>], vector<16xf32>,
      %gather3A_1512 = tpu.vector_load_idx %arg13[%iota3A, %broadcast_in_dim3A_1510, %and3A_1458] : memref<16x16x128xf32, #tpu.memory_space<vmem>>[vector<16xi32>, vector<16xi32>, vector<16xi32>], vector<16xf32>,
      %gather3A_1513 = tpu.vector_load_idx %arg14[%iota3A, %broadcast_in_dim3A_1510, %and3A_1461] : memref<16x16x128xf32, #tpu.memory_space<vmem>>[vector<16xi32>, vector<16xi32>, vector<16xi32>], vector<16xf32>,
      %mul3A_1514 = arith.mulf %gather3A_1511, %gather3A_1512 : vector<16xf32>
      %add3A_1515 = arith.addf %add3A_1506, %mul3A_1514 : vector<16xf32>
      %mul3A_1516 = arith.mulf %gather3A_1511, %gather3A_1513 : vector<16xf32>
      %add3A_1517 = arith.addf %add3A_1508, %mul3A_1516 : vector<16xf32>
      %broadcast_in_dim3A_1518 = arith.constant 6 : i32
      %broadcast_in_dim3A_1519 = vector.broadcast %broadcast_in_dim3A_1518 : i32 to vector<16xi32>
      %gather3A_1520 = tpu.vector_load_idx %arg12[%iota3A, %broadcast_in_dim3A_1519, %and3A_1455] : memref<16x16x128xf32, #tpu.memory_space<vmem>>[vector<16xi32>, vector<16xi32>, vector<16xi32>], vector<16xf32>,
      %gather3A_1521 = tpu.vector_load_idx %arg13[%iota3A, %broadcast_in_dim3A_1519, %and3A_1458] : memref<16x16x128xf32, #tpu.memory_space<vmem>>[vector<16xi32>, vector<16xi32>, vector<16xi32>], vector<16xf32>,
      %gather3A_1522 = tpu.vector_load_idx %arg14[%iota3A, %broadcast_in_dim3A_1519, %and3A_1461] : memref<16x16x128xf32, #tpu.memory_space<vmem>>[vector<16xi32>, vector<16xi32>, vector<16xi32>], vector<16xf32>,
      %mul3A_1523 = arith.mulf %gather3A_1520, %gather3A_1521 : vector<16xf32>
      %add3A_1524 = arith.addf %add3A_1515, %mul3A_1523 : vector<16xf32>
      %mul3A_1525 = arith.mulf %gather3A_1520, %gather3A_1522 : vector<16xf32>
      %add3A_1526 = arith.addf %add3A_1517, %mul3A_1525 : vector<16xf32>
      %broadcast_in_dim3A_1527 = arith.constant 7 : i32
      %broadcast_in_dim3A_1528 = vector.broadcast %broadcast_in_dim3A_1527 : i32 to vector<16xi32>
      %gather3A_1529 = tpu.vector_load_idx %arg12[%iota3A, %broadcast_in_dim3A_1528, %and3A_1455] : memref<16x16x128xf32, #tpu.memory_space<vmem>>[vector<16xi32>, vector<16xi32>, vector<16xi32>], vector<16xf32>,
      %gather3A_1530 = tpu.vector_load_idx %arg13[%iota3A, %broadcast_in_dim3A_1528, %and3A_1458] : memref<16x16x128xf32, #tpu.memory_space<vmem>>[vector<16xi32>, vector<16xi32>, vector<16xi32>], vector<16xf32>,
      %gather3A_1531 = tpu.vector_load_idx %arg14[%iota3A, %broadcast_in_dim3A_1528, %and3A_1461] : memref<16x16x128xf32, #tpu.memory_space<vmem>>[vector<16xi32>, vector<16xi32>, vector<16xi32>], vector<16xf32>,
      %mul3A_1532 = arith.mulf %gather3A_1529, %gather3A_1530 : vector<16xf32>
      %add3A_1533 = arith.addf %add3A_1524, %mul3A_1532 : vector<16xf32>
      %mul3A_1534 = arith.mulf %gather3A_1529, %gather3A_1531 : vector<16xf32>
      %add3A_1535 = arith.addf %add3A_1526, %mul3A_1534 : vector<16xf32>
      %broadcast_in_dim3A_1536 = arith.constant 8 : i32
      %broadcast_in_dim3A_1537 = vector.broadcast %broadcast_in_dim3A_1536 : i32 to vector<16xi32>
      %gather3A_1538 = tpu.vector_load_idx %arg12[%iota3A, %broadcast_in_dim3A_1537, %and3A_1455] : memref<16x16x128xf32, #tpu.memory_space<vmem>>[vector<16xi32>, vector<16xi32>, vector<16xi32>], vector<16xf32>,
      %gather3A_1539 = tpu.vector_load_idx %arg13[%iota3A, %broadcast_in_dim3A_1537, %and3A_1458] : memref<16x16x128xf32, #tpu.memory_space<vmem>>[vector<16xi32>, vector<16xi32>, vector<16xi32>], vector<16xf32>,
      %gather3A_1540 = tpu.vector_load_idx %arg14[%iota3A, %broadcast_in_dim3A_1537, %and3A_1461] : memref<16x16x128xf32, #tpu.memory_space<vmem>>[vector<16xi32>, vector<16xi32>, vector<16xi32>], vector<16xf32>,
      %mul3A_1541 = arith.mulf %gather3A_1538, %gather3A_1539 : vector<16xf32>
      %add3A_1542 = arith.addf %add3A_1533, %mul3A_1541 : vector<16xf32>
      %mul3A_1543 = arith.mulf %gather3A_1538, %gather3A_1540 : vector<16xf32>
      %add3A_1544 = arith.addf %add3A_1535, %mul3A_1543 : vector<16xf32>
      %broadcast_in_dim3A_1545 = arith.constant 9 : i32
      %broadcast_in_dim3A_1546 = vector.broadcast %broadcast_in_dim3A_1545 : i32 to vector<16xi32>
      %gather3A_1547 = tpu.vector_load_idx %arg12[%iota3A, %broadcast_in_dim3A_1546, %and3A_1455] : memref<16x16x128xf32, #tpu.memory_space<vmem>>[vector<16xi32>, vector<16xi32>, vector<16xi32>], vector<16xf32>,
      %gather3A_1548 = tpu.vector_load_idx %arg13[%iota3A, %broadcast_in_dim3A_1546, %and3A_1458] : memref<16x16x128xf32, #tpu.memory_space<vmem>>[vector<16xi32>, vector<16xi32>, vector<16xi32>], vector<16xf32>,
      %gather3A_1549 = tpu.vector_load_idx %arg14[%iota3A, %broadcast_in_dim3A_1546, %and3A_1461] : memref<16x16x128xf32, #tpu.memory_space<vmem>>[vector<16xi32>, vector<16xi32>, vector<16xi32>], vector<16xf32>,
      %mul3A_1550 = arith.mulf %gather3A_1547, %gather3A_1548 : vector<16xf32>
      %add3A_1551 = arith.addf %add3A_1542, %mul3A_1550 : vector<16xf32>
      %mul3A_1552 = arith.mulf %gather3A_1547, %gather3A_1549 : vector<16xf32>
      %add3A_1553 = arith.addf %add3A_1544, %mul3A_1552 : vector<16xf32>
      %broadcast_in_dim3A_1554 = arith.constant 10 : i32
      %broadcast_in_dim3A_1555 = vector.broadcast %broadcast_in_dim3A_1554 : i32 to vector<16xi32>
      %gather3A_1556 = tpu.vector_load_idx %arg12[%iota3A, %broadcast_in_dim3A_1555, %and3A_1455] : memref<16x16x128xf32, #tpu.memory_space<vmem>>[vector<16xi32>, vector<16xi32>, vector<16xi32>], vector<16xf32>,
      %gather3A_1557 = tpu.vector_load_idx %arg13[%iota3A, %broadcast_in_dim3A_1555, %and3A_1458] : memref<16x16x128xf32, #tpu.memory_space<vmem>>[vector<16xi32>, vector<16xi32>, vector<16xi32>], vector<16xf32>,
      %gather3A_1558 = tpu.vector_load_idx %arg14[%iota3A, %broadcast_in_dim3A_1555, %and3A_1461] : memref<16x16x128xf32, #tpu.memory_space<vmem>>[vector<16xi32>, vector<16xi32>, vector<16xi32>], vector<16xf32>,
      %mul3A_1559 = arith.mulf %gather3A_1556, %gather3A_1557 : vector<16xf32>
      %add3A_1560 = arith.addf %add3A_1551, %mul3A_1559 : vector<16xf32>
      %mul3A_1561 = arith.mulf %gather3A_1556, %gather3A_1558 : vector<16xf32>
      %add3A_1562 = arith.addf %add3A_1553, %mul3A_1561 : vector<16xf32>
      %broadcast_in_dim3A_1563 = arith.constant 11 : i32
      %broadcast_in_dim3A_1564 = vector.broadcast %broadcast_in_dim3A_1563 : i32 to vector<16xi32>
      %gather3A_1565 = tpu.vector_load_idx %arg12[%iota3A, %broadcast_in_dim3A_1564, %and3A_1455] : memref<16x16x128xf32, #tpu.memory_space<vmem>>[vector<16xi32>, vector<16xi32>, vector<16xi32>], vector<16xf32>,
      %gather3A_1566 = tpu.vector_load_idx %arg13[%iota3A, %broadcast_in_dim3A_1564, %and3A_1458] : memref<16x16x128xf32, #tpu.memory_space<vmem>>[vector<16xi32>, vector<16xi32>, vector<16xi32>], vector<16xf32>,
      %gather3A_1567 = tpu.vector_load_idx %arg14[%iota3A, %broadcast_in_dim3A_1564, %and3A_1461] : memref<16x16x128xf32, #tpu.memory_space<vmem>>[vector<16xi32>, vector<16xi32>, vector<16xi32>], vector<16xf32>,
      %mul3A_1568 = arith.mulf %gather3A_1565, %gather3A_1566 : vector<16xf32>
      %add3A_1569 = arith.addf %add3A_1560, %mul3A_1568 : vector<16xf32>
      %mul3A_1570 = arith.mulf %gather3A_1565, %gather3A_1567 : vector<16xf32>
      %add3A_1571 = arith.addf %add3A_1562, %mul3A_1570 : vector<16xf32>
      %broadcast_in_dim3A_1572 = arith.constant 12 : i32
      %broadcast_in_dim3A_1573 = vector.broadcast %broadcast_in_dim3A_1572 : i32 to vector<16xi32>
      %gather3A_1574 = tpu.vector_load_idx %arg12[%iota3A, %broadcast_in_dim3A_1573, %and3A_1455] : memref<16x16x128xf32, #tpu.memory_space<vmem>>[vector<16xi32>, vector<16xi32>, vector<16xi32>], vector<16xf32>,
      %gather3A_1575 = tpu.vector_load_idx %arg13[%iota3A, %broadcast_in_dim3A_1573, %and3A_1458] : memref<16x16x128xf32, #tpu.memory_space<vmem>>[vector<16xi32>, vector<16xi32>, vector<16xi32>], vector<16xf32>,
      %gather3A_1576 = tpu.vector_load_idx %arg14[%iota3A, %broadcast_in_dim3A_1573, %and3A_1461] : memref<16x16x128xf32, #tpu.memory_space<vmem>>[vector<16xi32>, vector<16xi32>, vector<16xi32>], vector<16xf32>,
      %mul3A_1577 = arith.mulf %gather3A_1574, %gather3A_1575 : vector<16xf32>
      %add3A_1578 = arith.addf %add3A_1569, %mul3A_1577 : vector<16xf32>
      %mul3A_1579 = arith.mulf %gather3A_1574, %gather3A_1576 : vector<16xf32>
      %add3A_1580 = arith.addf %add3A_1571, %mul3A_1579 : vector<16xf32>
      %broadcast_in_dim3A_1581 = arith.constant 13 : i32
      %broadcast_in_dim3A_1582 = vector.broadcast %broadcast_in_dim3A_1581 : i32 to vector<16xi32>
      %gather3A_1583 = tpu.vector_load_idx %arg12[%iota3A, %broadcast_in_dim3A_1582, %and3A_1455] : memref<16x16x128xf32, #tpu.memory_space<vmem>>[vector<16xi32>, vector<16xi32>, vector<16xi32>], vector<16xf32>,
      %gather3A_1584 = tpu.vector_load_idx %arg13[%iota3A, %broadcast_in_dim3A_1582, %and3A_1458] : memref<16x16x128xf32, #tpu.memory_space<vmem>>[vector<16xi32>, vector<16xi32>, vector<16xi32>], vector<16xf32>,
      %gather3A_1585 = tpu.vector_load_idx %arg14[%iota3A, %broadcast_in_dim3A_1582, %and3A_1461] : memref<16x16x128xf32, #tpu.memory_space<vmem>>[vector<16xi32>, vector<16xi32>, vector<16xi32>], vector<16xf32>,
      %mul3A_1586 = arith.mulf %gather3A_1583, %gather3A_1584 : vector<16xf32>
      %add3A_1587 = arith.addf %add3A_1578, %mul3A_1586 : vector<16xf32>
      %mul3A_1588 = arith.mulf %gather3A_1583, %gather3A_1585 : vector<16xf32>
      %add3A_1589 = arith.addf %add3A_1580, %mul3A_1588 : vector<16xf32>
      %broadcast_in_dim3A_1590 = arith.constant 14 : i32
      %broadcast_in_dim3A_1591 = vector.broadcast %broadcast_in_dim3A_1590 : i32 to vector<16xi32>
      %gather3A_1592 = tpu.vector_load_idx %arg12[%iota3A, %broadcast_in_dim3A_1591, %and3A_1455] : memref<16x16x128xf32, #tpu.memory_space<vmem>>[vector<16xi32>, vector<16xi32>, vector<16xi32>], vector<16xf32>,
      %gather3A_1593 = tpu.vector_load_idx %arg13[%iota3A, %broadcast_in_dim3A_1591, %and3A_1458] : memref<16x16x128xf32, #tpu.memory_space<vmem>>[vector<16xi32>, vector<16xi32>, vector<16xi32>], vector<16xf32>,
      %gather3A_1594 = tpu.vector_load_idx %arg14[%iota3A, %broadcast_in_dim3A_1591, %and3A_1461] : memref<16x16x128xf32, #tpu.memory_space<vmem>>[vector<16xi32>, vector<16xi32>, vector<16xi32>], vector<16xf32>,
      %mul3A_1595 = arith.mulf %gather3A_1592, %gather3A_1593 : vector<16xf32>
      %add3A_1596 = arith.addf %add3A_1587, %mul3A_1595 : vector<16xf32>
      %mul3A_1597 = arith.mulf %gather3A_1592, %gather3A_1594 : vector<16xf32>
      %add3A_1598 = arith.addf %add3A_1589, %mul3A_1597 : vector<16xf32>
      %broadcast_in_dim3A_1599 = arith.constant 15 : i32
      %broadcast_in_dim3A_1600 = vector.broadcast %broadcast_in_dim3A_1599 : i32 to vector<16xi32>
      %gather3A_1601 = tpu.vector_load_idx %arg12[%iota3A, %broadcast_in_dim3A_1600, %and3A_1455] : memref<16x16x128xf32, #tpu.memory_space<vmem>>[vector<16xi32>, vector<16xi32>, vector<16xi32>], vector<16xf32>,
      %gather3A_1602 = tpu.vector_load_idx %arg13[%iota3A, %broadcast_in_dim3A_1600, %and3A_1458] : memref<16x16x128xf32, #tpu.memory_space<vmem>>[vector<16xi32>, vector<16xi32>, vector<16xi32>], vector<16xf32>,
      %gather3A_1603 = tpu.vector_load_idx %arg14[%iota3A, %broadcast_in_dim3A_1600, %and3A_1461] : memref<16x16x128xf32, #tpu.memory_space<vmem>>[vector<16xi32>, vector<16xi32>, vector<16xi32>], vector<16xf32>,
      %mul3A_1604 = arith.mulf %gather3A_1601, %gather3A_1602 : vector<16xf32>
      %add3A_1605 = arith.addf %add3A_1596, %mul3A_1604 : vector<16xf32>
      %mul3A_1606 = arith.mulf %gather3A_1601, %gather3A_1603 : vector<16xf32>
      %add3A_1607 = arith.addf %add3A_1598, %mul3A_1606 : vector<16xf32>
      %mul3A_1608 = arith.constant 16 : i32
      %mul3A_1609 = arith.muli %scan3A_8, %mul3A_1608 : i32
      %multiple_of3A_1610 = tpu.assume_multiple %mul3A_1609, 16 : i32
      %swap3A = arith.index_cast %multiple_of3A_1610 : i32 to index
      %swap3A_1611 = tpu.vector_load %arg15[%swap3A] {strides = array<i32>} : memref<512xf32, #tpu.memory_space<vmem>>, vector<16xf32>,
      tpu.vector_store %arg15[%swap3A], %add3A_1605 {strides = array<i32>} : memref<512xf32, #tpu.memory_space<vmem>>, vector<16xf32>,
      %swap3A_1612 = arith.index_cast %multiple_of3A_1610 : i32 to index
      %swap3A_1613 = tpu.vector_load %arg16[%swap3A_1612] {strides = array<i32>} : memref<512xf32, #tpu.memory_space<vmem>>, vector<16xf32>,
      tpu.vector_store %arg16[%swap3A_1612], %add3A_1607 {strides = array<i32>} : memref<512xf32, #tpu.memory_space<vmem>>, vector<16xf32>,
    }
    %scan3A_5 = arith.constant 32 : i32
    %mul3A_6 = arith.constant 512 : i32
    %mul3A_7 = arith.muli %add3A, %mul3A_6 : i32
    "tpu.region"() ({
      %run_scoped3A = tpu.sem_alloc : memref<!tpu.dma_semaphore, #tpu.memory_space<semaphore_mem>>
      %dma_start3A = tpu.memref_slice %arg7[%mul3A_7] : memref<16384xf32, #tpu.memory_space<hbm>> -> memref<512xf32, #tpu.memory_space<hbm>>
      %dma_start3A_8 = tpu.memref_slice %arg7[%mul3A_7] : memref<16384xf32, #tpu.memory_space<hbm>> -> memref<512xf32, #tpu.memory_space<hbm>>
      tpu.enqueue_dma source(%arg15 : memref<512xf32, #tpu.memory_space<vmem>>) target(%dma_start3A_8 : memref<512xf32, #tpu.memory_space<hbm>>) target_semaphore(%run_scoped3A : memref<!tpu.dma_semaphore, #tpu.memory_space<semaphore_mem>>)
      %dma_wait3A = tpu.memref_slice %arg7[%mul3A_7] : memref<16384xf32, #tpu.memory_space<hbm>> -> memref<512xf32, #tpu.memory_space<hbm>>
      %dma_wait3A_9 = tpu.memref_slice %arg7[%mul3A_7] : memref<16384xf32, #tpu.memory_space<hbm>> -> memref<512xf32, #tpu.memory_space<hbm>>
      tpu.wait_dma2 semaphore(%run_scoped3A : memref<!tpu.dma_semaphore, #tpu.memory_space<semaphore_mem>>) src(%arg15 : memref<512xf32, #tpu.memory_space<vmem>>) dst(%dma_wait3A_9 : memref<512xf32, #tpu.memory_space<hbm>>)
      tpu.yield
    }) : () -> ()
    "tpu.region"() ({
      %run_scoped3A = tpu.sem_alloc : memref<!tpu.dma_semaphore, #tpu.memory_space<semaphore_mem>>
      %dma_start3A = tpu.memref_slice %arg8[%mul3A_7] : memref<16384xf32, #tpu.memory_space<hbm>> -> memref<512xf32, #tpu.memory_space<hbm>>
      %dma_start3A_8 = tpu.memref_slice %arg8[%mul3A_7] : memref<16384xf32, #tpu.memory_space<hbm>> -> memref<512xf32, #tpu.memory_space<hbm>>
      tpu.enqueue_dma source(%arg16 : memref<512xf32, #tpu.memory_space<vmem>>) target(%dma_start3A_8 : memref<512xf32, #tpu.memory_space<hbm>>) target_semaphore(%run_scoped3A : memref<!tpu.dma_semaphore, #tpu.memory_space<semaphore_mem>>)
      %dma_wait3A = tpu.memref_slice %arg8[%mul3A_7] : memref<16384xf32, #tpu.memory_space<hbm>> -> memref<512xf32, #tpu.memory_space<hbm>>
      %dma_wait3A_9 = tpu.memref_slice %arg8[%mul3A_7] : memref<16384xf32, #tpu.memory_space<hbm>> -> memref<512xf32, #tpu.memory_space<hbm>>
      tpu.wait_dma2 semaphore(%run_scoped3A : memref<!tpu.dma_semaphore, #tpu.memory_space<semaphore_mem>>) src(%arg16 : memref<512xf32, #tpu.memory_space<vmem>>) dst(%dma_wait3A_9 : memref<512xf32, #tpu.memory_space<hbm>>)
      tpu.yield
    }) : () -> ()
    return
  }
}

</mosaic_0001>

<sc_bundles>
// kernel: kernel.3.cloned.1.call-start
scs
__scs_entry_jumppad:
0x0: {  	(pc) =	sbr.rel $0x88, $3  }
0x1: {  	(tag) =	ssettag $0x0;
	lr =	simm.s32 $0x1  }
0x2: {  	[smem:$0x3F9C] =	sst lr;
	_ =	strace $0xD0000000  }
0x3: {  	_ = 	snop  }
0x4: {  	_ = 	snop  }
0x5: {  	_ = 	snop  }
0x6: {  	_ = 	snop  }
0x7: {  	_ = 	snop  }
__scs_overlays_trampoline_lowered:
0x8: {  	[smem:$0x3FAB] =	sst s0  }
0x9: {  	[smem:$0x3FAC] =	sst s1  }
0xa: {  	[smem:$0x3FAD] =	sst s2  }
0xb: {  	[smem:$0x3FAE] =	sst s3  }
0xc: {  	[smem:$0x3FAF] =	sst s4  }
0xd: {  	[smem:$0x3FB0] =	sst s5  }
0xe: {  	[smem:$0x3FB1] =	sst s6  }
0xf: {  	[smem:$0x3FB2] =	sst s7  }
0x10: {  	[smem:$0x3FB3] =	sst s8  }
0x11: {  	[smem:$0x3FB4] =	sst s9;
	s0 =	simm.s32 @!p0 $0x0  }
0x12: {  	s1 =	sld [smem:$0x3F9A];
	s0 =	simm.s32 @p0 $0x1  }
0x13: {  	[smem:$0x3FB5] =	sst s0;
	s0 =	simm.s32 @!p1 $0x0  }
0x14: {  	s2 =	sld [smem:$0x3F99];
	s0 =	simm.s32 @p1 $0x1  }
0x15: {  	[smem:$0x3FB6] =	sst s0;
	s0 =	simm.s32 @!p2 $0x0  }
0x16: {  	s3 =	sld [smem:$0x3FDB];
	s0 =	simm.s32 @p2 $0x1  }
0x17: {  	s4 =	simm.s32 $0x1BF5;
	[smem:$0x3FB8] =	sst s0  }
0x18: {  	s0 =	sld [smem:$0x3F9B];
	_ =	swait.ge [sflag:s4], $0x0  }
0x19: {  	s7 =	sld [smem:$0x3F9C]  }
0x1a: {  	s8 =	sadd.s32 $0xFFFFE003, lr  }
0x1b: {  	s9 =	sadd.s32 $0xFFFFFEF7, lr;
	s5 =	simm.s32 $0xFFFFFFFF;
	p2 =	slt.u32 s8, $0xFFFFF086  }
0x1c: {  	p1 =	slt.u32 s9, $0xF7A;
	s5 =	simm.s32 @!p2 $0x0  }
0x1d: {  	s5 =	simm.s32 @p1 $0x1;
	p0 =	seq.s32 s7, s2  }
0x1e: {  	s7 =	smul.u32 @!p0 $0xF7A, s2;
	p2 =	seq.s32 @!p0 s5, $0x0  }
0x1f: {  	s9 =	smul.u32 $0xF7A, s1;
	s8 =	simm.s32 @!p0 $0x1BF5;
	p2 =	por !p2, p0  }
0x20: {  	[sflag:s8] =	ssyncset.s32 @!p0 $0xFFFFF086;
	s6 =	sadd.s32 @!p0 s3, s7;
	s7 =	simm.s32 @!p0 $0x108  }
0x21: {  	s3 =	sadd.s32 s3, s9;
	s6 =	sadd.s32 @!p0 $0x88, s6;
	s7 =	simm.s32 @p2 $0x1082  }
0x22: {  	[simem:s7], [sflag:s8] =	dma.local @!p0 [hbm:s6], $0xF7A  }
0x23: {  	s9 =	sor.u32 $0xD0000000, s2;
	s6 =	simm.s32 $0x108;
	_ =	swait.ge @!p0 [sflag:s8], $0x0  }
0x24: {  	s3 =	sadd.s32 $0x88, s3;
	s6 =	simm.s32 @!p1 $0x1082;
	[sflag:s4] =	ssyncset.s32 $0xFFFFF086  }
0x25: {  	[simem:s6], [sflag:s4] =	dma.local [hbm:s3], $0xF7A  }
0x26: {  	[smem:$0x3F9C] =	sst s1;
	(tag) =	ssettag s2;
	_ =	strace s9  }
0x27: {  	s1 =	sld [smem:$0x3FAC]  }
0x28: {  	s2 =	sld [smem:$0x3FAD]  }
0x29: {  	s4 =	sld [smem:$0x3FAF]  }
0x2a: {  	p0 =	seq.s32 s5, $0x0;
	s5 =	sld [smem:$0x3FB0]  }
0x2b: {  	s6 =	sld [smem:$0x3FB1]  }
0x2c: {  	s7 =	sld [smem:$0x3FB2]  }
0x2d: {  	s3 =	simm.s32 $0x108;
	s8 =	sld [smem:$0x3FB3]  }
0x2e: {  	s3 =	simm.s32 @!p0 $0x1082;
	s9 =	sld [smem:$0x3FB4]  }
0x2f: {  	lr =	sadd.s32 s0, s3;
	s0 =	sld [smem:$0x3FAB]  }
0x30: {  	s3 =	sld [smem:$0x3FAE]  }
0x31: {  	[smem:$0x3FB7] =	sst s10  }
0x32: {  	s10 =	sld [smem:$0x3FB5];
	_ =	sdelay $0x3  }
0x33: {  	p0 =	seq.s32 s10, $0x1;
	s10 =	sld [smem:$0x3FB7];
	_ =	sdelay $0x3  }
0x34: {  	[smem:$0x3FB7] =	sst s10  }
0x35: {  	s10 =	sld [smem:$0x3FB6];
	_ =	sdelay $0x3  }
0x36: {  	p1 =	seq.s32 s10, $0x1;
	s10 =	sld [smem:$0x3FB7];
	_ =	sdelay $0x3  }
0x37: {  	[smem:$0x3FB7] =	sst s10  }
0x38: {  	s10 =	sld [smem:$0x3FB8]  }
0x39: {  	_ = 	snop;
	(pc) =	sbr.ind lr, $3  }
0x3a: {  	_ = 	snop  }
0x3b: {  	_ = 	snop  }
0x3c: {  	p2 =	seq.s32 s10, $0x1;
	s10 =	sld [smem:$0x3FB7]  }
0x3d: {  	_ =	shalt  }
0x3e: {  	_ =	shalt  }
0x3f: {  	_ =	shalt  }
0x40: {  	_ =	shalt  }
0x41: {  	_ =	shalt  }
0x42: {  	_ =	shalt  }
0x43: {  	_ =	shalt  }
0x44: {  	_ =	shalt  }
0x45: {  	_ =	shalt  }
0x46: {  	_ =	shalt  }
0x47: {  	_ =	shalt  }
0x48: {  	_ =	shalt  }
0x49: {  	_ =	shalt  }
0x4a: {  	_ =	shalt  }
0x4b: {  	_ =	shalt  }
0x4c: {  	_ =	shalt  }
0x4d: {  	_ =	shalt  }
0x4e: {  	_ =	shalt  }
0x4f: {  	_ =	shalt  }
0x50: {  	_ =	shalt  }
0x51: {  	_ =	shalt  }
0x52: {  	_ =	shalt  }
0x53: {  	_ =	shalt  }
0x54: {  	_ =	shalt  }
0x55: {  	_ =	shalt  }
0x56: {  	_ =	shalt  }
0x57: {  	_ =	shalt  }
0x58: {  	_ =	shalt  }
0x59: {  	_ =	shalt  }
0x5a: {  	_ =	shalt  }
0x5b: {  	_ =	shalt  }
0x5c: {  	_ =	shalt  }
0x5d: {  	_ =	shalt  }
0x5e: {  	_ =	shalt  }
0x5f: {  	_ =	shalt  }
0x60: {  	_ =	shalt  }
0x61: {  	_ =	shalt  }
0x62: {  	_ =	shalt  }
0x63: {  	_ =	shalt  }
0x64: {  	_ =	shalt  }
0x65: {  	_ =	shalt  }
0x66: {  	_ =	shalt  }
0x67: {  	_ =	shalt  }
0x68: {  	_ =	shalt  }
0x69: {  	_ =	shalt  }
0x6a: {  	_ =	shalt  }
0x6b: {  	_ =	shalt  }
0x6c: {  	_ =	shalt  }
0x6d: {  	_ =	shalt  }
0x6e: {  	_ =	shalt  }
0x6f: {  	_ =	shalt  }
0x70: {  	_ =	shalt  }
0x71: {  	_ =	shalt  }
0x72: {  	_ =	shalt  }
0x73: {  	_ =	shalt  }
0x74: {  	_ =	shalt  }
0x75: {  	_ =	shalt  }
0x76: {  	_ =	shalt  }
0x77: {  	_ =	shalt  }
0x78: {  	_ =	shalt  }
0x79: {  	_ =	shalt  }
0x7a: {  	_ =	shalt  }
0x7b: {  	_ =	shalt  }
0x7c: {  	_ =	shalt  }
0x7d: {  	_ =	shalt  }
0x7e: {  	_ =	shalt  }
0x7f: {  	_ =	shalt  }
0x80: {  	_ =	shalt  }
0x81: {  	_ =	shalt  }
0x82: {  	_ =	shalt  }
0x83: {  	_ =	shalt  }
0x84: {  	_ =	shalt  }
0x85: {  	_ =	shalt  }
0x86: {  	_ =	shalt  }
0x87: {  	_ =	shalt  }
.Lfunc_end0:
.L_simem_size_0:
called_computation_lowered:
.L_overlay_start_0:
0x88: {  	s2 =	sld [smem:$0x3FD9]  }
0x89: {  	s3 =	sld [smem:$0x3FFE];
	_ =	sdelay $0x1  }
0x8a: {  	s1 =	srdreg.scid  }
0x8b: {  	s0 =	sand.u32 $0x1, s1  }
0x8c: {  	s15 =	sshll.u32 s0, $0xA;
	s2 =	sadd.s32 s3, s2  }
0x8d: {  	s2 =	sadd.s32 s2, s15  }
0x8e: {  	[smem:$0x3FC3] =	sst s2  }
0x8f: {  	_ = 	snop  }
0x90: {  	s2 =	sld [smem:$0x3FC9]  }
0x91: {  	s16 =	sld [smem:$0x3FC8]  }
0x92: {  	s4 =	sld [smem:$0x3FD0]  }
0x93: {  	s5 =	sld [smem:$0x3FC7]  }
0x94: {  	s6 =	sld [smem:$0x3FC6]  }
0x95: {  	s8 =	simm.s32 $0xA;
	s9 =	simm.s32 $0x10;
	s7 =	sld [smem:$0x3FC5]  }
0x96: {  	[smem:s9], [sflag:s8] =	dma.local [hbm:s4], $0x1  }
0x97: {  	_ =	swait.eq [sflag:s8], $0x1  }
0x98: {  	[sflag:s8] =	ssyncset.done $0x0  }
0x99: {  	s17 =	sld [smem:$0x10];
	[sflag:s8] =	ssyncadd.s32 $0xFFFFFFFF  }
0x9a: {  	s18 =	sld [smem:$0x11];
	(tm) =	ssettm $0x1  }
0x9b: {  	s19 =	sld [smem:$0x3FFB];
	_ =	sdelay $0x3  }
0x9c: {  	_ =	strace s19  }
0x9d: {  	s9 =	sld [smem:$0x3FFC];
	_ =	sdelay $0x3  }
0x9e: {  	_ =	strace s9  }
0x9f: {  	s9 =	sld [smem:$0x3FFD];
	_ =	sdelay $0x3  }
0xa0: {  	_ =	strace s9  }
0xa1: {  	_ =	strace $0x8FFFFFFF  }
0xa2: {  	s20 =	sld [smem:$0x3FDB];
	_ =	sdelay $0x1  }
0xa3: {  	s10 =	simm.s32 $_scs_section_size  }
0xa4: {  	s11 =	simm.s32 $_size__tile_overlayer_lowered;
	s12 =	simm.s32 $_tile_overlayer_lowered  }
0xa5: {  	s23 =	simm.s32 $0x1BFF;
	s22 =	sshll.u32 s12, $0x1;
	s9 =	sadd.s32 s10, s20  }
0xa6: {  	s13 =	simm.s32 $0x0;
	s21 =	sshll.u32 s11, $0x1;
	s11 =	sadd.s32 s22, s9  }
0xa7: {  	[timem:s13], [sflag:s23] =	dma.local [hbm:s11], s21  }
0xa8: {  	_ =	swait.ge [sflag:s23], s21  }
0xa9: {  	s10 =	ssub.s32 $0x0, s21;
	[sflag:s23] =	ssyncset.done $0x0  }
0xaa: {  	[sflag:s23] =	ssyncadd.s32 s10;
	_ =	sdelay $0x1  }
0xab: {  	s24 =	simm.s32 $0x1B8B  }
0xac: {  	_ =	swait.ge [sflag:s24], $0x1  }
0xad: {  	[sflag:s24] =	ssyncset.done $0x0  }
0xae: {  	s25 =	simm.s32 $0x1B8E;
	[sflag:s24] =	ssyncadd.s32 $0xFFFFFFFF  }
0xaf: {  	s26 =	simm.s32 $execute0_lowered;
	[smem:$0x3FD2] =	sst s25  }
0xb0: {  	s10 =	sshll.u32 s26, $0x1;
	_ =	strace $0x80000046;
	[dreg:$0x1] =	wrdreg $0xFFFFFFFF  }
0xb1: {  	s28 =	simm.s32 $_size_execute0_lowered;
	s9 =	sadd.s32 s9, s10;
	[dreg:$0x0] =	wrdreg $0x0  }
0xb2: {  	s10 =	sshll.u32 s28, $0x1;
	[dreg:$0x2] =	wrdreg s9  }
0xb3: {  	[dreg:$0x3] =	wrdreg s10  }
0xb4: {  	[dreg:$0x4] =	wrdreg $0xC0  }
0xb5: {  	_ =	task [dreg:s13], $0x5FFFF  }
0xb6: {  	[dreg:$0x1] =	wrdreg $0xFFFFFFFF  }
0xb7: {  	[dreg:$0x0] =	wrdreg $0x60  }
0xb8: {  	[dreg:$0x2] =	wrdreg s2  }
0xb9: {  	[dreg:$0x3] =	wrdreg s16  }
0xba: {  	[dreg:$0x4] =	wrdreg s5  }
0xbb: {  	[dreg:$0x5] =	wrdreg s6  }
0xbc: {  	[dreg:$0x6] =	wrdreg s7  }
0xbd: {  	[dreg:$0x7] =	wrdreg s17  }
0xbe: {  	[dreg:$0x8] =	wrdreg s18  }
0xbf: {  	[dreg:$0x9] =	wrdreg $0x9  }
0xc0: {  	_ =	task.clear_ibuf [dreg:s13], $0xAFFFF;
	_ =	strace $0x90000046  }
0xc1: {  	s29 =	simm.s32 $0x9;
	_ =	strace $0x80000048  }
0xc2: {  	_ =	swait.ge [sflag:s29], $0x1  }
0xc3: {  	[sflag:s29] =	ssyncadd.s32 $0xFFFFFFFF  }
0xc4: {  	_ =	strace $0x90000048  }
0xc5: {  	_ =	sfence  }
0xc6: {  	s30 =	sld [smem:$0x0];
	_ =	sdelay $0x2  }
0xc7: {  	s31 =	sshll.u32 s1, $0xD;
	s1 =	sshrl.u32 s1, $0x2  }
0xc8: {  	s3 =	sand.u32 $0x4000, s31;
	s1 =	sadd.s32 s1, s30  }
0xc9: {  	s0 =	sor.u32 s3, s0;
	s1 =	sshll.u32 s1, $0x11  }
0xca: {  	s0 =	sor.u32 s1, s0  }
0xcb: {  	s0 =	sadd.s32 $0x8F2B, s0  }
0xcc: {  	[sflag:s0] =	ssyncadd.remote.s32 $0x1  }
0xcd: {  	_ =	sfence.sel $0xFFFF  }
0xce: {  	[dreg:$0x0] =	wrdreg $0xFFFFFFFF;
	(pc) =	sbr.abs _section_cstart, $3  }
0xcf: {  	[dreg:$0x1] =	wrdreg $0xFFFFFFFF  }
0xd0: {  	_ =	task.clear_ibuf [dreg:s13], $0x2FFFF;
	_ =	strace $0x9FFFFFFF  }
0xd1: {  	(tm) =	ssettm $0x7FFFFFFF  }
tec
execute0_lowered:
.L_overlay_start_1:
0x0: {  	(tag) =	ssettag $0x1  }
0x1: {  	s4 =	rddreg [dreg:$0x0]  }
0x2: {  	s5 =	rddreg [dreg:$0x1]  }
0x3: {  	s6 =	rddreg [dreg:$0x2]  }
0x4: {  	s0 =	rddreg [dreg:$0x3]  }
0x5: {  	s1 =	rddreg [dreg:$0x4]  }
0x6: {  	s7 =	rddreg [dreg:$0x5]  }
0x7: {  	s8 =	rddreg [dreg:$0x6]  }
0x8: {  	[dreg:$0x8] =	wrdreg s0  }
0x9: {  	s2 =	simm.s32 $0x0;
	s0 =	rddreg [dreg:$0x7]  }
0xa: {  	s3 =	simm.s32 $0xE00;
	[smem:$0x7FF] =	sst s2  }
0xb: {  	s14 =	simm.s32 $0x8E00;
	_ =	strace $0x80000047;
	[dreg:$0x9] =	wrdreg s3  }
0xc: {  	s15 =	simm.s32 $0x10E00;
	[dreg:$0xa] =	wrdreg s14  }
0xd: {  	s16 =	simm.s32 $0x1600;
	[dreg:$0xb] =	wrdreg s15  }
0xe: {  	s17 =	simm.s32 $0x9600;
	[dreg:$0xc] =	wrdreg s16  }
0xf: {  	s18 =	simm.s32 $0x11600;
	[dreg:$0xd] =	wrdreg s17  }
0x10: {  	s19 =	simm.s32 $0x1E00;
	[dreg:$0xe] =	wrdreg s18  }
0x11: {  	s20 =	simm.s32 $0x9E00;
	[dreg:$0xf] =	wrdreg s19  }
0x12: {  	s21 =	simm.s32 $0x11E00;
	[dreg:$0x10] =	wrdreg s20  }
0x13: {  	s22 =	simm.s32 $0x2600;
	[dreg:$0x11] =	wrdreg s21  }
0x14: {  	s23 =	simm.s32 $0xA600;
	[dreg:$0x12] =	wrdreg s22  }
0x15: {  	s24 =	simm.s32 $0x12600;
	[dreg:$0x13] =	wrdreg s23  }
0x16: {  	s25 =	simm.s32 $0x2E00;
	[dreg:$0x14] =	wrdreg s24  }
0x17: {  	s26 =	simm.s32 $0xAE00;
	[dreg:$0x15] =	wrdreg s25  }
0x18: {  	s28 =	simm.s32 $0x12E00;
	[dreg:$0x16] =	wrdreg s26  }
0x19: {  	s29 =	simm.s32 $0x3600;
	[dreg:$0x17] =	wrdreg s28  }
0x1a: {  	s30 =	simm.s32 $0xB600;
	[dreg:$0x18] =	wrdreg s29  }
0x1b: {  	s31 =	simm.s32 $0x13600;
	[dreg:$0x19] =	wrdreg s30  }
0x1c: {  	s9 =	simm.s32 $0x3E00;
	[dreg:$0x1a] =	wrdreg s31  }
0x1d: {  	s10 =	simm.s32 $0xBE00;
	[dreg:$0x1b] =	wrdreg s9  }
0x1e: {  	s11 =	simm.s32 $0x13E00;
	[dreg:$0x1c] =	wrdreg s10  }
0x1f: {  	s12 =	simm.s32 $0x4600;
	[dreg:$0x1d] =	wrdreg s11  }
0x20: {  	s13 =	simm.s32 $0xC600;
	[dreg:$0x1e] =	wrdreg s12  }
0x21: {  	[dreg:$0x1f] =	wrdreg s13;
	s14 =	simm.s32 $0x14600  }
0x22: {  	s10 =	simm.s32 $0x4E00;
	[smem:$0x7E8] =	sst s14  }
0x23: {  	s15 =	simm.s32 $0xCE00;
	[smem:$0x7E9] =	sst s10  }
0x24: {  	s16 =	simm.s32 $0x14E00;
	[smem:$0x7EA] =	sst s15  }
0x25: {  	s17 =	simm.s32 $0x5600;
	[smem:$0x7EB] =	sst s16  }
0x26: {  	s18 =	simm.s32 $0xD600;
	[smem:$0x7EC] =	sst s17  }
0x27: {  	s19 =	simm.s32 $0x15600;
	[smem:$0x7ED] =	sst s18  }
0x28: {  	s21 =	simm.s32 $0x5E00;
	[smem:$0x7EE] =	sst s19  }
0x29: {  	s22 =	simm.s32 $0xDE00;
	[smem:$0x7EF] =	sst s21  }
0x2a: {  	s23 =	simm.s32 $0x15E00;
	[smem:$0x7F0] =	sst s22  }
0x2b: {  	s24 =	simm.s32 $0x6600;
	[smem:$0x7F1] =	sst s23  }
0x2c: {  	s25 =	simm.s32 $0xE600;
	[smem:$0x7F2] =	sst s24  }
0x2d: {  	s26 =	simm.s32 $0x16600;
	[smem:$0x7F3] =	sst s25  }
0x2e: {  	s9 =	srdreg.scid;
	s28 =	simm.s32 $0x6E00;
	[smem:$0x7F4] =	sst s26  }
0x2f: {  	s3 =	stileid.u32;
	s29 =	simm.s32 $0xEE00;
	[smem:$0x7F5] =	sst s28  }
0x30: {  	s30 =	simm.s32 $0x16E00;
	s31 =	simm.s32 $0x7600;
	[smem:$0x7F6] =	sst s29  }
0x31: {  	s13 =	simm.s32 $0xF600;
	s9 =	sand.u32 $0x1, s9;
	[smem:$0x7F7] =	sst s30  }
0x32: {  	s20 =	sshll.u32 s3, $0x7;
	s10 =	simm.s32 $0x2;
	[smem:$0x7F8] =	sst s31  }
0x33: {  	[smem:$0x7F9] =	sst s13;
	s14 =	simm.s32 $0x17600;
	s13 =	simm.s32 $0x7A1400  }
0x34: {  	s15 =	simm.s32 $0x7E00;
	s16 =	simm.s32 $0xFE00;
	s17 =	simm.s32 $0x17E00  }
0x35: {  	v0 =	vlaneseq.u32;
	s18 =	simm.s32 $0x18600;
	s19 =	simm.s32 $0x18800;
	[smem:$0x7FA] =	sst s14  }
0x36: {  	v0 =	vmul.u32 $0x800, v0;
	s11 =	ssub.s32 $0x2, s9;
	s9 =	sshll.u32 s9, $0x6;
	[smem:$0x7FB] =	sst s15  }
0x37: {  	s14 =	simm.s32 $0x600;
	s15 =	simm.s32 $0x8600;
	[smem:$0x7FC] =	sst s16  }
0x38: {  	v1 =	vor.u32 $0x80, v0;
	v2 =	vor.u32 $0x100, v0;
	v3 =	vor.u32 $0x180, v0;
	s16 =	simm.s32 $0x10600;
	[smem:$0x7FD] =	sst s17;
	s17 =	simm.s32 $0x1  }
0x39: {  	v4 =	vor.u32 $0x200, v0;
	v5 =	vor.u32 $0x280, v0;
	v6 =	vor.u32 $0x300, v0;
	s12 =	sshrl.u32 s11, $0x1;
	s9 =	sor.u32 s9, s20;
	s20 =	simm.s32 $0x0  }
0x3a: {  	v7 =	vor.u32 $0x380, v0;
	v8 =	vor.u32 $0x400, v0;
	v9 =	vor.u32 $0x480, v0;
	s11 =	ssub.s32 s11, s12;
	s4 =	sadd.s32 s4, s9;
	s5 =	sadd.s32 s5, s9  }
0x3b: {  	v10 =	vor.u32 $0x500, v0;
	v11 =	vor.u32 $0x580, v0;
	v12 =	vor.u32 $0x600, v0;
	s6 =	sadd.s32 s6, s9;
	s7 =	sadd.s32 s7, s9;
	s8 =	sadd.s32 s8, s9  }
0x3c: {  	v13 =	vor.u32 $0x680, v0;
	v14 =	vor.u32 $0x700, v0;
	v15 =	vor.u32 $0x780, v0;
	s12 =	simm.s32 $0x400;
	s9 =	smax.u32 s11, $0x1;
	s11 =	simm.s32 $0x200  }
.LBB2_1:
0x3d: {  	[tilespmem:s2], [sflag:$0x2] =	stream.linear.gather [hbm4b:s4+s2], $0x200, $0x38;
	[tilespmem:$0x18A00] =	vst v63  }
0x3e: {  	_ =	swait.ge [sflag:s10], $0x200  }
0x3f: {  	[sflag:s10] =	ssyncset.done $0x0  }
0x40: {  	[sflag:s10] =	ssyncadd.s32 $0xFFFFFE00  }
0x41: {  	[tilespmem:s11], [sflag:$0x2] =	stream.linear.gather [hbm4b:s5+s2], $0x200, $0x38;
	[tilespmem:$0x18A00] =	vst v63  }
0x42: {  	_ =	swait.ge [sflag:s10], $0x200  }
0x43: {  	[sflag:s10] =	ssyncset.done $0x0  }
0x44: {  	[sflag:s10] =	ssyncadd.s32 $0xFFFFFE00  }
0x45: {  	[tilespmem:s12], [sflag:$0x2] =	stream.linear.gather [hbm4b:s6+s2], $0x200, $0x38;
	[tilespmem:$0x18A00] =	vst v63  }
0x46: {  	_ =	swait.ge [sflag:s10], $0x200  }
0x47: {  	[sflag:s10] =	ssyncset.done $0x0  }
0x48: {  	s21 =	simm.s32 $0x0;
	[sflag:s10] =	ssyncadd.s32 $0xFFFFFE00  }
.LBB2_2:
0x49: {  	s22 =	sshra.s32 s21, $0x2  }
0x4a: {  	v18 =	vld [tilespmem:s22+$0x0];
	_ =	sdelay $0x1  }
0x4b: {  	v17 =	vld [tilespmem:s22+$0x200];
	_ =	sdelay $0x1  }
0x4c: {  	v16 =	vld [tilespmem:s22+$0x400]  }
0x4d: {  	s23 =	rddreg [dreg:$0x8];
	v19 =	vand.u32 $0xFFFFFF80, v18  }
0x4e: {  	v21 =	vadd.s32 s23, v19  }
0x4f: {  	v50 =	vand.u32 $0xFFFFFF80, v17;
	(v2sf) =	vpush v21, $0x0  }
0x50: {  	v20 =	vadd.s32 s1, v50  }
0x51: {  	v51 =	vand.u32 $0xFFFFFF80, v16;
	(v2sf) =	vpush v20, $0x0  }
0x52: {  	v19 =	vadd.s32 s1, v51  }
0x53: {  	(v2sf) =	vpush v19, $0x0;
	_ =	sdelay $0x1  }
0x54: {  	(v2sf) =	vpush v21, $0x1;
	_ =	sdelay $0x1  }
0x55: {  	(v2sf) =	vpush v20, $0x1;
	_ =	sdelay $0x1  }
0x56: {  	(v2sf) =	vpush v19, $0x1;
	_ =	sdelay $0x1  }
0x57: {  	(v2sf) =	vpush v21, $0x2;
	_ =	sdelay $0x1  }
0x58: {  	(v2sf) =	vpush v20, $0x2  }
0x59: {  	s31 =	spop (v2sf)  }
0x5a: {  	(v2sf) =	vpush v19, $0x2;
	[tilespmem:s14], [sflag:$0x1] =	stream.strided.gather [hbm4b:s31+s12], $0x800, s13, s12, $0x38;
	[tilespmem:$0x18A00] =	vst v63  }
0x5b: {  	s24 =	spop (v2sf)  }
0x5c: {  	(v2sf) =	vpush v21, $0x3;
	[tilespmem:s15], [sflag:$0x1] =	stream.strided.gather [hbm4b:s24+s12], $0x800, s13, s12, $0x38;
	[tilespmem:$0x18A00] =	vst v63  }
0x5d: {  	s29 =	rddreg [dreg:$0xb];
	s25 =	spop (v2sf)  }
0x5e: {  	(v2sf) =	vpush v20, $0x3;
	[tilespmem:s16], [sflag:$0x1] =	stream.strided.gather [hbm4b:s25+s12], $0x800, s13, s12, $0x38;
	[tilespmem:$0x18A00] =	vst v63  }
0x5f: {  	s24 =	rddreg [dreg:$0x9];
	s26 =	spop (v2sf)  }
0x60: {  	(v2sf) =	vpush v19, $0x3;
	[tilespmem:s24], [sflag:$0x1] =	stream.strided.gather [hbm4b:s26+s12], $0x800, s13, s12, $0x38;
	[tilespmem:$0x18A00] =	vst v63  }
0x61: {  	s28 =	spop (v2sf);
	s25 =	rddreg [dreg:$0xa]  }
0x62: {  	(v2sf) =	vpush v21, $0x4;
	[tilespmem:s25], [sflag:$0x1] =	stream.strided.gather [hbm4b:s28+s12], $0x800, s13, s12, $0x38;
	[tilespmem:$0x18A00] =	vst v63  }
0x63: {  	s31 =	rddreg [dreg:$0xc];
	s30 =	spop (v2sf)  }
0x64: {  	(v2sf) =	vpush v20, $0x4;
	[tilespmem:s29], [sflag:$0x1] =	stream.strided.gather [hbm4b:s30+s12], $0x800, s13, s12, $0x38;
	[tilespmem:$0x18A00] =	vst v63  }
0x65: {  	s24 =	spop (v2sf);
	s26 =	rddreg [dreg:$0xd]  }
0x66: {  	(v2sf) =	vpush v19, $0x4;
	[tilespmem:s31], [sflag:$0x1] =	stream.strided.gather [hbm4b:s24+s12], $0x800, s13, s12, $0x38;
	[tilespmem:$0x18A00] =	vst v63  }
0x67: {  	s28 =	spop (v2sf);
	s29 =	rddreg [dreg:$0xe]  }
0x68: {  	(v2sf) =	vpush v21, $0x5;
	[tilespmem:s26], [sflag:$0x1] =	stream.strided.gather [hbm4b:s28+s12], $0x800, s13, s12, $0x38;
	[tilespmem:$0x18A00] =	vst v63  }
0x69: {  	s31 =	rddreg [dreg:$0xf];
	s30 =	spop (v2sf)  }
0x6a: {  	(v2sf) =	vpush v20, $0x5;
	[tilespmem:s29], [sflag:$0x1] =	stream.strided.gather [hbm4b:s30+s12], $0x800, s13, s12, $0x38;
	[tilespmem:$0x18A00] =	vst v63  }
0x6b: {  	s26 =	rddreg [dreg:$0x10];
	s25 =	spop (v2sf)  }
0x6c: {  	(v2sf) =	vpush v19, $0x5;
	[tilespmem:s31], [sflag:$0x1] =	stream.strided.gather [hbm4b:s25+s12], $0x800, s13, s12, $0x38;
	[tilespmem:$0x18A00] =	vst v63  }
0x6d: {  	s28 =	spop (v2sf);
	s29 =	rddreg [dreg:$0x11]  }
0x6e: {  	(v2sf) =	vpush v21, $0x6;
	[tilespmem:s26], [sflag:$0x1] =	stream.strided.gather [hbm4b:s28+s12], $0x800, s13, s12, $0x38;
	[tilespmem:$0x18A00] =	vst v63  }
0x6f: {  	s30 =	spop (v2sf);
	s31 =	rddreg [dreg:$0x12]  }
0x70: {  	(v2sf) =	vpush v20, $0x6;
	[tilespmem:s29], [sflag:$0x1] =	stream.strided.gather [hbm4b:s30+s12], $0x800, s13, s12, $0x38;
	[tilespmem:$0x18A00] =	vst v63  }
0x71: {  	s24 =	spop (v2sf);
	s26 =	rddreg [dreg:$0x13]  }
0x72: {  	(v2sf) =	vpush v19, $0x6;
	[tilespmem:s31], [sflag:$0x1] =	stream.strided.gather [hbm4b:s24+s12], $0x800, s13, s12, $0x38;
	[tilespmem:$0x18A00] =	vst v63  }
0x73: {  	s28 =	spop (v2sf);
	s29 =	rddreg [dreg:$0x14]  }
0x74: {  	(v2sf) =	vpush v21, $0x7;
	[tilespmem:s26], [sflag:$0x1] =	stream.strided.gather [hbm4b:s28+s12], $0x800, s13, s12, $0x38;
	[tilespmem:$0x18A00] =	vst v63  }
0x75: {  	s30 =	spop (v2sf);
	s31 =	rddreg [dreg:$0x15]  }
0x76: {  	(v2sf) =	vpush v20, $0x7;
	[tilespmem:s29], [sflag:$0x1] =	stream.strided.gather [hbm4b:s30+s12], $0x800, s13, s12, $0x38;
	[tilespmem:$0x18A00] =	vst v63  }
0x77: {  	s25 =	spop (v2sf);
	s26 =	rddreg [dreg:$0x16]  }
0x78: {  	(v2sf) =	vpush v19, $0x7;
	[tilespmem:s31], [sflag:$0x1] =	stream.strided.gather [hbm4b:s25+s12], $0x800, s13, s12, $0x38;
	[tilespmem:$0x18A00] =	vst v63  }
0x79: {  	s29 =	rddreg [dreg:$0x17];
	s28 =	spop (v2sf)  }
0x7a: {  	(v2sf) =	vpush v21, $0x8;
	[tilespmem:s26], [sflag:$0x1] =	stream.strided.gather [hbm4b:s28+s12], $0x800, s13, s12, $0x38;
	[tilespmem:$0x18A00] =	vst v63  }
0x7b: {  	s30 =	spop (v2sf);
	s31 =	rddreg [dreg:$0x18]  }
0x7c: {  	(v2sf) =	vpush v20, $0x8;
	[tilespmem:s29], [sflag:$0x1] =	stream.strided.gather [hbm4b:s30+s12], $0x800, s13, s12, $0x38;
	[tilespmem:$0x18A00] =	vst v63  }
0x7d: {  	s24 =	spop (v2sf);
	s26 =	rddreg [dreg:$0x19]  }
0x7e: {  	(v2sf) =	vpush v19, $0x8;
	[tilespmem:s31], [sflag:$0x1] =	stream.strided.gather [hbm4b:s24+s12], $0x800, s13, s12, $0x38;
	[tilespmem:$0x18A00] =	vst v63  }
0x7f: {  	s28 =	spop (v2sf);
	s29 =	rddreg [dreg:$0x1a]  }
0x80: {  	(v2sf) =	vpush v21, $0x9;
	[tilespmem:s26], [sflag:$0x1] =	stream.strided.gather [hbm4b:s28+s12], $0x800, s13, s12, $0x38;
	[tilespmem:$0x18A00] =	vst v63  }
0x81: {  	s30 =	spop (v2sf);
	s31 =	rddreg [dreg:$0x1b]  }
0x82: {  	(v2sf) =	vpush v20, $0x9;
	[tilespmem:s29], [sflag:$0x1] =	stream.strided.gather [hbm4b:s30+s12], $0x800, s13, s12, $0x38;
	[tilespmem:$0x18A00] =	vst v63  }
0x83: {  	s25 =	spop (v2sf);
	s26 =	rddreg [dreg:$0x1c]  }
0x84: {  	(v2sf) =	vpush v19, $0x9;
	[tilespmem:s31], [sflag:$0x1] =	stream.strided.gather [hbm4b:s25+s12], $0x800, s13, s12, $0x38;
	[tilespmem:$0x18A00] =	vst v63  }
0x85: {  	s28 =	spop (v2sf);
	s29 =	rddreg [dreg:$0x1d]  }
0x86: {  	(v2sf) =	vpush v21, $0xA;
	[tilespmem:s26], [sflag:$0x1] =	stream.strided.gather [hbm4b:s28+s12], $0x800, s13, s12, $0x38;
	[tilespmem:$0x18A00] =	vst v63  }
0x87: {  	s30 =	spop (v2sf);
	s31 =	rddreg [dreg:$0x1e]  }
0x88: {  	(v2sf) =	vpush v20, $0xA;
	[tilespmem:s29], [sflag:$0x1] =	stream.strided.gather [hbm4b:s30+s12], $0x800, s13, s12, $0x38;
	[tilespmem:$0x18A00] =	vst v63  }
0x89: {  	s24 =	spop (v2sf);
	s26 =	rddreg [dreg:$0x1f]  }
0x8a: {  	(v2sf) =	vpush v19, $0xA;
	[tilespmem:s31], [sflag:$0x1] =	stream.strided.gather [hbm4b:s24+s12], $0x800, s13, s12, $0x38;
	[tilespmem:$0x18A00] =	vst v63  }
0x8b: {  	s28 =	spop (v2sf);
	s29 =	sld [smem:$0x7E8]  }
0x8c: {  	(v2sf) =	vpush v21, $0xB;
	[tilespmem:s26], [sflag:$0x1] =	stream.strided.gather [hbm4b:s28+s12], $0x800, s13, s12, $0x38;
	[tilespmem:$0x18A00] =	vst v63  }
0x8d: {  	s30 =	spop (v2sf);
	s31 =	sld [smem:$0x7E9]  }
0x8e: {  	(v2sf) =	vpush v20, $0xB;
	[tilespmem:s29], [sflag:$0x1] =	stream.strided.gather [hbm4b:s30+s12], $0x800, s13, s12, $0x38;
	[tilespmem:$0x18A00] =	vst v63  }
0x8f: {  	s25 =	spop (v2sf);
	s26 =	sld [smem:$0x7EA]  }
0x90: {  	(v2sf) =	vpush v19, $0xB;
	[tilespmem:s31], [sflag:$0x1] =	stream.strided.gather [hbm4b:s25+s12], $0x800, s13, s12, $0x38;
	[tilespmem:$0x18A00] =	vst v63  }
0x91: {  	s28 =	spop (v2sf);
	s29 =	sld [smem:$0x7EB]  }
0x92: {  	(v2sf) =	vpush v21, $0xC;
	[tilespmem:s26], [sflag:$0x1] =	stream.strided.gather [hbm4b:s28+s12], $0x800, s13, s12, $0x38;
	[tilespmem:$0x18A00] =	vst v63  }
0x93: {  	s30 =	spop (v2sf);
	s31 =	sld [smem:$0x7EC]  }
0x94: {  	(v2sf) =	vpush v20, $0xC;
	[tilespmem:s29], [sflag:$0x1] =	stream.strided.gather [hbm4b:s30+s12], $0x800, s13, s12, $0x38;
	[tilespmem:$0x18A00] =	vst v63  }
0x95: {  	s24 =	spop (v2sf);
	s26 =	sld [smem:$0x7ED]  }
0x96: {  	(v2sf) =	vpush v19, $0xC;
	[tilespmem:s31], [sflag:$0x1] =	stream.strided.gather [hbm4b:s24+s12], $0x800, s13, s12, $0x38;
	[tilespmem:$0x18A00] =	vst v63  }
0x97: {  	s28 =	spop (v2sf);
	s29 =	sld [smem:$0x7EE]  }
0x98: {  	(v2sf) =	vpush v21, $0xD;
	[tilespmem:s26], [sflag:$0x1] =	stream.strided.gather [hbm4b:s28+s12], $0x800, s13, s12, $0x38;
	[tilespmem:$0x18A00] =	vst v63  }
0x99: {  	s30 =	spop (v2sf);
	s31 =	sld [smem:$0x7EF]  }
0x9a: {  	(v2sf) =	vpush v20, $0xD;
	[tilespmem:s29], [sflag:$0x1] =	stream.strided.gather [hbm4b:s30+s12], $0x800, s13, s12, $0x38;
	[tilespmem:$0x18A00] =	vst v63  }
0x9b: {  	s25 =	spop (v2sf);
	s26 =	sld [smem:$0x7F0]  }
0x9c: {  	(v2sf) =	vpush v19, $0xD;
	[tilespmem:s31], [sflag:$0x1] =	stream.strided.gather [hbm4b:s25+s12], $0x800, s13, s12, $0x38;
	[tilespmem:$0x18A00] =	vst v63  }
0x9d: {  	s28 =	spop (v2sf);
	s29 =	sld [smem:$0x7F1]  }
0x9e: {  	(v2sf) =	vpush v21, $0xE;
	[tilespmem:s26], [sflag:$0x1] =	stream.strided.gather [hbm4b:s28+s12], $0x800, s13, s12, $0x38;
	[tilespmem:$0x18A00] =	vst v63  }
0x9f: {  	s30 =	spop (v2sf);
	s31 =	sld [smem:$0x7F2]  }
0xa0: {  	(v2sf) =	vpush v20, $0xE;
	[tilespmem:s29], [sflag:$0x1] =	stream.strided.gather [hbm4b:s30+s12], $0x800, s13, s12, $0x38;
	[tilespmem:$0x18A00] =	vst v63  }
0xa1: {  	s24 =	spop (v2sf);
	s26 =	sld [smem:$0x7F3]  }
0xa2: {  	(v2sf) =	vpush v19, $0xE;
	[tilespmem:s31], [sflag:$0x1] =	stream.strided.gather [hbm4b:s24+s12], $0x800, s13, s12, $0x38;
	[tilespmem:$0x18A00] =	vst v63  }
0xa3: {  	s28 =	spop (v2sf);
	s29 =	sld [smem:$0x7F4]  }
0xa4: {  	(v2sf) =	vpush v21, $0xF;
	[tilespmem:s26], [sflag:$0x1] =	stream.strided.gather [hbm4b:s28+s12], $0x800, s13, s12, $0x38;
	[tilespmem:$0x18A00] =	vst v63  }
0xa5: {  	s30 =	spop (v2sf);
	s31 =	sld [smem:$0x7F5]  }
0xa6: {  	(v2sf) =	vpush v20, $0xF;
	[tilespmem:s29], [sflag:$0x1] =	stream.strided.gather [hbm4b:s30+s12], $0x800, s13, s12, $0x38;
	[tilespmem:$0x18A00] =	vst v63  }
0xa7: {  	s25 =	spop (v2sf);
	s26 =	sld [smem:$0x7F6]  }
0xa8: {  	(v2sf) =	vpush v19, $0xF;
	[tilespmem:s31], [sflag:$0x1] =	stream.strided.gather [hbm4b:s25+s12], $0x800, s13, s12, $0x38;
	[tilespmem:$0x18A00] =	vst v63  }
0xa9: {  	s28 =	spop (v2sf);
	s29 =	sld [smem:$0x7F7]  }
0xaa: {  	[tilespmem:s26], [sflag:$0x1] =	stream.strided.gather [hbm4b:s28+s12], $0x800, s13, s12, $0x38;
	[tilespmem:$0x18A00] =	vst v63  }
0xab: {  	s30 =	spop (v2sf);
	s31 =	sld [smem:$0x7F8]  }
0xac: {  	[tilespmem:s29], [sflag:$0x1] =	stream.strided.gather [hbm4b:s30+s12], $0x800, s13, s12, $0x38;
	[tilespmem:$0x18A00] =	vst v63  }
0xad: {  	s24 =	spop (v2sf);
	s26 =	sld [smem:$0x7F9]  }
0xae: {  	[tilespmem:s31], [sflag:$0x1] =	stream.strided.gather [hbm4b:s24+s12], $0x800, s13, s12, $0x38;
	[tilespmem:$0x18A00] =	vst v63  }
0xaf: {  	s28 =	spop (v2sf);
	s29 =	sld [smem:$0x7FA]  }
0xb0: {  	[tilespmem:s26], [sflag:$0x1] =	stream.strided.gather [hbm4b:s28+s12], $0x800, s13, s12, $0x38;
	[tilespmem:$0x18A00] =	vst v63  }
0xb1: {  	s30 =	spop (v2sf);
	s31 =	sld [smem:$0x7FB]  }
0xb2: {  	[tilespmem:s29], [sflag:$0x1] =	stream.strided.gather [hbm4b:s30+s12], $0x800, s13, s12, $0x38;
	[tilespmem:$0x18A00] =	vst v63  }
0xb3: {  	s26 =	spop (v2sf);
	s28 =	sld [smem:$0x7FC]  }
0xb4: {  	[tilespmem:s31], [sflag:$0x1] =	stream.strided.gather [hbm4b:s26+s12], $0x800, s13, s12, $0x38;
	[tilespmem:$0x18A00] =	vst v63  }
0xb5: {  	s29 =	spop (v2sf);
	s30 =	sld [smem:$0x7FD]  }
0xb6: {  	[tilespmem:s28], [sflag:$0x1] =	stream.strided.gather [hbm4b:s29+s12], $0x800, s13, s12, $0x38;
	[tilespmem:$0x18A00] =	vst v63  }
0xb7: {  	s31 =	spop (v2sf)  }
0xb8: {  	[tilespmem:s30], [sflag:$0x1] =	stream.strided.gather [hbm4b:s31+s12], $0x800, s13, s12, $0x38;
	[tilespmem:$0x18A00] =	vst v63  }
0xb9: {  	_ =	swait.ge [sflag:s17], $0x800  }
0xba: {  	[sflag:s17] =	ssyncset.done $0x0  }
0xbb: {  	[sflag:s17] =	ssyncadd.s32 $0xFFFFF800  }
0xbc: {  	_ =	swait.ge [sflag:s17], $0x800  }
0xbd: {  	[sflag:s17] =	ssyncset.done $0x0  }
0xbe: {  	[sflag:s17] =	ssyncadd.s32 $0xFFFFF800  }
0xbf: {  	_ =	swait.ge [sflag:s17], $0x800  }
0xc0: {  	[sflag:s17] =	ssyncset.done $0x0  }
0xc1: {  	[sflag:s17] =	ssyncadd.s32 $0xFFFFF800  }
0xc2: {  	_ =	swait.ge [sflag:s17], $0x800  }
0xc3: {  	[sflag:s17] =	ssyncset.done $0x0  }
0xc4: {  	[sflag:s17] =	ssyncadd.s32 $0xFFFFF800  }
0xc5: {  	_ =	swait.ge [sflag:s17], $0x800  }
0xc6: {  	[sflag:s17] =	ssyncset.done $0x0  }
0xc7: {  	[sflag:s17] =	ssyncadd.s32 $0xFFFFF800  }
0xc8: {  	_ =	swait.ge [sflag:s17], $0x800  }
0xc9: {  	[sflag:s17] =	ssyncset.done $0x0  }
0xca: {  	[sflag:s17] =	ssyncadd.s32 $0xFFFFF800  }
0xcb: {  	_ =	swait.ge [sflag:s17], $0x800  }
0xcc: {  	[sflag:s17] =	ssyncset.done $0x0  }
0xcd: {  	[sflag:s17] =	ssyncadd.s32 $0xFFFFF800  }
0xce: {  	_ =	swait.ge [sflag:s17], $0x800  }
0xcf: {  	[sflag:s17] =	ssyncset.done $0x0  }
0xd0: {  	[sflag:s17] =	ssyncadd.s32 $0xFFFFF800  }
0xd1: {  	_ =	swait.ge [sflag:s17], $0x800  }
0xd2: {  	[sflag:s17] =	ssyncset.done $0x0  }
0xd3: {  	[sflag:s17] =	ssyncadd.s32 $0xFFFFF800  }
0xd4: {  	_ =	swait.ge [sflag:s17], $0x800  }
0xd5: {  	[sflag:s17] =	ssyncset.done $0x0  }
0xd6: {  	[sflag:s17] =	ssyncadd.s32 $0xFFFFF800  }
0xd7: {  	_ =	swait.ge [sflag:s17], $0x800  }
0xd8: {  	[sflag:s17] =	ssyncset.done $0x0  }
0xd9: {  	[sflag:s17] =	ssyncadd.s32 $0xFFFFF800  }
0xda: {  	_ =	swait.ge [sflag:s17], $0x800  }
0xdb: {  	[sflag:s17] =	ssyncset.done $0x0  }
0xdc: {  	[sflag:s17] =	ssyncadd.s32 $0xFFFFF800  }
0xdd: {  	_ =	swait.ge [sflag:s17], $0x800  }
0xde: {  	[sflag:s17] =	ssyncset.done $0x0  }
0xdf: {  	[sflag:s17] =	ssyncadd.s32 $0xFFFFF800  }
0xe0: {  	_ =	swait.ge [sflag:s17], $0x800  }
0xe1: {  	[sflag:s17] =	ssyncset.done $0x0  }
0xe2: {  	[sflag:s17] =	ssyncadd.s32 $0xFFFFF800  }
0xe3: {  	_ =	swait.ge [sflag:s17], $0x800  }
0xe4: {  	[sflag:s17] =	ssyncset.done $0x0  }
0xe5: {  	[sflag:s17] =	ssyncadd.s32 $0xFFFFF800  }
0xe6: {  	_ =	swait.ge [sflag:s17], $0x800  }
0xe7: {  	[sflag:s17] =	ssyncset.done $0x0  }
0xe8: {  	[sflag:s17] =	ssyncadd.s32 $0xFFFFF800  }
0xe9: {  	_ =	swait.ge [sflag:s17], $0x800  }
0xea: {  	[sflag:s17] =	ssyncset.done $0x0  }
0xeb: {  	[sflag:s17] =	ssyncadd.s32 $0xFFFFF800  }
0xec: {  	_ =	swait.ge [sflag:s17], $0x800  }
0xed: {  	[sflag:s17] =	ssyncset.done $0x0  }
0xee: {  	[sflag:s17] =	ssyncadd.s32 $0xFFFFF800  }
0xef: {  	_ =	swait.ge [sflag:s17], $0x800  }
0xf0: {  	[sflag:s17] =	ssyncset.done $0x0  }
0xf1: {  	[sflag:s17] =	ssyncadd.s32 $0xFFFFF800  }
0xf2: {  	_ =	swait.ge [sflag:s17], $0x800  }
0xf3: {  	[sflag:s17] =	ssyncset.done $0x0  }
0xf4: {  	[sflag:s17] =	ssyncadd.s32 $0xFFFFF800  }
0xf5: {  	_ =	swait.ge [sflag:s17], $0x800  }
0xf6: {  	[sflag:s17] =	ssyncset.done $0x0  }
0xf7: {  	[sflag:s17] =	ssyncadd.s32 $0xFFFFF800  }
0xf8: {  	_ =	swait.ge [sflag:s17], $0x800  }
0xf9: {  	[sflag:s17] =	ssyncset.done $0x0  }
0xfa: {  	[sflag:s17] =	ssyncadd.s32 $0xFFFFF800  }
0xfb: {  	_ =	swait.ge [sflag:s17], $0x800  }
0xfc: {  	[sflag:s17] =	ssyncset.done $0x0  }
0xfd: {  	[sflag:s17] =	ssyncadd.s32 $0xFFFFF800  }
0xfe: {  	_ =	swait.ge [sflag:s17], $0x800  }
0xff: {  	[sflag:s17] =	ssyncset.done $0x0  }
0x100: {  	[sflag:s17] =	ssyncadd.s32 $0xFFFFF800  }
0x101: {  	_ =	swait.ge [sflag:s17], $0x800  }
0x102: {  	[sflag:s17] =	ssyncset.done $0x0  }
0x103: {  	[sflag:s17] =	ssyncadd.s32 $0xFFFFF800  }
0x104: {  	_ =	swait.ge [sflag:s17], $0x800  }
0x105: {  	[sflag:s17] =	ssyncset.done $0x0  }
0x106: {  	[sflag:s17] =	ssyncadd.s32 $0xFFFFF800  }
0x107: {  	_ =	swait.ge [sflag:s17], $0x800  }
0x108: {  	[sflag:s17] =	ssyncset.done $0x0  }
0x109: {  	[sflag:s17] =	ssyncadd.s32 $0xFFFFF800  }
0x10a: {  	_ =	swait.ge [sflag:s17], $0x800  }
0x10b: {  	[sflag:s17] =	ssyncset.done $0x0  }
0x10c: {  	[sflag:s17] =	ssyncadd.s32 $0xFFFFF800  }
0x10d: {  	_ =	swait.ge [sflag:s17], $0x800  }
0x10e: {  	[sflag:s17] =	ssyncset.done $0x0  }
0x10f: {  	[sflag:s17] =	ssyncadd.s32 $0xFFFFF800  }
0x110: {  	_ =	swait.ge [sflag:s17], $0x800  }
0x111: {  	[sflag:s17] =	ssyncset.done $0x0  }
0x112: {  	[sflag:s17] =	ssyncadd.s32 $0xFFFFF800  }
0x113: {  	_ =	swait.ge [sflag:s17], $0x800  }
0x114: {  	[sflag:s17] =	ssyncset.done $0x0  }
0x115: {  	[sflag:s17] =	ssyncadd.s32 $0xFFFFF800  }
0x116: {  	_ =	swait.ge [sflag:s17], $0x800  }
0x117: {  	[sflag:s17] =	ssyncset.done $0x0  }
0x118: {  	[sflag:s17] =	ssyncadd.s32 $0xFFFFF800  }
0x119: {  	_ =	swait.ge [sflag:s17], $0x800  }
0x11a: {  	[sflag:s17] =	ssyncset.done $0x0  }
0x11b: {  	[sflag:s17] =	ssyncadd.s32 $0xFFFFF800  }
0x11c: {  	_ =	swait.ge [sflag:s17], $0x800  }
0x11d: {  	[sflag:s17] =	ssyncset.done $0x0  }
0x11e: {  	[sflag:s17] =	ssyncadd.s32 $0xFFFFF800  }
0x11f: {  	_ =	swait.ge [sflag:s17], $0x800  }
0x120: {  	[sflag:s17] =	ssyncset.done $0x0  }
0x121: {  	[sflag:s17] =	ssyncadd.s32 $0xFFFFF800  }
0x122: {  	_ =	swait.ge [sflag:s17], $0x800  }
0x123: {  	[sflag:s17] =	ssyncset.done $0x0  }
0x124: {  	[sflag:s17] =	ssyncadd.s32 $0xFFFFF800  }
0x125: {  	_ =	swait.ge [sflag:s17], $0x800  }
0x126: {  	[sflag:s17] =	ssyncset.done $0x0  }
0x127: {  	[sflag:s17] =	ssyncadd.s32 $0xFFFFF800  }
0x128: {  	_ =	swait.ge [sflag:s17], $0x800  }
0x129: {  	[sflag:s17] =	ssyncset.done $0x0  }
0x12a: {  	[sflag:s17] =	ssyncadd.s32 $0xFFFFF800  }
0x12b: {  	_ =	swait.ge [sflag:s17], $0x800  }
0x12c: {  	[sflag:s17] =	ssyncset.done $0x0  }
0x12d: {  	[sflag:s17] =	ssyncadd.s32 $0xFFFFF800  }
0x12e: {  	_ =	swait.ge [sflag:s17], $0x800  }
0x12f: {  	[sflag:s17] =	ssyncset.done $0x0  }
0x130: {  	[sflag:s17] =	ssyncadd.s32 $0xFFFFF800  }
0x131: {  	_ =	swait.ge [sflag:s17], $0x800  }
0x132: {  	[sflag:s17] =	ssyncset.done $0x0  }
0x133: {  	[sflag:s17] =	ssyncadd.s32 $0xFFFFF800  }
0x134: {  	_ =	swait.ge [sflag:s17], $0x800  }
0x135: {  	[sflag:s17] =	ssyncset.done $0x0  }
0x136: {  	[sflag:s17] =	ssyncadd.s32 $0xFFFFF800  }
0x137: {  	_ =	swait.ge [sflag:s17], $0x800  }
0x138: {  	[sflag:s17] =	ssyncset.done $0x0  }
0x139: {  	[sflag:s17] =	ssyncadd.s32 $0xFFFFF800  }
0x13a: {  	_ =	swait.ge [sflag:s17], $0x800  }
0x13b: {  	[sflag:s17] =	ssyncset.done $0x0  }
0x13c: {  	[sflag:s17] =	ssyncadd.s32 $0xFFFFF800  }
0x13d: {  	_ =	swait.ge [sflag:s17], $0x800  }
0x13e: {  	[sflag:s17] =	ssyncset.done $0x0  }
0x13f: {  	[sflag:s17] =	ssyncadd.s32 $0xFFFFF800  }
0x140: {  	_ =	swait.ge [sflag:s17], $0x800  }
0x141: {  	[sflag:s17] =	ssyncset.done $0x0  }
0x142: {  	[sflag:s17] =	ssyncadd.s32 $0xFFFFF800  }
0x143: {  	v18 =	vand.u32 $0x7F, v18;
	_ =	swait.ge [sflag:s17], $0x800  }
0x144: {  	v17 =	vand.u32 $0x7F, v17;
	v52 =	vor.u32 v0, v18;
	[sflag:s17] =	ssyncset.done $0x0  }
0x145: {  	v16 =	vand.u32 $0x7F, v16;
	v53 =	vor.u32 v0, v17;
	[sflag:s17] =	ssyncadd.s32 $0xFFFFF800  }
0x146: {  	v54 =	vor.u32 v0, v16;
	_ =	swait.ge [sflag:s17], $0x800  }
0x147: {  	v22 =	vor.u32 v1, v18;
	[sflag:s17] =	ssyncset.done $0x0  }
0x148: {  	v23 =	vor.u32 v1, v17;
	[sflag:s17] =	ssyncadd.s32 $0xFFFFF800  }
0x149: {  	v24 =	vor.u32 v1, v16;
	v19 =	vld.idx.msk [tilespmem:v52+s14+$0x0], $0xffff  }
0x14a: {  	v25 =	vor.u32 v2, v18;
	v20 =	vld.idx.msk [tilespmem:v53+s15+$0x0], $0xffff  }
0x14b: {  	v26 =	vor.u32 v2, v17;
	v21 =	vld.idx.msk [tilespmem:v54+s16+$0x0], $0xffff  }
0x14c: {  	v27 =	vor.u32 v2, v16;
	v22 =	vld.idx.msk [tilespmem:v22+s14+$0x0], $0xffff  }
0x14d: {  	v28 =	vor.u32 v3, v18;
	v23 =	vld.idx.msk [tilespmem:v23+s15+$0x0], $0xffff  }
0x14e: {  	v29 =	vor.u32 v3, v17;
	v24 =	vld.idx.msk [tilespmem:v24+s16+$0x0], $0xffff  }
0x14f: {  	v30 =	vor.u32 v3, v16;
	v25 =	vld.idx.msk [tilespmem:v25+s14+$0x0], $0xffff  }
0x150: {  	v31 =	vor.u32 v4, v18;
	v26 =	vld.idx.msk [tilespmem:v26+s15+$0x0], $0xffff  }
0x151: {  	v32 =	vor.u32 v4, v17;
	v27 =	vld.idx.msk [tilespmem:v27+s16+$0x0], $0xffff  }
0x152: {  	v33 =	vor.u32 v4, v16;
	v28 =	vld.idx.msk [tilespmem:v28+s14+$0x0], $0xffff  }
0x153: {  	v34 =	vor.u32 v5, v18;
	v29 =	vld.idx.msk [tilespmem:v29+s15+$0x0], $0xffff  }
0x154: {  	v35 =	vor.u32 v5, v17;
	v30 =	vld.idx.msk [tilespmem:v30+s16+$0x0], $0xffff  }
0x155: {  	v36 =	vor.u32 v5, v16;
	v31 =	vld.idx.msk [tilespmem:v31+s14+$0x0], $0xffff  }
0x156: {  	v37 =	vor.u32 v6, v18;
	v32 =	vld.idx.msk [tilespmem:v32+s15+$0x0], $0xffff  }
0x157: {  	v38 =	vor.u32 v6, v17;
	v33 =	vld.idx.msk [tilespmem:v33+s16+$0x0], $0xffff  }
0x158: {  	v39 =	vor.u32 v6, v16;
	v34 =	vld.idx.msk [tilespmem:v34+s14+$0x0], $0xffff  }
0x159: {  	v40 =	vor.u32 v7, v18;
	v35 =	vld.idx.msk [tilespmem:v35+s15+$0x0], $0xffff  }
0x15a: {  	v42 =	vor.u32 v7, v16;
	v36 =	vld.idx.msk [tilespmem:v36+s16+$0x0], $0xffff  }
0x15b: {  	v41 =	vor.u32 v7, v17;
	v37 =	vld.idx.msk [tilespmem:v37+s14+$0x0], $0xffff  }
0x15c: {  	v43 =	vor.u32 v8, v18;
	v38 =	vld.idx.msk [tilespmem:v38+s15+$0x0], $0xffff  }
0x15d: {  	v44 =	vor.u32 v8, v17;
	v39 =	vld.idx.msk [tilespmem:v39+s16+$0x0], $0xffff  }
0x15e: {  	v45 =	vor.u32 v8, v16;
	v40 =	vld.idx.msk [tilespmem:v40+s14+$0x0], $0xffff;
	v20 =	vmul.f32 v20, v19  }
0x15f: {  	v55 =	vor.u32 v9, v18;
	v46 =	vor.u32 v9, v17;
	v42 =	vld.idx.msk [tilespmem:v42+s16+$0x0], $0xffff;
	v19 =	vmul.f32 v21, v19  }
0x160: {  	v56 =	vor.u32 v9, v16;
	v21 =	vld.idx.msk [tilespmem:v41+s15+$0x0], $0xffff;
	v23 =	vmul.f32 v23, v22;
	v20 =	vadd.f32 $0.0e+00, v20  }
0x161: {  	v58 =	vor.u32 v10, v18;
	v22 =	vmul.f32 v24, v22;
	v24 =	vld.idx.msk [tilespmem:v43+s14+$0x0], $0xffff;
	v19 =	vadd.f32 $0.0e+00, v19  }
0x162: {  	v60 =	vor.u32 v10, v17;
	v57 =	vmul.f32 v26, v25;
	v26 =	vld.idx.msk [tilespmem:v44+s15+$0x0], $0xffff;
	v20 =	vadd.f32 v23, v20  }
0x163: {  	v62 =	vor.u32 v10, v16;
	v59 =	vmul.f32 v27, v25;
	v25 =	vld.idx.msk [tilespmem:v45+s16+$0x0], $0xffff;
	v19 =	vadd.f32 v22, v19  }
0x164: {  	v47 =	vor.u32 v11, v17;
	v61 =	vmul.f32 v29, v28;
	v29 =	vld.idx.msk [tilespmem:v55+s14+$0x0], $0xffff;
	v20 =	vadd.f32 v57, v20  }
0x165: {  	v51 =	vor.u32 v12, v18;
	v63 =	vmul.f32 v30, v28;
	v28 =	vld.idx.msk [tilespmem:v46+s15+$0x0], $0xffff;
	v19 =	vadd.f32 v59, v19  }
0x166: {  	v53 =	vor.u32 v12, v17;
	v46 =	vmul.f32 v32, v31;
	v32 =	vld.idx.msk [tilespmem:v56+s16+$0x0], $0xffff;
	v20 =	vadd.f32 v61, v20  }
0x167: {  	v45 =	vor.u32 v11, v18;
	v48 =	vmul.f32 v33, v31;
	v31 =	vld.idx.msk [tilespmem:v58+s14+$0x0], $0xffff;
	v19 =	vadd.f32 v63, v19  }
0x168: {  	v50 =	vmul.f32 v35, v34;
	v27 =	vld.idx.msk [tilespmem:v60+s15+$0x0], $0xffff;
	v55 =	vor.u32 v12, v16;
	v20 =	vadd.f32 v46, v20  }
0x169: {  	v49 =	vor.u32 v11, v16;
	v52 =	vmul.f32 v36, v34;
	v34 =	vld.idx.msk [tilespmem:v62+s16+$0x0], $0xffff;
	v19 =	vadd.f32 v48, v19  }
0x16a: {  	v54 =	vmul.f32 v38, v37;
	v56 =	vmul.f32 v39, v37;
	v35 =	vld.idx.msk [tilespmem:v51+s14+$0x0], $0xffff;
	v20 =	vadd.f32 v50, v20  }
0x16b: {  	v58 =	vor.u32 v13, v18;
	v60 =	vor.u32 v13, v17;
	v41 =	vld.idx.msk [tilespmem:v53+s15+$0x0], $0xffff;
	v19 =	vadd.f32 v52, v19  }
0x16c: {  	v30 =	vld.idx.msk [tilespmem:v45+s14+$0x0], $0xffff;
	v21 =	vmul.f32 v21, v40;
	v45 =	vor.u32 v14, v17;
	v20 =	vadd.f32 v54, v20  }
0x16d: {  	v44 =	vld.idx.msk [tilespmem:v55+s16+$0x0], $0xffff;
	v17 =	vor.u32 v15, v17;
	v61 =	vmul.f32 v42, v40;
	v19 =	vadd.f32 v56, v19  }
0x16e: {  	v57 =	vld.idx.msk [tilespmem:v47+s15+$0x0], $0xffff;
	v63 =	vmul.f32 v26, v24;
	v20 =	vadd.f32 v21, v20  }
0x16f: {  	v62 =	vor.u32 v13, v16;
	v43 =	vmul.f32 v25, v24;
	v59 =	vld.idx.msk [tilespmem:v49+s16+$0x0], $0xffff;
	v19 =	vadd.f32 v61, v19  }
0x170: {  	v47 =	vld.idx.msk [tilespmem:v58+s14+$0x0], $0xffff;
	v42 =	vor.u32 v14, v18;
	v46 =	vmul.f32 v28, v29;
	v20 =	vadd.f32 v63, v20  }
0x171: {  	v49 =	vmul.f32 v32, v29;
	v48 =	vor.u32 v14, v16;
	v25 =	vld.idx.msk [tilespmem:v45+s15+$0x0], $0xffff;
	v19 =	vadd.f32 v43, v19  }
0x172: {  	v51 =	vmul.f32 v27, v31;
	v18 =	vor.u32 v15, v18;
	v17 =	vld.idx.msk [tilespmem:v17+s15+$0x0], $0xffff;
	v20 =	vadd.f32 v46, v20  }
0x173: {  	v53 =	vmul.f32 v34, v31;
	v16 =	vor.u32 v15, v16;
	v50 =	vld.idx.msk [tilespmem:v60+s15+$0x0], $0xffff;
	v19 =	vadd.f32 v49, v19  }
0x174: {  	v55 =	vmul.f32 v57, v30;
	v52 =	vld.idx.msk [tilespmem:v62+s16+$0x0], $0xffff;
	v20 =	vadd.f32 v51, v20  }
0x175: {  	v54 =	vld.idx.msk [tilespmem:v42+s14+$0x0], $0xffff;
	v56 =	vmul.f32 v59, v30;
	v19 =	vadd.f32 v53, v19  }
0x176: {  	v58 =	vmul.f32 v41, v35;
	v57 =	vld.idx.msk [tilespmem:v48+s16+$0x0], $0xffff;
	v20 =	vadd.f32 v55, v20  }
0x177: {  	v18 =	vld.idx.msk [tilespmem:v18+s14+$0x0], $0xffff;
	v59 =	vmul.f32 v44, v35;
	v19 =	vadd.f32 v56, v19  }
0x178: {  	v16 =	vld.idx.msk [tilespmem:v16+s16+$0x0], $0xffff;
	v60 =	vmul.f32 v50, v47;
	v20 =	vadd.f32 v58, v20  }
0x179: {  	v61 =	vmul.f32 v52, v47;
	v19 =	vadd.f32 v59, v19  }
0x17a: {  	v62 =	vmul.f32 v25, v54;
	v20 =	vadd.f32 v60, v20  }
0x17b: {  	v63 =	vmul.f32 v57, v54;
	v19 =	vadd.f32 v61, v19  }
0x17c: {  	p0 =	sne.s32 s21, $0x7C0;
	v17 =	vmul.f32 v17, v18;
	v20 =	vadd.f32 v62, v20  }
.Ltmp0:
0x17d: {  	v16 =	vmul.f32 v16, v18;
	v19 =	vadd.f32 v63, v19;
	(pc) =	sbr.rel @p0 .LBB2_2-.Ltmp0, $4  }
0x17e: {  	v17 =	vadd.f32 v17, v20  }
0x17f: {  	v16 =	vadd.f32 v16, v19  }
0x180: {  	[tilespmem:s22+$0x18600] =	vst v17  }
0x181: {  	s21 =	sadd.s32 $0x40, s21;
	[tilespmem:s22+$0x18800] =	vst v16  }
0x182: {  	[hbm4b:s7+s2] =	stream.linear.scatter [tilespmem:s18], [sflag:$0x2], $0x200, $0x38;
	[tilespmem:$0x18A00] =	vst v63  }
0x183: {  	s20 =	sadd.s32 $0x1, s20;
	_ =	swait.ge [sflag:s10], $0x200  }
0x184: {  	p0 =	sne.s32 s20, s9;
	[sflag:s10] =	ssyncset.done $0x0  }
.Ltmp1:
0x185: {  	[sflag:s10] =	ssyncadd.s32 $0xFFFFFE00;
	(pc) =	sbr.rel @p0 .LBB2_1-.Ltmp1, $4  }
0x186: {  	[hbm4b:s8+s2] =	stream.linear.scatter [tilespmem:s19], [sflag:$0x2], $0x200, $0x38;
	[tilespmem:$0x18A00] =	vst v63  }
0x187: {  	_ =	swait.ge [sflag:s10], $0x200  }
0x188: {  	[sflag:s10] =	ssyncset.done $0x0  }
0x189: {  	[sflag:s10] =	ssyncadd.s32 $0xFFFFFE00  }
0x18a: {  	_ =	sfence.sel $0x180000  }
0x18b: {  	[bflag:$0x0] =	sbarrier.arrive $0xFFFF  }
0x18c: {  	p0 =	sne.s32 s3, $0x0;
	_ =	strace $0x90000047  }
0x18d: {  	s0 =	sadd.s32 @!p0 $0x100000, s0;
	[bflag:$0x2] =	sbarrier.arrive $0xFFFF  }
0x18e: {  	[sflag:s0] =	ssyncadd.tile.s32 @!p0 $0x1;
	_ =	shalt  }
.Lfunc_end2:
_tile_overlayer_lowered:
.L_overlay_start_2:
0x18f: {  	(tag) =	ssettag $0x2  }
0x190: {  	s0 =	rddreg [dreg:$0x0];
	s2 =	stileid.u32  }
0x191: {  	s1 =	rddreg [dreg:$0x1];
	p0 =	sne.s32 s2, $0x0  }
0x192: {  	s3 =	rddreg [dreg:$0x2];
	[bflag:$0x3] =	sbarrier.arrive $0xFFFF;
	s2 =	simm.s32 @!p0 $0x1C02  }
0x193: {  	[timem:s3], [sflag:s2] =	dma.local @!p0 [hbm:s0], s1  }
0x194: {  	s0 =	simm.s32 @!p0 $0x2  }
0x195: {  	_ =	swait.ge @!p0 [sflag:s0], s1  }
0x196: {  	s1 =	ssub.s32 @!p0 $0x0, s1;
	[sflag:s0] =	ssyncset.done @!p0 $0x0  }
0x197: {  	[sflag:s0] =	ssyncadd.s32 @!p0 s1  }
0x198: {  	[bflag:$0x3] =	sbarrier.arrive $0xFFFF  }
0x199: {  	_ =	shalt  }

</sc_bundles>
